<compile_context>
chip_gen: v7x
topology: tpu7x:2x2x1
jax: 0.10.2.dev20260603
libtpu: 0.0.44.dev20260713+nightly
codegen_flags: <defaults>
</compile_context>

<pallas_src>
import jax
import jax.numpy as jnp
from jax import lax
from jax.experimental import pallas as pl
from jax.experimental.pallas import tpu as pltpu, tpu_sc as plsc

N, E, D, H, O = 10000, 320000, 128, 128, 1
NC, NS = 2, 16
NW = NC * NS
EPW = E // NW
CW = 125
CH = EPW // CW
EPS = E // NS
CH2 = EPS // CW
HH = H // NC
NP = 10240
RPS = NP // NS
BM = 2048


def _mish(v):
    sp = jnp.maximum(v, 0.0) + jnp.log1p(jnp.exp(-jnp.abs(v)))
    return v * jnp.tanh(sp)



_MESH = plsc.VectorSubcoreMesh(core_axis_name="c", subcore_axis_name="s")


def _deg_body(dst_hbm, out_hbm, idx_d, ones_v, zbuf, acc, sem):
    c = lax.axis_index("c")
    s = lax.axis_index("s")
    wid = c * NS + s

    zeros = jnp.zeros((16,), jnp.float32)
    ones = jnp.ones((16,), jnp.float32)

    def zb(k, carry):
        zbuf[k, pl.ds(0, 16)] = zeros
        return carry

    lax.fori_loop(0, 128, zb, 0)
    for q in range(RPS // 128):
        pltpu.sync_copy(zbuf, acc.at[pl.ds(s * RPS + q * 128, 128)])

    def ob(k, carry):
        ones_v[k, pl.ds(0, 16)] = ones
        return carry

    lax.fori_loop(0, CW, ob, 0)
    plsc.subcore_barrier()

    pltpu.sync_copy(dst_hbm.at[wid], idx_d)

    def body(j, carry):
        pltpu.async_copy(ones_v, acc.at[idx_d.at[j]], sem, add=True)
        return carry

    lax.fori_loop(0, CH, body, 0)

    def drain(j, carry):
        pltpu.make_async_copy(ones_v, acc.at[idx_d.at[j]], sem).wait()
        return carry

    lax.fori_loop(0, CH, drain, 0)
    plsc.subcore_barrier()
    pltpu.sync_copy(acc.at[pl.ds(s * RPS, RPS)], out_hbm.at[c, pl.ds(s * RPS, RPS)])


_deg_call = pl.kernel(
    _deg_body,
    out_type=jax.ShapeDtypeStruct((NC, NP, 16), jnp.float32),
    mesh=_MESH,
    compiler_params=pltpu.CompilerParams(use_tc_tiling_on_sc=False),
    scratch_types=[
        pltpu.VMEM((CH, CW), jnp.int32),
        pltpu.VMEM((CW, 16), jnp.float32),
        pltpu.VMEM((128, 16), jnp.float32),
        pltpu.VMEM_SHARED((NP, 16), jnp.float32),
        pltpu.SemaphoreType.DMA,
    ],
)


_NBUF = 4


def _agg_body(t_hbm, src_hbm, dst_hbm, out_hbm, idx_s, idx_d, rows, zbuf,
              acc, sems):
    c = lax.axis_index("c")
    s = lax.axis_index("s")

    pltpu.sync_copy(src_hbm.at[s], idx_s)
    pltpu.sync_copy(dst_hbm.at[s], idx_d)
    tbl = t_hbm.at[c]

    for b in range(_NBUF):
        pltpu.async_copy(tbl.at[idx_s.at[b]], rows[b], sems[b])

    zeros = jnp.zeros((16,), jnp.float32)

    def zb(k, carry):
        zbuf[k // 4, pl.ds((k % 4) * 16, 16)] = zeros
        return carry

    lax.fori_loop(0, 128 * (HH // 16), zb, 0)
    for q in range(RPS // 128):
        pltpu.sync_copy(zbuf, acc.at[pl.ds(s * RPS + q * 128, 128)])
    plsc.subcore_barrier()

    def body(jj, carry):
        j = _NBUF * jj
        for b in range(_NBUF):
            jb = j + b
            pltpu.make_async_copy(tbl.at[idx_s.at[jb]], rows[b], sems[b]).wait()
            pltpu.sync_copy(rows[b], acc.at[idx_d.at[jb]], add=True)

            @pl.when(jb + _NBUF < CH2)
            def _next():
                pltpu.async_copy(tbl.at[idx_s.at[jb + _NBUF]], rows[b], sems[b])

        return carry

    lax.fori_loop(0, CH2 // _NBUF, body, 0)
    plsc.subcore_barrier()
    pltpu.sync_copy(acc.at[pl.ds(s * RPS, RPS)], out_hbm.at[c, pl.ds(s * RPS, RPS)])


_agg_call = pl.kernel(
    _agg_body,
    out_type=jax.ShapeDtypeStruct((NC, NP, HH), jnp.float32),
    mesh=_MESH,
    compiler_params=pltpu.CompilerParams(use_tc_tiling_on_sc=False),
    scratch_types=[
        pltpu.VMEM((CH2, CW), jnp.int32),
        pltpu.VMEM((CH2, CW), jnp.int32),
        [pltpu.VMEM((CW, HH), jnp.float32) for _ in range(_NBUF)],
        pltpu.VMEM((128, HH), jnp.float32),
        pltpu.VMEM_SHARED((NP, HH), jnp.float32),
        [pltpu.SemaphoreType.DMA for _ in range(_NBUF)],
    ],
)




def _dual_mm(h, dinv, wg_ref, wl_ref, bl_ref, t_ref, u_ref):
    t = dinv * jnp.dot(h, wg_ref[...], preferred_element_type=jnp.float32)
    t_ref[0] = t[:, :HH]
    t_ref[1] = t[:, HH:]
    u_ref[...] = (
        jnp.dot(h, wl_ref[...], preferred_element_type=jnp.float32)
        + bl_ref[...]
        + dinv * t
    )


def _pre_body(x_ref, w_ref, b_ref, degp_ref, wg_ref, wl_ref, bl_ref,
              t_ref, u_ref, dinv_ref):
    h = _mish(
        jnp.dot(x_ref[...], w_ref[...], preferred_element_type=jnp.float32)
        + b_ref[...]
    )
    deg = degp_ref[0, :, 0] + degp_ref[1, :, 0] + 1.0
    dinv = lax.rsqrt(deg)[:, None]
    dinv_ref[...] = dinv
    _dual_mm(h, dinv, wg_ref, wl_ref, bl_ref, t_ref, u_ref)


def _tc_pre(x, w, b, degp, wg, wl, bl):
    return pl.pallas_call(
        _pre_body,
        grid=(pl.cdiv(N, BM),),
        in_specs=[
            pl.BlockSpec((BM, D), lambda i: (i, 0)),
            pl.BlockSpec((D, H), lambda i: (0, 0)),
            pl.BlockSpec((1, H), lambda i: (0, 0)),
            pl.BlockSpec((NC, BM, 16), lambda i: (0, i, 0)),
            pl.BlockSpec((H, H), lambda i: (0, 0)),
            pl.BlockSpec((H, H), lambda i: (0, 0)),
            pl.BlockSpec((1, H), lambda i: (0, 0)),
        ],
        out_specs=[
            pl.BlockSpec((NC, BM, HH), lambda i: (0, i, 0)),
            pl.BlockSpec((BM, H), lambda i: (i, 0)),
            pl.BlockSpec((BM, 1), lambda i: (i, 0)),
        ],
        out_shape=[
            jax.ShapeDtypeStruct((NC, N, HH), jnp.float32),
            jax.ShapeDtypeStruct((N, H), jnp.float32),
            jax.ShapeDtypeStruct((N, 1), jnp.float32),
        ],
    )(x, w, b, degp, wg, wl, bl)


def _combine(a_ref, u_ref, dinv_ref, bg_ref):
    agg = jnp.concatenate([a_ref[0], a_ref[1]], axis=-1)
    return _mish(dinv_ref[...] * agg + bg_ref[...] + u_ref[...])


def _comb_mm_body(a_ref, u_ref, dinv_ref, bg_ref, wg_ref, wl_ref, bl_ref,
                  t2_ref, u2_ref):
    h = _combine(a_ref, u_ref, dinv_ref, bg_ref)
    _dual_mm(h, dinv_ref[...], wg_ref, wl_ref, bl_ref, t2_ref, u2_ref)


def _tc_comb_mm(a, u, dinv, bg, wg, wl, bl):
    return pl.pallas_call(
        _comb_mm_body,
        grid=(pl.cdiv(N, BM),),
        in_specs=[
            pl.BlockSpec((NC, BM, HH), lambda i: (0, i, 0)),
            pl.BlockSpec((BM, H), lambda i: (i, 0)),
            pl.BlockSpec((BM, 1), lambda i: (i, 0)),
            pl.BlockSpec((1, H), lambda i: (0, 0)),
            pl.BlockSpec((H, H), lambda i: (0, 0)),
            pl.BlockSpec((H, H), lambda i: (0, 0)),
            pl.BlockSpec((1, H), lambda i: (0, 0)),
        ],
        out_specs=[
            pl.BlockSpec((NC, BM, HH), lambda i: (0, i, 0)),
            pl.BlockSpec((BM, H), lambda i: (i, 0)),
        ],
        out_shape=[
            jax.ShapeDtypeStruct((NC, N, HH), jnp.float32),
            jax.ShapeDtypeStruct((N, H), jnp.float32),
        ],
    )(a, u, dinv, bg, wg, wl, bl)


def _comb_post_body(a_ref, u_ref, dinv_ref, bg_ref, wp_ref, bp_ref, o_ref):
    h = _combine(a_ref, u_ref, dinv_ref, bg_ref)
    o_ref[...] = (
        jnp.dot(h, wp_ref[...], preferred_element_type=jnp.float32) + bp_ref[...]
    )


def _tc_comb_post(a, u, dinv, bg, wp, bp):
    return pl.pallas_call(
        _comb_post_body,
        grid=(pl.cdiv(N, BM),),
        in_specs=[
            pl.BlockSpec((NC, BM, HH), lambda i: (0, i, 0)),
            pl.BlockSpec((BM, H), lambda i: (i, 0)),
            pl.BlockSpec((BM, 1), lambda i: (i, 0)),
            pl.BlockSpec((1, H), lambda i: (0, 0)),
            pl.BlockSpec((H, O), lambda i: (0, 0)),
            pl.BlockSpec((1, O), lambda i: (0, 0)),
        ],
        out_specs=pl.BlockSpec((BM, O), lambda i: (i, 0)),
        out_shape=jax.ShapeDtypeStruct((N, O), jnp.float32),
    )(a, u, dinv, bg, wp, bp)




def kernel(x, edge_index, W_pre, b_pre, Wg0, bg0, Wl0, bl0, Wg1, bg1, Wl1, bl1,
           Wg2, bg2, Wl2, bl2, W_post, b_post):
    src = edge_index[0].reshape(NS, CH2, CW)
    dst = edge_index[1].reshape(NS, CH2, CW)
    dstd = edge_index[1].reshape(NW, CH, CW)

    degp = _deg_call(dstd)
    T, U, dinv = _tc_pre(x, W_pre, b_pre.reshape(1, H), degp,
                         Wg0, Wl0, bl0.reshape(1, H))
    A = _agg_call(T, src, dst)
    for bg, Wg, Wl, bl in ((bg0, Wg1, Wl1, bl1), (bg1, Wg2, Wl2, bl2)):
        T, U = _tc_comb_mm(A, U, dinv, bg.reshape(1, H),
                           Wg, Wl, bl.reshape(1, H))
        A = _agg_call(T, src, dst)
    return _tc_comb_post(A, U, dinv, bg2.reshape(1, H),
                         W_post, b_post.reshape(1, O))

# --- scband reference (transcript-rebuilt; emitter-appended) ---
"""Pipeline reference for scband-gnnregression-with-skip-connections-84301618086373 (READ-ONLY COPY).

The authoritative reference and input builder live on the scoring server;
editing this copy changes nothing except your own understanding.
"""

import jax, jax.numpy as jnp
import numpy as np

N, E, D, H, O, L = 10000, 320000, 128, 128, 1, 3

def mish(x):
    return x * jnp.tanh(jax.nn.softplus(x))

def gcn_conv(x, edge_index, W, b):
    n = x.shape[0]
    loop = jnp.arange(n, dtype=edge_index.dtype)
    src = jnp.concatenate([edge_index[0], loop])
    dst = jnp.concatenate([edge_index[1], loop])
    deg = jnp.zeros((n,), dtype=x.dtype).at[dst].add(1.0)
    dinv = jnp.where(deg > 0, jax.lax.rsqrt(deg), 0.0)
    norm = dinv[src] * dinv[dst]
    h = x @ W
    msg = h[src] * norm[:, None]
    out = jnp.zeros((n, W.shape[1]), dtype=x.dtype).at[dst].add(msg)
    return out + b

def setup_inputs(seed: int = 0):
    key = jax.random.key(seed)
    ks = jax.random.split(key, 16)
    inp = {}
    inp['x'] = jax.random.normal(ks[0], (N, D), dtype=jnp.float32)
    inp['edge_index'] = jax.random.randint(ks[1], (2, E), 0, N, dtype=jnp.int32)
    inp['W_pre'] = jax.random.normal(ks[2], (D, H), dtype=jnp.float32) * 0.05
    inp['b_pre'] = jnp.zeros((H,), dtype=jnp.float32)
    for i in range(L):
        inp['Wg%d' % i] = jax.random.normal(ks[3 + 4 * i], (H, H), dtype=jnp.float32) * 0.05
        inp['bg%d' % i] = jnp.zeros((H,), dtype=jnp.float32)
        inp['Wl%d' % i] = jax.random.normal(ks[4 + 4 * i], (H, H), dtype=jnp.float32) * 0.05
        inp['bl%d' % i] = jnp.zeros((H,), dtype=jnp.float32)
    inp['W_post'] = jax.random.normal(ks[15], (H, O), dtype=jnp.float32) * 0.05
    inp['b_post'] = jnp.zeros((O,), dtype=jnp.float32)
    return inp

def reference(x, edge_index, W_pre, b_pre, Wg0, bg0, Wl0, bl0, Wg1, bg1, Wl1, bl1, Wg2, bg2, Wl2, bl2, W_post, b_post):
    h = mish(x @ W_pre + b_pre)
    for Wg, bg, Wl, bl in ((Wg0, bg0, Wl0, bl0), (Wg1, bg1, Wl1, bl1), (Wg2, bg2, Wl2, bl2)):
        h = mish(gcn_conv(h, edge_index, Wg, bg) + (h @ Wl + bl))
    return h @ W_post + b_post

if __name__ == "__main__":
    import jax
    _d = setup_inputs()
    print(jax.jit(kernel)(*tuple(_d.values())))

</pallas_src>

<mosaic_0001>
#map = affine_map<(d0, d1) -> (0, 0, 0)>
module attributes {stable_mosaic.version = 14 : i64} {
  func.func @_agg_body(%arg0: i32, %arg1: i32, %arg2: memref<2x10000x64xf32, #tpu.memory_space<hbm>>, %arg3: memref<16x160x125xi32, #tpu.memory_space<hbm>>, %arg4: memref<16x160x125xi32, #tpu.memory_space<hbm>>, %arg5: memref<2x10240x64xf32, #tpu.memory_space<hbm>>, %arg6: memref<160x125xi32, #tpu.memory_space<vmem>>, %arg7: memref<160x125xi32, #tpu.memory_space<vmem>>, %arg8: memref<125x64xf32, #tpu.memory_space<vmem>>, %arg9: memref<125x64xf32, #tpu.memory_space<vmem>>, %arg10: memref<125x64xf32, #tpu.memory_space<vmem>>, %arg11: memref<125x64xf32, #tpu.memory_space<vmem>>, %arg12: memref<128x64xf32, #tpu.memory_space<vmem>>, %arg13: memref<10240x64xf32, #tpu.memory_space<vmem_shared>>, %arg14: memref<!tpu.dma_semaphore, #tpu.memory_space<semaphore_mem>>, %arg15: memref<!tpu.dma_semaphore, #tpu.memory_space<semaphore_mem>>, %arg16: memref<!tpu.dma_semaphore, #tpu.memory_space<semaphore_mem>>, %arg17: memref<!tpu.dma_semaphore, #tpu.memory_space<semaphore_mem>>) attributes {dimension_semantics = [#tpu.dimension_semantics<core_parallel>, #tpu.dimension_semantics<subcore_parallel>], iteration_bounds = array<i64: 2, 16>, scalar_prefetch = 0 : i64, scratch_operands = 12 : i64, tpu.core_type = #tpu.core_type<sc_vector_subcore>, window_params = [{transform_indices = #map}, {transform_indices = #map}, {transform_indices = #map}, {transform_indices = #map}]} {
    "tpu.region"() ({
      %run_scoped3A = tpu.sem_alloc : memref<!tpu.dma_semaphore, #tpu.memory_space<semaphore_mem>>
      %dma_start3A_78 = arith.constant 0 : i32
      %dma_start3A_79 = arith.constant 0 : i32
      %dma_start3A_80 = tpu.memref_slice %arg3[%arg1, %dma_start3A_78, %dma_start3A_79] : memref<16x160x125xi32, #tpu.memory_space<hbm>> -> memref<1x160x125xi32, #tpu.memory_space<hbm>>
      %dma_start3A_81 = tpu.memref_squeeze %dma_start3A_80 : memref<1x160x125xi32, #tpu.memory_space<hbm>> -> memref<160x125xi32, #tpu.memory_space<hbm>>
      %dma_start3A_82 = arith.constant 0 : i32
      %dma_start3A_83 = arith.constant 0 : i32
      %dma_start3A_84 = tpu.memref_slice %arg3[%arg1, %dma_start3A_82, %dma_start3A_83] : memref<16x160x125xi32, #tpu.memory_space<hbm>> -> memref<1x160x125xi32, #tpu.memory_space<hbm>>
      %dma_start3A_85 = tpu.memref_squeeze %dma_start3A_84 : memref<1x160x125xi32, #tpu.memory_space<hbm>> -> memref<160x125xi32, #tpu.memory_space<hbm>>
      tpu.enqueue_dma source(%dma_start3A_85 : memref<160x125xi32, #tpu.memory_space<hbm>>) target(%arg6 : memref<160x125xi32, #tpu.memory_space<vmem>>) target_semaphore(%run_scoped3A : memref<!tpu.dma_semaphore, #tpu.memory_space<semaphore_mem>>)
      %dma_wait3A = arith.constant 0 : i32
      %dma_wait3A_86 = arith.constant 0 : i32
      %dma_wait3A_87 = tpu.memref_slice %arg3[%arg1, %dma_wait3A, %dma_wait3A_86] : memref<16x160x125xi32, #tpu.memory_space<hbm>> -> memref<1x160x125xi32, #tpu.memory_space<hbm>>
      %dma_wait3A_88 = tpu.memref_squeeze %dma_wait3A_87 : memref<1x160x125xi32, #tpu.memory_space<hbm>> -> memref<160x125xi32, #tpu.memory_space<hbm>>
      %dma_wait3A_89 = arith.constant 0 : i32
      %dma_wait3A_90 = arith.constant 0 : i32
      %dma_wait3A_91 = tpu.memref_slice %arg3[%arg1, %dma_wait3A_89, %dma_wait3A_90] : memref<16x160x125xi32, #tpu.memory_space<hbm>> -> memref<1x160x125xi32, #tpu.memory_space<hbm>>
      %dma_wait3A_92 = tpu.memref_squeeze %dma_wait3A_91 : memref<1x160x125xi32, #tpu.memory_space<hbm>> -> memref<160x125xi32, #tpu.memory_space<hbm>>
      tpu.wait_dma2 semaphore(%run_scoped3A : memref<!tpu.dma_semaphore, #tpu.memory_space<semaphore_mem>>) src(%dma_wait3A_92 : memref<160x125xi32, #tpu.memory_space<hbm>>) dst(%arg6 : memref<160x125xi32, #tpu.memory_space<vmem>>)
      tpu.yield
    }) : () -> ()
    "tpu.region"() ({
      %run_scoped3A = tpu.sem_alloc : memref<!tpu.dma_semaphore, #tpu.memory_space<semaphore_mem>>
      %dma_start3A_78 = arith.constant 0 : i32
      %dma_start3A_79 = arith.constant 0 : i32
      %dma_start3A_80 = tpu.memref_slice %arg4[%arg1, %dma_start3A_78, %dma_start3A_79] : memref<16x160x125xi32, #tpu.memory_space<hbm>> -> memref<1x160x125xi32, #tpu.memory_space<hbm>>
      %dma_start3A_81 = tpu.memref_squeeze %dma_start3A_80 : memref<1x160x125xi32, #tpu.memory_space<hbm>> -> memref<160x125xi32, #tpu.memory_space<hbm>>
      %dma_start3A_82 = arith.constant 0 : i32
      %dma_start3A_83 = arith.constant 0 : i32
      %dma_start3A_84 = tpu.memref_slice %arg4[%arg1, %dma_start3A_82, %dma_start3A_83] : memref<16x160x125xi32, #tpu.memory_space<hbm>> -> memref<1x160x125xi32, #tpu.memory_space<hbm>>
      %dma_start3A_85 = tpu.memref_squeeze %dma_start3A_84 : memref<1x160x125xi32, #tpu.memory_space<hbm>> -> memref<160x125xi32, #tpu.memory_space<hbm>>
      tpu.enqueue_dma source(%dma_start3A_85 : memref<160x125xi32, #tpu.memory_space<hbm>>) target(%arg7 : memref<160x125xi32, #tpu.memory_space<vmem>>) target_semaphore(%run_scoped3A : memref<!tpu.dma_semaphore, #tpu.memory_space<semaphore_mem>>)
      %dma_wait3A = arith.constant 0 : i32
      %dma_wait3A_86 = arith.constant 0 : i32
      %dma_wait3A_87 = tpu.memref_slice %arg4[%arg1, %dma_wait3A, %dma_wait3A_86] : memref<16x160x125xi32, #tpu.memory_space<hbm>> -> memref<1x160x125xi32, #tpu.memory_space<hbm>>
      %dma_wait3A_88 = tpu.memref_squeeze %dma_wait3A_87 : memref<1x160x125xi32, #tpu.memory_space<hbm>> -> memref<160x125xi32, #tpu.memory_space<hbm>>
      %dma_wait3A_89 = arith.constant 0 : i32
      %dma_wait3A_90 = arith.constant 0 : i32
      %dma_wait3A_91 = tpu.memref_slice %arg4[%arg1, %dma_wait3A_89, %dma_wait3A_90] : memref<16x160x125xi32, #tpu.memory_space<hbm>> -> memref<1x160x125xi32, #tpu.memory_space<hbm>>
      %dma_wait3A_92 = tpu.memref_squeeze %dma_wait3A_91 : memref<1x160x125xi32, #tpu.memory_space<hbm>> -> memref<160x125xi32, #tpu.memory_space<hbm>>
      tpu.wait_dma2 semaphore(%run_scoped3A : memref<!tpu.dma_semaphore, #tpu.memory_space<semaphore_mem>>) src(%dma_wait3A_92 : memref<160x125xi32, #tpu.memory_space<hbm>>) dst(%arg7 : memref<160x125xi32, #tpu.memory_space<vmem>>)
      tpu.yield
    }) : () -> ()
    %dma_start3A = arith.constant 0 : i32
    %dma_start3A_0 = arith.constant 0 : i32
    %dma_start3A_1 = tpu.memref_slice %arg6[%dma_start3A, %dma_start3A_0] : memref<160x125xi32, #tpu.memory_space<vmem>> -> memref<1x125xi32, #tpu.memory_space<vmem>>
    %dma_start3A_2 = tpu.memref_squeeze %dma_start3A_1 : memref<1x125xi32, #tpu.memory_space<vmem>> -> memref<125xi32, #tpu.memory_space<vmem>>
    %dma_start3A_3 = arith.constant 0 : i32
    %dma_start3A_4 = arith.constant 0 : i32
    %dma_start3A_5 = tpu.memref_slice %arg2[%arg0, %dma_start3A_3, %dma_start3A_4] : memref<2x10000x64xf32, #tpu.memory_space<hbm>> -> memref<1x10000x64xf32, #tpu.memory_space<hbm>>
    %dma_start3A_6 = tpu.memref_squeeze %dma_start3A_5 : memref<1x10000x64xf32, #tpu.memory_space<hbm>> -> memref<10000x64xf32, #tpu.memory_space<hbm>>
    %dma_start3A_7 = arith.constant 0 : i32
    %dma_start3A_8 = arith.constant 0 : i32
    %dma_start3A_9 = tpu.memref_slice %dma_start3A_6[%dma_start3A_7, %dma_start3A_8] : memref<10000x64xf32, #tpu.memory_space<hbm>> -> memref<10000x64xf32, #tpu.memory_space<hbm>>
    tpu.enqueue_indirect_dma source(%dma_start3A_9 : memref<10000x64xf32, #tpu.memory_space<hbm>>) target(%arg8 : memref<125x64xf32, #tpu.memory_space<vmem>>) offsets(%dma_start3A_2 : memref<125xi32, #tpu.memory_space<vmem>>) semaphore(%arg14 : memref<!tpu.dma_semaphore, #tpu.memory_space<semaphore_mem>>)
    %dma_start3A_10 = arith.constant 1 : i32
    %dma_start3A_11 = arith.constant 0 : i32
    %dma_start3A_12 = tpu.memref_slice %arg6[%dma_start3A_10, %dma_start3A_11] : memref<160x125xi32, #tpu.memory_space<vmem>> -> memref<1x125xi32, #tpu.memory_space<vmem>>
    %dma_start3A_13 = tpu.memref_squeeze %dma_start3A_12 : memref<1x125xi32, #tpu.memory_space<vmem>> -> memref<125xi32, #tpu.memory_space<vmem>>
    %dma_start3A_14 = arith.constant 0 : i32
    %dma_start3A_15 = arith.constant 0 : i32
    %dma_start3A_16 = tpu.memref_slice %arg2[%arg0, %dma_start3A_14, %dma_start3A_15] : memref<2x10000x64xf32, #tpu.memory_space<hbm>> -> memref<1x10000x64xf32, #tpu.memory_space<hbm>>
    %dma_start3A_17 = tpu.memref_squeeze %dma_start3A_16 : memref<1x10000x64xf32, #tpu.memory_space<hbm>> -> memref<10000x64xf32, #tpu.memory_space<hbm>>
    %dma_start3A_18 = arith.constant 0 : i32
    %dma_start3A_19 = arith.constant 0 : i32
    %dma_start3A_20 = tpu.memref_slice %dma_start3A_17[%dma_start3A_18, %dma_start3A_19] : memref<10000x64xf32, #tpu.memory_space<hbm>> -> memref<10000x64xf32, #tpu.memory_space<hbm>>
    tpu.enqueue_indirect_dma source(%dma_start3A_20 : memref<10000x64xf32, #tpu.memory_space<hbm>>) target(%arg9 : memref<125x64xf32, #tpu.memory_space<vmem>>) offsets(%dma_start3A_13 : memref<125xi32, #tpu.memory_space<vmem>>) semaphore(%arg15 : memref<!tpu.dma_semaphore, #tpu.memory_space<semaphore_mem>>)
    %dma_start3A_21 = arith.constant 2 : i32
    %dma_start3A_22 = arith.constant 0 : i32
    %dma_start3A_23 = tpu.memref_slice %arg6[%dma_start3A_21, %dma_start3A_22] : memref<160x125xi32, #tpu.memory_space<vmem>> -> memref<1x125xi32, #tpu.memory_space<vmem>>
    %dma_start3A_24 = tpu.memref_squeeze %dma_start3A_23 : memref<1x125xi32, #tpu.memory_space<vmem>> -> memref<125xi32, #tpu.memory_space<vmem>>
    %dma_start3A_25 = arith.constant 0 : i32
    %dma_start3A_26 = arith.constant 0 : i32
    %dma_start3A_27 = tpu.memref_slice %arg2[%arg0, %dma_start3A_25, %dma_start3A_26] : memref<2x10000x64xf32, #tpu.memory_space<hbm>> -> memref<1x10000x64xf32, #tpu.memory_space<hbm>>
    %dma_start3A_28 = tpu.memref_squeeze %dma_start3A_27 : memref<1x10000x64xf32, #tpu.memory_space<hbm>> -> memref<10000x64xf32, #tpu.memory_space<hbm>>
    %dma_start3A_29 = arith.constant 0 : i32
    %dma_start3A_30 = arith.constant 0 : i32
    %dma_start3A_31 = tpu.memref_slice %dma_start3A_28[%dma_start3A_29, %dma_start3A_30] : memref<10000x64xf32, #tpu.memory_space<hbm>> -> memref<10000x64xf32, #tpu.memory_space<hbm>>
    tpu.enqueue_indirect_dma source(%dma_start3A_31 : memref<10000x64xf32, #tpu.memory_space<hbm>>) target(%arg10 : memref<125x64xf32, #tpu.memory_space<vmem>>) offsets(%dma_start3A_24 : memref<125xi32, #tpu.memory_space<vmem>>) semaphore(%arg16 : memref<!tpu.dma_semaphore, #tpu.memory_space<semaphore_mem>>)
    %dma_start3A_32 = arith.constant 3 : i32
    %dma_start3A_33 = arith.constant 0 : i32
    %dma_start3A_34 = tpu.memref_slice %arg6[%dma_start3A_32, %dma_start3A_33] : memref<160x125xi32, #tpu.memory_space<vmem>> -> memref<1x125xi32, #tpu.memory_space<vmem>>
    %dma_start3A_35 = tpu.memref_squeeze %dma_start3A_34 : memref<1x125xi32, #tpu.memory_space<vmem>> -> memref<125xi32, #tpu.memory_space<vmem>>
    %dma_start3A_36 = arith.constant 0 : i32
    %dma_start3A_37 = arith.constant 0 : i32
    %dma_start3A_38 = tpu.memref_slice %arg2[%arg0, %dma_start3A_36, %dma_start3A_37] : memref<2x10000x64xf32, #tpu.memory_space<hbm>> -> memref<1x10000x64xf32, #tpu.memory_space<hbm>>
    %dma_start3A_39 = tpu.memref_squeeze %dma_start3A_38 : memref<1x10000x64xf32, #tpu.memory_space<hbm>> -> memref<10000x64xf32, #tpu.memory_space<hbm>>
    %dma_start3A_40 = arith.constant 0 : i32
    %dma_start3A_41 = arith.constant 0 : i32
    %dma_start3A_42 = tpu.memref_slice %dma_start3A_39[%dma_start3A_40, %dma_start3A_41] : memref<10000x64xf32, #tpu.memory_space<hbm>> -> memref<10000x64xf32, #tpu.memory_space<hbm>>
    tpu.enqueue_indirect_dma source(%dma_start3A_42 : memref<10000x64xf32, #tpu.memory_space<hbm>>) target(%arg11 : memref<125x64xf32, #tpu.memory_space<vmem>>) offsets(%dma_start3A_35 : memref<125xi32, #tpu.memory_space<vmem>>) semaphore(%arg17 : memref<!tpu.dma_semaphore, #tpu.memory_space<semaphore_mem>>)
    %broadcast_in_dim3A = arith.constant 0.000000e+00 : f32
    %broadcast_in_dim3A_43 = vector.broadcast %broadcast_in_dim3A : f32 to vector<16xf32>
    %scan3A = arith.constant 0 : i32
    %scan3A_44 = arith.constant 0 : i32
    %scan3A_45 = arith.constant 512 : i32
    %scan3A_46 = arith.addi %scan3A_44, %scan3A_45 : i32
    %scan3A_47 = arith.constant 1 : i32
    scf.for %scan3A_78 = %scan3A_44 to %scan3A_46 step %scan3A_47  : i32 {
      %jit3A = arith.constant 4 : i32
      %div3A = arith.divsi %scan3A_78, %jit3A : i32
      %sign3A = arith.constant 0 : i32
      %sign3A_79 = arith.cmpi sgt, %scan3A_78, %sign3A : i32
      %sign3A_80 = arith.extui %sign3A_79 : i1 to i32
      %sign3A_81 = arith.constant 0 : i32
      %sign3A_82 = arith.cmpi slt, %scan3A_78, %sign3A_81 : i32
      %sign3A_83 = arith.extui %sign3A_82 : i1 to i32
      %sign3A_84 = arith.subi %sign3A_80, %sign3A_83 : i32
      %sign3A_85 = arith.constant 0 : i32
      %sign3A_86 = arith.cmpi sgt, %jit3A, %sign3A_85 : i32
      %sign3A_87 = arith.extui %sign3A_86 : i1 to i32
      %sign3A_88 = arith.constant 0 : i32
      %sign3A_89 = arith.cmpi slt, %jit3A, %sign3A_88 : i32
      %sign3A_90 = arith.extui %sign3A_89 : i1 to i32
      %sign3A_91 = arith.subi %sign3A_87, %sign3A_90 : i32
      %ne3A = arith.cmpi ne, %sign3A_84, %sign3A_91 : i32
      %rem3A = arith.remsi %scan3A_78, %jit3A : i32
      %ne3A_92 = arith.constant 0 : i32
      %ne3A_93 = arith.cmpi ne, %rem3A, %ne3A_92 : i32
      %and3A = arith.andi %ne3A, %ne3A_93 : i1
      %sub3A = arith.constant 1 : i32
      %sub3A_94 = arith.subi %div3A, %sub3A : i32
      %select_n3A = arith.select %and3A, %sub3A_94, %div3A : i32
      %jit3A_95 = arith.constant 4 : i32
      %eq3A = arith.constant 0 : i32
      %eq3A_96 = arith.cmpi eq, %jit3A_95, %eq3A : i32
      %jit3A_97 = arith.constant 1 : i32
      %select_n3A_98 = arith.select %eq3A_96, %jit3A_97, %jit3A_95 : i32
      %rem3A_99 = arith.remsi %scan3A_78, %select_n3A_98 : i32
      %ne3A_100 = arith.constant 0 : i32
      %ne3A_101 = arith.cmpi ne, %rem3A_99, %ne3A_100 : i32
      %lt3A = arith.constant 0 : i32
      %lt3A_102 = arith.cmpi slt, %rem3A_99, %lt3A : i32
      %lt3A_103 = arith.constant 0 : i32
      %lt3A_104 = arith.cmpi slt, %select_n3A_98, %lt3A_103 : i32
      %ne3A_105 = arith.xori %lt3A_102, %lt3A_104 : i1
      %and3A_106 = arith.andi %ne3A_105, %ne3A_101 : i1
      %add3A_107 = arith.addi %rem3A_99, %select_n3A_98 : i32
      %select_n3A_108 = arith.select %and3A_106, %add3A_107, %rem3A_99 : i32
      %mul3A_109 = arith.constant 16 : i32
      %mul3A_110 = arith.muli %select_n3A_108, %mul3A_109 : i32
      %swap3A = arith.index_cast %select_n3A : i32 to index
      %swap3A_111 = arith.index_cast %mul3A_110 : i32 to index
      %swap3A_112 = tpu.vector_load %arg12[%swap3A, %swap3A_111] {strides = array<i32>} : memref<128x64xf32, #tpu.memory_space<vmem>>, vector<1x16xf32>,
      %swap3A_113 = vector.shape_cast %swap3A_112 : vector<1x16xf32> to vector<16xf32>
      %swap3A_114 = vector.shape_cast %broadcast_in_dim3A_43 : vector<16xf32> to vector<1x16xf32>
      tpu.vector_store %arg12[%swap3A, %swap3A_111], %swap3A_114 {strides = array<i32>} : memref<128x64xf32, #tpu.memory_space<vmem>>, vector<1x16xf32>,
    }
    %scan3A_48 = arith.constant 512 : i32
    %mul3A = arith.constant 640 : i32
    %mul3A_49 = arith.muli %arg1, %mul3A : i32
    %add3A = arith.constant 0 : i32
    %add3A_50 = arith.addi %mul3A_49, %add3A : i32
    "tpu.region"() ({
      %run_scoped3A = tpu.sem_alloc : memref<!tpu.dma_semaphore, #tpu.memory_space<semaphore_mem>>
      %dma_start3A_78 = arith.constant 0 : i32
      %dma_start3A_79 = tpu.memref_slice %arg13[%add3A_50, %dma_start3A_78] : memref<10240x64xf32, #tpu.memory_space<vmem_shared>> -> memref<128x64xf32, #tpu.memory_space<vmem_shared>>
      %dma_start3A_80 = arith.constant 0 : i32
      %dma_start3A_81 = tpu.memref_slice %arg13[%add3A_50, %dma_start3A_80] : memref<10240x64xf32, #tpu.memory_space<vmem_shared>> -> memref<128x64xf32, #tpu.memory_space<vmem_shared>>
      tpu.enqueue_dma source(%arg12 : memref<128x64xf32, #tpu.memory_space<vmem>>) target(%dma_start3A_81 : memref<128x64xf32, #tpu.memory_space<vmem_shared>>) target_semaphore(%run_scoped3A : memref<!tpu.dma_semaphore, #tpu.memory_space<semaphore_mem>>)
      %dma_wait3A = arith.constant 0 : i32
      %dma_wait3A_82 = tpu.memref_slice %arg13[%add3A_50, %dma_wait3A] : memref<10240x64xf32, #tpu.memory_space<vmem_shared>> -> memref<128x64xf32, #tpu.memory_space<vmem_shared>>
      %dma_wait3A_83 = arith.constant 0 : i32
      %dma_wait3A_84 = tpu.memref_slice %arg13[%add3A_50, %dma_wait3A_83] : memref<10240x64xf32, #tpu.memory_space<vmem_shared>> -> memref<128x64xf32, #tpu.memory_space<vmem_shared>>
      tpu.wait_dma2 semaphore(%run_scoped3A : memref<!tpu.dma_semaphore, #tpu.memory_space<semaphore_mem>>) src(%arg12 : memref<128x64xf32, #tpu.memory_space<vmem>>) dst(%dma_wait3A_84 : memref<128x64xf32, #tpu.memory_space<vmem_shared>>)
      tpu.yield
    }) : () -> ()
    %mul3A_51 = arith.constant 640 : i32
    %mul3A_52 = arith.muli %arg1, %mul3A_51 : i32
    %add3A_53 = arith.constant 128 : i32
    %add3A_54 = arith.addi %mul3A_52, %add3A_53 : i32
    "tpu.region"() ({
      %run_scoped3A = tpu.sem_alloc : memref<!tpu.dma_semaphore, #tpu.memory_space<semaphore_mem>>
      %dma_start3A_78 = arith.constant 0 : i32
      %dma_start3A_79 = tpu.memref_slice %arg13[%add3A_54, %dma_start3A_78] : memref<10240x64xf32, #tpu.memory_space<vmem_shared>> -> memref<128x64xf32, #tpu.memory_space<vmem_shared>>
      %dma_start3A_80 = arith.constant 0 : i32
      %dma_start3A_81 = tpu.memref_slice %arg13[%add3A_54, %dma_start3A_80] : memref<10240x64xf32, #tpu.memory_space<vmem_shared>> -> memref<128x64xf32, #tpu.memory_space<vmem_shared>>
      tpu.enqueue_dma source(%arg12 : memref<128x64xf32, #tpu.memory_space<vmem>>) target(%dma_start3A_81 : memref<128x64xf32, #tpu.memory_space<vmem_shared>>) target_semaphore(%run_scoped3A : memref<!tpu.dma_semaphore, #tpu.memory_space<semaphore_mem>>)
      %dma_wait3A = arith.constant 0 : i32
      %dma_wait3A_82 = tpu.memref_slice %arg13[%add3A_54, %dma_wait3A] : memref<10240x64xf32, #tpu.memory_space<vmem_shared>> -> memref<128x64xf32, #tpu.memory_space<vmem_shared>>
      %dma_wait3A_83 = arith.constant 0 : i32
      %dma_wait3A_84 = tpu.memref_slice %arg13[%add3A_54, %dma_wait3A_83] : memref<10240x64xf32, #tpu.memory_space<vmem_shared>> -> memref<128x64xf32, #tpu.memory_space<vmem_shared>>
      tpu.wait_dma2 semaphore(%run_scoped3A : memref<!tpu.dma_semaphore, #tpu.memory_space<semaphore_mem>>) src(%arg12 : memref<128x64xf32, #tpu.memory_space<vmem>>) dst(%dma_wait3A_84 : memref<128x64xf32, #tpu.memory_space<vmem_shared>>)
      tpu.yield
    }) : () -> ()
    %mul3A_55 = arith.constant 640 : i32
    %mul3A_56 = arith.muli %arg1, %mul3A_55 : i32
    %add3A_57 = arith.constant 256 : i32
    %add3A_58 = arith.addi %mul3A_56, %add3A_57 : i32
    "tpu.region"() ({
      %run_scoped3A = tpu.sem_alloc : memref<!tpu.dma_semaphore, #tpu.memory_space<semaphore_mem>>
      %dma_start3A_78 = arith.constant 0 : i32
      %dma_start3A_79 = tpu.memref_slice %arg13[%add3A_58, %dma_start3A_78] : memref<10240x64xf32, #tpu.memory_space<vmem_shared>> -> memref<128x64xf32, #tpu.memory_space<vmem_shared>>
      %dma_start3A_80 = arith.constant 0 : i32
      %dma_start3A_81 = tpu.memref_slice %arg13[%add3A_58, %dma_start3A_80] : memref<10240x64xf32, #tpu.memory_space<vmem_shared>> -> memref<128x64xf32, #tpu.memory_space<vmem_shared>>
      tpu.enqueue_dma source(%arg12 : memref<128x64xf32, #tpu.memory_space<vmem>>) target(%dma_start3A_81 : memref<128x64xf32, #tpu.memory_space<vmem_shared>>) target_semaphore(%run_scoped3A : memref<!tpu.dma_semaphore, #tpu.memory_space<semaphore_mem>>)
      %dma_wait3A = arith.constant 0 : i32
      %dma_wait3A_82 = tpu.memref_slice %arg13[%add3A_58, %dma_wait3A] : memref<10240x64xf32, #tpu.memory_space<vmem_shared>> -> memref<128x64xf32, #tpu.memory_space<vmem_shared>>
      %dma_wait3A_83 = arith.constant 0 : i32
      %dma_wait3A_84 = tpu.memref_slice %arg13[%add3A_58, %dma_wait3A_83] : memref<10240x64xf32, #tpu.memory_space<vmem_shared>> -> memref<128x64xf32, #tpu.memory_space<vmem_shared>>
      tpu.wait_dma2 semaphore(%run_scoped3A : memref<!tpu.dma_semaphore, #tpu.memory_space<semaphore_mem>>) src(%arg12 : memref<128x64xf32, #tpu.memory_space<vmem>>) dst(%dma_wait3A_84 : memref<128x64xf32, #tpu.memory_space<vmem_shared>>)
      tpu.yield
    }) : () -> ()
    %mul3A_59 = arith.constant 640 : i32
    %mul3A_60 = arith.muli %arg1, %mul3A_59 : i32
    %add3A_61 = arith.constant 384 : i32
    %add3A_62 = arith.addi %mul3A_60, %add3A_61 : i32
    "tpu.region"() ({
      %run_scoped3A = tpu.sem_alloc : memref<!tpu.dma_semaphore, #tpu.memory_space<semaphore_mem>>
      %dma_start3A_78 = arith.constant 0 : i32
      %dma_start3A_79 = tpu.memref_slice %arg13[%add3A_62, %dma_start3A_78] : memref<10240x64xf32, #tpu.memory_space<vmem_shared>> -> memref<128x64xf32, #tpu.memory_space<vmem_shared>>
      %dma_start3A_80 = arith.constant 0 : i32
      %dma_start3A_81 = tpu.memref_slice %arg13[%add3A_62, %dma_start3A_80] : memref<10240x64xf32, #tpu.memory_space<vmem_shared>> -> memref<128x64xf32, #tpu.memory_space<vmem_shared>>
      tpu.enqueue_dma source(%arg12 : memref<128x64xf32, #tpu.memory_space<vmem>>) target(%dma_start3A_81 : memref<128x64xf32, #tpu.memory_space<vmem_shared>>) target_semaphore(%run_scoped3A : memref<!tpu.dma_semaphore, #tpu.memory_space<semaphore_mem>>)
      %dma_wait3A = arith.constant 0 : i32
      %dma_wait3A_82 = tpu.memref_slice %arg13[%add3A_62, %dma_wait3A] : memref<10240x64xf32, #tpu.memory_space<vmem_shared>> -> memref<128x64xf32, #tpu.memory_space<vmem_shared>>
      %dma_wait3A_83 = arith.constant 0 : i32
      %dma_wait3A_84 = tpu.memref_slice %arg13[%add3A_62, %dma_wait3A_83] : memref<10240x64xf32, #tpu.memory_space<vmem_shared>> -> memref<128x64xf32, #tpu.memory_space<vmem_shared>>
      tpu.wait_dma2 semaphore(%run_scoped3A : memref<!tpu.dma_semaphore, #tpu.memory_space<semaphore_mem>>) src(%arg12 : memref<128x64xf32, #tpu.memory_space<vmem>>) dst(%dma_wait3A_84 : memref<128x64xf32, #tpu.memory_space<vmem_shared>>)
      tpu.yield
    }) : () -> ()
    %mul3A_63 = arith.constant 640 : i32
    %mul3A_64 = arith.muli %arg1, %mul3A_63 : i32
    %add3A_65 = arith.constant 512 : i32
    %add3A_66 = arith.addi %mul3A_64, %add3A_65 : i32
    "tpu.region"() ({
      %run_scoped3A = tpu.sem_alloc : memref<!tpu.dma_semaphore, #tpu.memory_space<semaphore_mem>>
      %dma_start3A_78 = arith.constant 0 : i32
      %dma_start3A_79 = tpu.memref_slice %arg13[%add3A_66, %dma_start3A_78] : memref<10240x64xf32, #tpu.memory_space<vmem_shared>> -> memref<128x64xf32, #tpu.memory_space<vmem_shared>>
      %dma_start3A_80 = arith.constant 0 : i32
      %dma_start3A_81 = tpu.memref_slice %arg13[%add3A_66, %dma_start3A_80] : memref<10240x64xf32, #tpu.memory_space<vmem_shared>> -> memref<128x64xf32, #tpu.memory_space<vmem_shared>>
      tpu.enqueue_dma source(%arg12 : memref<128x64xf32, #tpu.memory_space<vmem>>) target(%dma_start3A_81 : memref<128x64xf32, #tpu.memory_space<vmem_shared>>) target_semaphore(%run_scoped3A : memref<!tpu.dma_semaphore, #tpu.memory_space<semaphore_mem>>)
      %dma_wait3A = arith.constant 0 : i32
      %dma_wait3A_82 = tpu.memref_slice %arg13[%add3A_66, %dma_wait3A] : memref<10240x64xf32, #tpu.memory_space<vmem_shared>> -> memref<128x64xf32, #tpu.memory_space<vmem_shared>>
      %dma_wait3A_83 = arith.constant 0 : i32
      %dma_wait3A_84 = tpu.memref_slice %arg13[%add3A_66, %dma_wait3A_83] : memref<10240x64xf32, #tpu.memory_space<vmem_shared>> -> memref<128x64xf32, #tpu.memory_space<vmem_shared>>
      tpu.wait_dma2 semaphore(%run_scoped3A : memref<!tpu.dma_semaphore, #tpu.memory_space<semaphore_mem>>) src(%arg12 : memref<128x64xf32, #tpu.memory_space<vmem>>) dst(%dma_wait3A_84 : memref<128x64xf32, #tpu.memory_space<vmem_shared>>)
      tpu.yield
    }) : () -> ()
    %barrier3A = arith.constant 0 : index
    tpu.barrier barrier_id(%barrier3A)
    %scan3A_67 = arith.constant 0 : i32
    %scan3A_68 = arith.constant 0 : i32
    %scan3A_69 = arith.constant 40 : i32
    %scan3A_70 = arith.addi %scan3A_68, %scan3A_69 : i32
    %scan3A_71 = arith.constant 1 : i32
    scf.for %scan3A_78 = %scan3A_68 to %scan3A_70 step %scan3A_71  : i32 {
      %mul3A_79 = arith.constant 4 : i32
      %mul3A_80 = arith.muli %mul3A_79, %scan3A_78 : i32
      %add3A_81 = arith.constant 0 : i32
      %add3A_82 = arith.addi %mul3A_80, %add3A_81 : i32
      %dma_wait3A = arith.constant 0 : i32
      %dma_wait3A_83 = tpu.memref_slice %arg6[%add3A_82, %dma_wait3A] : memref<160x125xi32, #tpu.memory_space<vmem>> -> memref<1x125xi32, #tpu.memory_space<vmem>>
      %dma_wait3A_84 = tpu.memref_squeeze %dma_wait3A_83 : memref<1x125xi32, #tpu.memory_space<vmem>> -> memref<125xi32, #tpu.memory_space<vmem>>
      %dma_wait3A_85 = arith.constant 0 : i32
      %dma_wait3A_86 = arith.constant 0 : i32
      %dma_wait3A_87 = tpu.memref_slice %arg2[%arg0, %dma_wait3A_85, %dma_wait3A_86] : memref<2x10000x64xf32, #tpu.memory_space<hbm>> -> memref<1x10000x64xf32, #tpu.memory_space<hbm>>
      %dma_wait3A_88 = tpu.memref_squeeze %dma_wait3A_87 : memref<1x10000x64xf32, #tpu.memory_space<hbm>> -> memref<10000x64xf32, #tpu.memory_space<hbm>>
      %dma_wait3A_89 = arith.constant 0 : i32
      %dma_wait3A_90 = arith.constant 0 : i32
      %dma_wait3A_91 = tpu.memref_slice %dma_wait3A_88[%dma_wait3A_89, %dma_wait3A_90] : memref<10000x64xf32, #tpu.memory_space<hbm>> -> memref<10000x64xf32, #tpu.memory_space<hbm>>
      tpu.wait_indirect_dma semaphore(%arg14 : memref<!tpu.dma_semaphore, #tpu.memory_space<semaphore_mem>>) src(%dma_wait3A_91 : memref<10000x64xf32, #tpu.memory_space<hbm>>) dst(%arg8 : memref<125x64xf32, #tpu.memory_space<vmem>>)
      "tpu.region"() ({
        %run_scoped3A = tpu.sem_alloc : memref<!tpu.dma_semaphore, #tpu.memory_space<semaphore_mem>>
        %dma_start3A_153 = arith.constant 0 : i32
        %dma_start3A_154 = tpu.memref_slice %arg7[%add3A_82, %dma_start3A_153] : memref<160x125xi32, #tpu.memory_space<vmem>> -> memref<1x125xi32, #tpu.memory_space<vmem>>
        %dma_start3A_155 = tpu.memref_squeeze %dma_start3A_154 : memref<1x125xi32, #tpu.memory_space<vmem>> -> memref<125xi32, #tpu.memory_space<vmem>>
        %dma_start3A_156 = arith.constant 0 : i32
        %dma_start3A_157 = arith.constant 0 : i32
        %dma_start3A_158 = tpu.memref_slice %arg13[%dma_start3A_156, %dma_start3A_157] : memref<10240x64xf32, #tpu.memory_space<vmem_shared>> -> memref<10240x64xf32, #tpu.memory_space<vmem_shared>>
        tpu.enqueue_indirect_dma source(%arg8 : memref<125x64xf32, #tpu.memory_space<vmem>>) target(%dma_start3A_158 : memref<10240x64xf32, #tpu.memory_space<vmem_shared>>) offsets(%dma_start3A_155 : memref<125xi32, #tpu.memory_space<vmem>>) semaphore(%run_scoped3A : memref<!tpu.dma_semaphore, #tpu.memory_space<semaphore_mem>>) {add = true}
        %dma_wait3A_159 = arith.constant 0 : i32
        %dma_wait3A_160 = tpu.memref_slice %arg7[%add3A_82, %dma_wait3A_159] : memref<160x125xi32, #tpu.memory_space<vmem>> -> memref<1x125xi32, #tpu.memory_space<vmem>>
        %dma_wait3A_161 = tpu.memref_squeeze %dma_wait3A_160 : memref<1x125xi32, #tpu.memory_space<vmem>> -> memref<125xi32, #tpu.memory_space<vmem>>
        %dma_wait3A_162 = arith.constant 0 : i32
        %dma_wait3A_163 = arith.constant 0 : i32
        %dma_wait3A_164 = tpu.memref_slice %arg13[%dma_wait3A_162, %dma_wait3A_163] : memref<10240x64xf32, #tpu.memory_space<vmem_shared>> -> memref<10240x64xf32, #tpu.memory_space<vmem_shared>>
        tpu.wait_indirect_dma semaphore(%run_scoped3A : memref<!tpu.dma_semaphore, #tpu.memory_space<semaphore_mem>>) src(%arg8 : memref<125x64xf32, #tpu.memory_space<vmem>>) dst(%dma_wait3A_164 : memref<10240x64xf32, #tpu.memory_space<vmem_shared>>)
        tpu.yield
      }) : () -> ()
      %add3A_92 = arith.constant 4 : i32
      %add3A_93 = arith.addi %add3A_82, %add3A_92 : i32
      %lt3A = arith.constant 160 : i32
      %lt3A_94 = arith.cmpi slt, %add3A_93, %lt3A : i32
      %convert_element_type3A = arith.extui %lt3A_94 : i1 to i32
      %cond3A = arith.constant 0 : i32
      %cond3A_95 = arith.cmpi ne, %convert_element_type3A, %cond3A : i32
      scf.if %cond3A_95 {
        %add3A_153 = arith.constant 4 : i32
        %add3A_154 = arith.addi %add3A_82, %add3A_153 : i32
        %dma_start3A_155 = arith.constant 0 : i32
        %dma_start3A_156 = tpu.memref_slice %arg6[%add3A_154, %dma_start3A_155] : memref<160x125xi32, #tpu.memory_space<vmem>> -> memref<1x125xi32, #tpu.memory_space<vmem>>
        %dma_start3A_157 = tpu.memref_squeeze %dma_start3A_156 : memref<1x125xi32, #tpu.memory_space<vmem>> -> memref<125xi32, #tpu.memory_space<vmem>>
        %dma_start3A_158 = arith.constant 0 : i32
        %dma_start3A_159 = arith.constant 0 : i32
        %dma_start3A_160 = tpu.memref_slice %arg2[%arg0, %dma_start3A_158, %dma_start3A_159] : memref<2x10000x64xf32, #tpu.memory_space<hbm>> -> memref<1x10000x64xf32, #tpu.memory_space<hbm>>
        %dma_start3A_161 = tpu.memref_squeeze %dma_start3A_160 : memref<1x10000x64xf32, #tpu.memory_space<hbm>> -> memref<10000x64xf32, #tpu.memory_space<hbm>>
        %dma_start3A_162 = arith.constant 0 : i32
        %dma_start3A_163 = arith.constant 0 : i32
        %dma_start3A_164 = tpu.memref_slice %dma_start3A_161[%dma_start3A_162, %dma_start3A_163] : memref<10000x64xf32, #tpu.memory_space<hbm>> -> memref<10000x64xf32, #tpu.memory_space<hbm>>
        tpu.enqueue_indirect_dma source(%dma_start3A_164 : memref<10000x64xf32, #tpu.memory_space<hbm>>) target(%arg8 : memref<125x64xf32, #tpu.memory_space<vmem>>) offsets(%dma_start3A_157 : memref<125xi32, #tpu.memory_space<vmem>>) semaphore(%arg14 : memref<!tpu.dma_semaphore, #tpu.memory_space<semaphore_mem>>)
      } else {
      }
      %add3A_96 = arith.constant 1 : i32
      %add3A_97 = arith.addi %mul3A_80, %add3A_96 : i32
      %dma_wait3A_98 = arith.constant 0 : i32
      %dma_wait3A_99 = tpu.memref_slice %arg6[%add3A_97, %dma_wait3A_98] : memref<160x125xi32, #tpu.memory_space<vmem>> -> memref<1x125xi32, #tpu.memory_space<vmem>>
      %dma_wait3A_100 = tpu.memref_squeeze %dma_wait3A_99 : memref<1x125xi32, #tpu.memory_space<vmem>> -> memref<125xi32, #tpu.memory_space<vmem>>
      %dma_wait3A_101 = arith.constant 0 : i32
      %dma_wait3A_102 = arith.constant 0 : i32
      %dma_wait3A_103 = tpu.memref_slice %arg2[%arg0, %dma_wait3A_101, %dma_wait3A_102] : memref<2x10000x64xf32, #tpu.memory_space<hbm>> -> memref<1x10000x64xf32, #tpu.memory_space<hbm>>
      %dma_wait3A_104 = tpu.memref_squeeze %dma_wait3A_103 : memref<1x10000x64xf32, #tpu.memory_space<hbm>> -> memref<10000x64xf32, #tpu.memory_space<hbm>>
      %dma_wait3A_105 = arith.constant 0 : i32
      %dma_wait3A_106 = arith.constant 0 : i32
      %dma_wait3A_107 = tpu.memref_slice %dma_wait3A_104[%dma_wait3A_105, %dma_wait3A_106] : memref<10000x64xf32, #tpu.memory_space<hbm>> -> memref<10000x64xf32, #tpu.memory_space<hbm>>
      tpu.wait_indirect_dma semaphore(%arg15 : memref<!tpu.dma_semaphore, #tpu.memory_space<semaphore_mem>>) src(%dma_wait3A_107 : memref<10000x64xf32, #tpu.memory_space<hbm>>) dst(%arg9 : memref<125x64xf32, #tpu.memory_space<vmem>>)
      "tpu.region"() ({
        %run_scoped3A = tpu.sem_alloc : memref<!tpu.dma_semaphore, #tpu.memory_space<semaphore_mem>>
        %dma_start3A_153 = arith.constant 0 : i32
        %dma_start3A_154 = tpu.memref_slice %arg7[%add3A_97, %dma_start3A_153] : memref<160x125xi32, #tpu.memory_space<vmem>> -> memref<1x125xi32, #tpu.memory_space<vmem>>
        %dma_start3A_155 = tpu.memref_squeeze %dma_start3A_154 : memref<1x125xi32, #tpu.memory_space<vmem>> -> memref<125xi32, #tpu.memory_space<vmem>>
        %dma_start3A_156 = arith.constant 0 : i32
        %dma_start3A_157 = arith.constant 0 : i32
        %dma_start3A_158 = tpu.memref_slice %arg13[%dma_start3A_156, %dma_start3A_157] : memref<10240x64xf32, #tpu.memory_space<vmem_shared>> -> memref<10240x64xf32, #tpu.memory_space<vmem_shared>>
        tpu.enqueue_indirect_dma source(%arg9 : memref<125x64xf32, #tpu.memory_space<vmem>>) target(%dma_start3A_158 : memref<10240x64xf32, #tpu.memory_space<vmem_shared>>) offsets(%dma_start3A_155 : memref<125xi32, #tpu.memory_space<vmem>>) semaphore(%run_scoped3A : memref<!tpu.dma_semaphore, #tpu.memory_space<semaphore_mem>>) {add = true}
        %dma_wait3A_159 = arith.constant 0 : i32
        %dma_wait3A_160 = tpu.memref_slice %arg7[%add3A_97, %dma_wait3A_159] : memref<160x125xi32, #tpu.memory_space<vmem>> -> memref<1x125xi32, #tpu.memory_space<vmem>>
        %dma_wait3A_161 = tpu.memref_squeeze %dma_wait3A_160 : memref<1x125xi32, #tpu.memory_space<vmem>> -> memref<125xi32, #tpu.memory_space<vmem>>
        %dma_wait3A_162 = arith.constant 0 : i32
        %dma_wait3A_163 = arith.constant 0 : i32
        %dma_wait3A_164 = tpu.memref_slice %arg13[%dma_wait3A_162, %dma_wait3A_163] : memref<10240x64xf32, #tpu.memory_space<vmem_shared>> -> memref<10240x64xf32, #tpu.memory_space<vmem_shared>>
        tpu.wait_indirect_dma semaphore(%run_scoped3A : memref<!tpu.dma_semaphore, #tpu.memory_space<semaphore_mem>>) src(%arg9 : memref<125x64xf32, #tpu.memory_space<vmem>>) dst(%dma_wait3A_164 : memref<10240x64xf32, #tpu.memory_space<vmem_shared>>)
        tpu.yield
      }) : () -> ()
      %add3A_108 = arith.constant 4 : i32
      %add3A_109 = arith.addi %add3A_97, %add3A_108 : i32
      %lt3A_110 = arith.constant 160 : i32
      %lt3A_111 = arith.cmpi slt, %add3A_109, %lt3A_110 : i32
      %convert_element_type3A_112 = arith.extui %lt3A_111 : i1 to i32
      %cond3A_113 = arith.constant 0 : i32
      %cond3A_114 = arith.cmpi ne, %convert_element_type3A_112, %cond3A_113 : i32
      scf.if %cond3A_114 {
        %add3A_153 = arith.constant 4 : i32
        %add3A_154 = arith.addi %add3A_97, %add3A_153 : i32
        %dma_start3A_155 = arith.constant 0 : i32
        %dma_start3A_156 = tpu.memref_slice %arg6[%add3A_154, %dma_start3A_155] : memref<160x125xi32, #tpu.memory_space<vmem>> -> memref<1x125xi32, #tpu.memory_space<vmem>>
        %dma_start3A_157 = tpu.memref_squeeze %dma_start3A_156 : memref<1x125xi32, #tpu.memory_space<vmem>> -> memref<125xi32, #tpu.memory_space<vmem>>
        %dma_start3A_158 = arith.constant 0 : i32
        %dma_start3A_159 = arith.constant 0 : i32
        %dma_start3A_160 = tpu.memref_slice %arg2[%arg0, %dma_start3A_158, %dma_start3A_159] : memref<2x10000x64xf32, #tpu.memory_space<hbm>> -> memref<1x10000x64xf32, #tpu.memory_space<hbm>>
        %dma_start3A_161 = tpu.memref_squeeze %dma_start3A_160 : memref<1x10000x64xf32, #tpu.memory_space<hbm>> -> memref<10000x64xf32, #tpu.memory_space<hbm>>
        %dma_start3A_162 = arith.constant 0 : i32
        %dma_start3A_163 = arith.constant 0 : i32
        %dma_start3A_164 = tpu.memref_slice %dma_start3A_161[%dma_start3A_162, %dma_start3A_163] : memref<10000x64xf32, #tpu.memory_space<hbm>> -> memref<10000x64xf32, #tpu.memory_space<hbm>>
        tpu.enqueue_indirect_dma source(%dma_start3A_164 : memref<10000x64xf32, #tpu.memory_space<hbm>>) target(%arg9 : memref<125x64xf32, #tpu.memory_space<vmem>>) offsets(%dma_start3A_157 : memref<125xi32, #tpu.memory_space<vmem>>) semaphore(%arg15 : memref<!tpu.dma_semaphore, #tpu.memory_space<semaphore_mem>>)
      } else {
      }
      %add3A_115 = arith.constant 2 : i32
      %add3A_116 = arith.addi %mul3A_80, %add3A_115 : i32
      %dma_wait3A_117 = arith.constant 0 : i32
      %dma_wait3A_118 = tpu.memref_slice %arg6[%add3A_116, %dma_wait3A_117] : memref<160x125xi32, #tpu.memory_space<vmem>> -> memref<1x125xi32, #tpu.memory_space<vmem>>
      %dma_wait3A_119 = tpu.memref_squeeze %dma_wait3A_118 : memref<1x125xi32, #tpu.memory_space<vmem>> -> memref<125xi32, #tpu.memory_space<vmem>>
      %dma_wait3A_120 = arith.constant 0 : i32
      %dma_wait3A_121 = arith.constant 0 : i32
      %dma_wait3A_122 = tpu.memref_slice %arg2[%arg0, %dma_wait3A_120, %dma_wait3A_121] : memref<2x10000x64xf32, #tpu.memory_space<hbm>> -> memref<1x10000x64xf32, #tpu.memory_space<hbm>>
      %dma_wait3A_123 = tpu.memref_squeeze %dma_wait3A_122 : memref<1x10000x64xf32, #tpu.memory_space<hbm>> -> memref<10000x64xf32, #tpu.memory_space<hbm>>
      %dma_wait3A_124 = arith.constant 0 : i32
      %dma_wait3A_125 = arith.constant 0 : i32
      %dma_wait3A_126 = tpu.memref_slice %dma_wait3A_123[%dma_wait3A_124, %dma_wait3A_125] : memref<10000x64xf32, #tpu.memory_space<hbm>> -> memref<10000x64xf32, #tpu.memory_space<hbm>>
      tpu.wait_indirect_dma semaphore(%arg16 : memref<!tpu.dma_semaphore, #tpu.memory_space<semaphore_mem>>) src(%dma_wait3A_126 : memref<10000x64xf32, #tpu.memory_space<hbm>>) dst(%arg10 : memref<125x64xf32, #tpu.memory_space<vmem>>)
      "tpu.region"() ({
        %run_scoped3A = tpu.sem_alloc : memref<!tpu.dma_semaphore, #tpu.memory_space<semaphore_mem>>
        %dma_start3A_153 = arith.constant 0 : i32
        %dma_start3A_154 = tpu.memref_slice %arg7[%add3A_116, %dma_start3A_153] : memref<160x125xi32, #tpu.memory_space<vmem>> -> memref<1x125xi32, #tpu.memory_space<vmem>>
        %dma_start3A_155 = tpu.memref_squeeze %dma_start3A_154 : memref<1x125xi32, #tpu.memory_space<vmem>> -> memref<125xi32, #tpu.memory_space<vmem>>
        %dma_start3A_156 = arith.constant 0 : i32
        %dma_start3A_157 = arith.constant 0 : i32
        %dma_start3A_158 = tpu.memref_slice %arg13[%dma_start3A_156, %dma_start3A_157] : memref<10240x64xf32, #tpu.memory_space<vmem_shared>> -> memref<10240x64xf32, #tpu.memory_space<vmem_shared>>
        tpu.enqueue_indirect_dma source(%arg10 : memref<125x64xf32, #tpu.memory_space<vmem>>) target(%dma_start3A_158 : memref<10240x64xf32, #tpu.memory_space<vmem_shared>>) offsets(%dma_start3A_155 : memref<125xi32, #tpu.memory_space<vmem>>) semaphore(%run_scoped3A : memref<!tpu.dma_semaphore, #tpu.memory_space<semaphore_mem>>) {add = true}
        %dma_wait3A_159 = arith.constant 0 : i32
        %dma_wait3A_160 = tpu.memref_slice %arg7[%add3A_116, %dma_wait3A_159] : memref<160x125xi32, #tpu.memory_space<vmem>> -> memref<1x125xi32, #tpu.memory_space<vmem>>
        %dma_wait3A_161 = tpu.memref_squeeze %dma_wait3A_160 : memref<1x125xi32, #tpu.memory_space<vmem>> -> memref<125xi32, #tpu.memory_space<vmem>>
        %dma_wait3A_162 = arith.constant 0 : i32
        %dma_wait3A_163 = arith.constant 0 : i32
        %dma_wait3A_164 = tpu.memref_slice %arg13[%dma_wait3A_162, %dma_wait3A_163] : memref<10240x64xf32, #tpu.memory_space<vmem_shared>> -> memref<10240x64xf32, #tpu.memory_space<vmem_shared>>
        tpu.wait_indirect_dma semaphore(%run_scoped3A : memref<!tpu.dma_semaphore, #tpu.memory_space<semaphore_mem>>) src(%arg10 : memref<125x64xf32, #tpu.memory_space<vmem>>) dst(%dma_wait3A_164 : memref<10240x64xf32, #tpu.memory_space<vmem_shared>>)
        tpu.yield
      }) : () -> ()
      %add3A_127 = arith.constant 4 : i32
      %add3A_128 = arith.addi %add3A_116, %add3A_127 : i32
      %lt3A_129 = arith.constant 160 : i32
      %lt3A_130 = arith.cmpi slt, %add3A_128, %lt3A_129 : i32
      %convert_element_type3A_131 = arith.extui %lt3A_130 : i1 to i32
      %cond3A_132 = arith.constant 0 : i32
      %cond3A_133 = arith.cmpi ne, %convert_element_type3A_131, %cond3A_132 : i32
      scf.if %cond3A_133 {
        %add3A_153 = arith.constant 4 : i32
        %add3A_154 = arith.addi %add3A_116, %add3A_153 : i32
        %dma_start3A_155 = arith.constant 0 : i32
        %dma_start3A_156 = tpu.memref_slice %arg6[%add3A_154, %dma_start3A_155] : memref<160x125xi32, #tpu.memory_space<vmem>> -> memref<1x125xi32, #tpu.memory_space<vmem>>
        %dma_start3A_157 = tpu.memref_squeeze %dma_start3A_156 : memref<1x125xi32, #tpu.memory_space<vmem>> -> memref<125xi32, #tpu.memory_space<vmem>>
        %dma_start3A_158 = arith.constant 0 : i32
        %dma_start3A_159 = arith.constant 0 : i32
        %dma_start3A_160 = tpu.memref_slice %arg2[%arg0, %dma_start3A_158, %dma_start3A_159] : memref<2x10000x64xf32, #tpu.memory_space<hbm>> -> memref<1x10000x64xf32, #tpu.memory_space<hbm>>
        %dma_start3A_161 = tpu.memref_squeeze %dma_start3A_160 : memref<1x10000x64xf32, #tpu.memory_space<hbm>> -> memref<10000x64xf32, #tpu.memory_space<hbm>>
        %dma_start3A_162 = arith.constant 0 : i32
        %dma_start3A_163 = arith.constant 0 : i32
        %dma_start3A_164 = tpu.memref_slice %dma_start3A_161[%dma_start3A_162, %dma_start3A_163] : memref<10000x64xf32, #tpu.memory_space<hbm>> -> memref<10000x64xf32, #tpu.memory_space<hbm>>
        tpu.enqueue_indirect_dma source(%dma_start3A_164 : memref<10000x64xf32, #tpu.memory_space<hbm>>) target(%arg10 : memref<125x64xf32, #tpu.memory_space<vmem>>) offsets(%dma_start3A_157 : memref<125xi32, #tpu.memory_space<vmem>>) semaphore(%arg16 : memref<!tpu.dma_semaphore, #tpu.memory_space<semaphore_mem>>)
      } else {
      }
      %add3A_134 = arith.constant 3 : i32
      %add3A_135 = arith.addi %mul3A_80, %add3A_134 : i32
      %dma_wait3A_136 = arith.constant 0 : i32
      %dma_wait3A_137 = tpu.memref_slice %arg6[%add3A_135, %dma_wait3A_136] : memref<160x125xi32, #tpu.memory_space<vmem>> -> memref<1x125xi32, #tpu.memory_space<vmem>>
      %dma_wait3A_138 = tpu.memref_squeeze %dma_wait3A_137 : memref<1x125xi32, #tpu.memory_space<vmem>> -> memref<125xi32, #tpu.memory_space<vmem>>
      %dma_wait3A_139 = arith.constant 0 : i32
      %dma_wait3A_140 = arith.constant 0 : i32
      %dma_wait3A_141 = tpu.memref_slice %arg2[%arg0, %dma_wait3A_139, %dma_wait3A_140] : memref<2x10000x64xf32, #tpu.memory_space<hbm>> -> memref<1x10000x64xf32, #tpu.memory_space<hbm>>
      %dma_wait3A_142 = tpu.memref_squeeze %dma_wait3A_141 : memref<1x10000x64xf32, #tpu.memory_space<hbm>> -> memref<10000x64xf32, #tpu.memory_space<hbm>>
      %dma_wait3A_143 = arith.constant 0 : i32
      %dma_wait3A_144 = arith.constant 0 : i32
      %dma_wait3A_145 = tpu.memref_slice %dma_wait3A_142[%dma_wait3A_143, %dma_wait3A_144] : memref<10000x64xf32, #tpu.memory_space<hbm>> -> memref<10000x64xf32, #tpu.memory_space<hbm>>
      tpu.wait_indirect_dma semaphore(%arg17 : memref<!tpu.dma_semaphore, #tpu.memory_space<semaphore_mem>>) src(%dma_wait3A_145 : memref<10000x64xf32, #tpu.memory_space<hbm>>) dst(%arg11 : memref<125x64xf32, #tpu.memory_space<vmem>>)
      "tpu.region"() ({
        %run_scoped3A = tpu.sem_alloc : memref<!tpu.dma_semaphore, #tpu.memory_space<semaphore_mem>>
        %dma_start3A_153 = arith.constant 0 : i32
        %dma_start3A_154 = tpu.memref_slice %arg7[%add3A_135, %dma_start3A_153] : memref<160x125xi32, #tpu.memory_space<vmem>> -> memref<1x125xi32, #tpu.memory_space<vmem>>
        %dma_start3A_155 = tpu.memref_squeeze %dma_start3A_154 : memref<1x125xi32, #tpu.memory_space<vmem>> -> memref<125xi32, #tpu.memory_space<vmem>>
        %dma_start3A_156 = arith.constant 0 : i32
        %dma_start3A_157 = arith.constant 0 : i32
        %dma_start3A_158 = tpu.memref_slice %arg13[%dma_start3A_156, %dma_start3A_157] : memref<10240x64xf32, #tpu.memory_space<vmem_shared>> -> memref<10240x64xf32, #tpu.memory_space<vmem_shared>>
        tpu.enqueue_indirect_dma source(%arg11 : memref<125x64xf32, #tpu.memory_space<vmem>>) target(%dma_start3A_158 : memref<10240x64xf32, #tpu.memory_space<vmem_shared>>) offsets(%dma_start3A_155 : memref<125xi32, #tpu.memory_space<vmem>>) semaphore(%run_scoped3A : memref<!tpu.dma_semaphore, #tpu.memory_space<semaphore_mem>>) {add = true}
        %dma_wait3A_159 = arith.constant 0 : i32
        %dma_wait3A_160 = tpu.memref_slice %arg7[%add3A_135, %dma_wait3A_159] : memref<160x125xi32, #tpu.memory_space<vmem>> -> memref<1x125xi32, #tpu.memory_space<vmem>>
        %dma_wait3A_161 = tpu.memref_squeeze %dma_wait3A_160 : memref<1x125xi32, #tpu.memory_space<vmem>> -> memref<125xi32, #tpu.memory_space<vmem>>
        %dma_wait3A_162 = arith.constant 0 : i32
        %dma_wait3A_163 = arith.constant 0 : i32
        %dma_wait3A_164 = tpu.memref_slice %arg13[%dma_wait3A_162, %dma_wait3A_163] : memref<10240x64xf32, #tpu.memory_space<vmem_shared>> -> memref<10240x64xf32, #tpu.memory_space<vmem_shared>>
        tpu.wait_indirect_dma semaphore(%run_scoped3A : memref<!tpu.dma_semaphore, #tpu.memory_space<semaphore_mem>>) src(%arg11 : memref<125x64xf32, #tpu.memory_space<vmem>>) dst(%dma_wait3A_164 : memref<10240x64xf32, #tpu.memory_space<vmem_shared>>)
        tpu.yield
      }) : () -> ()
      %add3A_146 = arith.constant 4 : i32
      %add3A_147 = arith.addi %add3A_135, %add3A_146 : i32
      %lt3A_148 = arith.constant 160 : i32
      %lt3A_149 = arith.cmpi slt, %add3A_147, %lt3A_148 : i32
      %convert_element_type3A_150 = arith.extui %lt3A_149 : i1 to i32
      %cond3A_151 = arith.constant 0 : i32
      %cond3A_152 = arith.cmpi ne, %convert_element_type3A_150, %cond3A_151 : i32
      scf.if %cond3A_152 {
        %add3A_153 = arith.constant 4 : i32
        %add3A_154 = arith.addi %add3A_135, %add3A_153 : i32
        %dma_start3A_155 = arith.constant 0 : i32
        %dma_start3A_156 = tpu.memref_slice %arg6[%add3A_154, %dma_start3A_155] : memref<160x125xi32, #tpu.memory_space<vmem>> -> memref<1x125xi32, #tpu.memory_space<vmem>>
        %dma_start3A_157 = tpu.memref_squeeze %dma_start3A_156 : memref<1x125xi32, #tpu.memory_space<vmem>> -> memref<125xi32, #tpu.memory_space<vmem>>
        %dma_start3A_158 = arith.constant 0 : i32
        %dma_start3A_159 = arith.constant 0 : i32
        %dma_start3A_160 = tpu.memref_slice %arg2[%arg0, %dma_start3A_158, %dma_start3A_159] : memref<2x10000x64xf32, #tpu.memory_space<hbm>> -> memref<1x10000x64xf32, #tpu.memory_space<hbm>>
        %dma_start3A_161 = tpu.memref_squeeze %dma_start3A_160 : memref<1x10000x64xf32, #tpu.memory_space<hbm>> -> memref<10000x64xf32, #tpu.memory_space<hbm>>
        %dma_start3A_162 = arith.constant 0 : i32
        %dma_start3A_163 = arith.constant 0 : i32
        %dma_start3A_164 = tpu.memref_slice %dma_start3A_161[%dma_start3A_162, %dma_start3A_163] : memref<10000x64xf32, #tpu.memory_space<hbm>> -> memref<10000x64xf32, #tpu.memory_space<hbm>>
        tpu.enqueue_indirect_dma source(%dma_start3A_164 : memref<10000x64xf32, #tpu.memory_space<hbm>>) target(%arg11 : memref<125x64xf32, #tpu.memory_space<vmem>>) offsets(%dma_start3A_157 : memref<125xi32, #tpu.memory_space<vmem>>) semaphore(%arg17 : memref<!tpu.dma_semaphore, #tpu.memory_space<semaphore_mem>>)
      } else {
      }
    }
    %scan3A_72 = arith.constant 40 : i32
    %barrier3A_73 = arith.constant 0 : index
    tpu.barrier barrier_id(%barrier3A_73)
    %mul3A_74 = arith.constant 640 : i32
    %mul3A_75 = arith.muli %arg1, %mul3A_74 : i32
    %mul3A_76 = arith.constant 640 : i32
    %mul3A_77 = arith.muli %arg1, %mul3A_76 : i32
    "tpu.region"() ({
      %run_scoped3A = tpu.sem_alloc : memref<!tpu.dma_semaphore, #tpu.memory_space<semaphore_mem>>
      %dma_start3A_78 = arith.constant 0 : i32
      %dma_start3A_79 = tpu.memref_slice %arg5[%arg0, %mul3A_77, %dma_start3A_78] : memref<2x10240x64xf32, #tpu.memory_space<hbm>> -> memref<1x640x64xf32, #tpu.memory_space<hbm>>
      %dma_start3A_80 = tpu.memref_squeeze %dma_start3A_79 : memref<1x640x64xf32, #tpu.memory_space<hbm>> -> memref<640x64xf32, #tpu.memory_space<hbm>>
      %dma_start3A_81 = arith.constant 0 : i32
      %dma_start3A_82 = tpu.memref_slice %arg13[%mul3A_75, %dma_start3A_81] : memref<10240x64xf32, #tpu.memory_space<vmem_shared>> -> memref<640x64xf32, #tpu.memory_space<vmem_shared>>
      tpu.enqueue_dma source(%dma_start3A_82 : memref<640x64xf32, #tpu.memory_space<vmem_shared>>) target(%dma_start3A_80 : memref<640x64xf32, #tpu.memory_space<hbm>>) target_semaphore(%run_scoped3A : memref<!tpu.dma_semaphore, #tpu.memory_space<semaphore_mem>>)
      %dma_wait3A = arith.constant 0 : i32
      %dma_wait3A_83 = tpu.memref_slice %arg5[%arg0, %mul3A_77, %dma_wait3A] : memref<2x10240x64xf32, #tpu.memory_space<hbm>> -> memref<1x640x64xf32, #tpu.memory_space<hbm>>
      %dma_wait3A_84 = tpu.memref_squeeze %dma_wait3A_83 : memref<1x640x64xf32, #tpu.memory_space<hbm>> -> memref<640x64xf32, #tpu.memory_space<hbm>>
      %dma_wait3A_85 = arith.constant 0 : i32
      %dma_wait3A_86 = tpu.memref_slice %arg13[%mul3A_75, %dma_wait3A_85] : memref<10240x64xf32, #tpu.memory_space<vmem_shared>> -> memref<640x64xf32, #tpu.memory_space<vmem_shared>>
      tpu.wait_dma2 semaphore(%run_scoped3A : memref<!tpu.dma_semaphore, #tpu.memory_space<semaphore_mem>>) src(%dma_wait3A_86 : memref<640x64xf32, #tpu.memory_space<vmem_shared>>) dst(%dma_wait3A_84 : memref<640x64xf32, #tpu.memory_space<hbm>>)
      tpu.yield
    }) : () -> ()
    return
  }
}

#map = affine_map<(d0, d1) -> (0, 0, 0)>
module attributes {stable_mosaic.version = 14 : i64} {
  func.func @_agg_body(%arg0: i32, %arg1: i32, %arg2: memref<2x10000x64xf32, #tpu.memory_space<hbm>>, %arg3: memref<16x160x125xi32, #tpu.memory_space<hbm>>, %arg4: memref<16x160x125xi32, #tpu.memory_space<hbm>>, %arg5: memref<2x10240x64xf32, #tpu.memory_space<hbm>>, %arg6: memref<160x125xi32, #tpu.memory_space<vmem>>, %arg7: memref<160x125xi32, #tpu.memory_space<vmem>>, %arg8: memref<125x64xf32, #tpu.memory_space<vmem>>, %arg9: memref<125x64xf32, #tpu.memory_space<vmem>>, %arg10: memref<125x64xf32, #tpu.memory_space<vmem>>, %arg11: memref<125x64xf32, #tpu.memory_space<vmem>>, %arg12: memref<128x64xf32, #tpu.memory_space<vmem>>, %arg13: memref<10240x64xf32, #tpu.memory_space<vmem_shared>>, %arg14: memref<!tpu.dma_semaphore, #tpu.memory_space<semaphore_mem>>, %arg15: memref<!tpu.dma_semaphore, #tpu.memory_space<semaphore_mem>>, %arg16: memref<!tpu.dma_semaphore, #tpu.memory_space<semaphore_mem>>, %arg17: memref<!tpu.dma_semaphore, #tpu.memory_space<semaphore_mem>>) attributes {dimension_semantics = [#tpu.dimension_semantics<core_parallel>, #tpu.dimension_semantics<subcore_parallel>], iteration_bounds = array<i64: 2, 16>, scalar_prefetch = 0 : i64, scratch_operands = 12 : i64, tpu.core_type = #tpu.core_type<sc_vector_subcore>, window_params = [{transform_indices = #map}, {transform_indices = #map}, {transform_indices = #map}, {transform_indices = #map}]} {
    "tpu.region"() ({
      %run_scoped3A = tpu.sem_alloc : memref<!tpu.dma_semaphore, #tpu.memory_space<semaphore_mem>>
      %dma_start3A_78 = arith.constant 0 : i32
      %dma_start3A_79 = arith.constant 0 : i32
      %dma_start3A_80 = tpu.memref_slice %arg3[%arg1, %dma_start3A_78, %dma_start3A_79] : memref<16x160x125xi32, #tpu.memory_space<hbm>> -> memref<1x160x125xi32, #tpu.memory_space<hbm>>
      %dma_start3A_81 = tpu.memref_squeeze %dma_start3A_80 : memref<1x160x125xi32, #tpu.memory_space<hbm>> -> memref<160x125xi32, #tpu.memory_space<hbm>>
      %dma_start3A_82 = arith.constant 0 : i32
      %dma_start3A_83 = arith.constant 0 : i32
      %dma_start3A_84 = tpu.memref_slice %arg3[%arg1, %dma_start3A_82, %dma_start3A_83] : memref<16x160x125xi32, #tpu.memory_space<hbm>> -> memref<1x160x125xi32, #tpu.memory_space<hbm>>
      %dma_start3A_85 = tpu.memref_squeeze %dma_start3A_84 : memref<1x160x125xi32, #tpu.memory_space<hbm>> -> memref<160x125xi32, #tpu.memory_space<hbm>>
      tpu.enqueue_dma source(%dma_start3A_85 : memref<160x125xi32, #tpu.memory_space<hbm>>) target(%arg6 : memref<160x125xi32, #tpu.memory_space<vmem>>) target_semaphore(%run_scoped3A : memref<!tpu.dma_semaphore, #tpu.memory_space<semaphore_mem>>)
      %dma_wait3A = arith.constant 0 : i32
      %dma_wait3A_86 = arith.constant 0 : i32
      %dma_wait3A_87 = tpu.memref_slice %arg3[%arg1, %dma_wait3A, %dma_wait3A_86] : memref<16x160x125xi32, #tpu.memory_space<hbm>> -> memref<1x160x125xi32, #tpu.memory_space<hbm>>
      %dma_wait3A_88 = tpu.memref_squeeze %dma_wait3A_87 : memref<1x160x125xi32, #tpu.memory_space<hbm>> -> memref<160x125xi32, #tpu.memory_space<hbm>>
      %dma_wait3A_89 = arith.constant 0 : i32
      %dma_wait3A_90 = arith.constant 0 : i32
      %dma_wait3A_91 = tpu.memref_slice %arg3[%arg1, %dma_wait3A_89, %dma_wait3A_90] : memref<16x160x125xi32, #tpu.memory_space<hbm>> -> memref<1x160x125xi32, #tpu.memory_space<hbm>>
      %dma_wait3A_92 = tpu.memref_squeeze %dma_wait3A_91 : memref<1x160x125xi32, #tpu.memory_space<hbm>> -> memref<160x125xi32, #tpu.memory_space<hbm>>
      tpu.wait_dma2 semaphore(%run_scoped3A : memref<!tpu.dma_semaphore, #tpu.memory_space<semaphore_mem>>) src(%dma_wait3A_92 : memref<160x125xi32, #tpu.memory_space<hbm>>) dst(%arg6 : memref<160x125xi32, #tpu.memory_space<vmem>>)
      tpu.yield
    }) : () -> ()
    "tpu.region"() ({
      %run_scoped3A = tpu.sem_alloc : memref<!tpu.dma_semaphore, #tpu.memory_space<semaphore_mem>>
      %dma_start3A_78 = arith.constant 0 : i32
      %dma_start3A_79 = arith.constant 0 : i32
      %dma_start3A_80 = tpu.memref_slice %arg4[%arg1, %dma_start3A_78, %dma_start3A_79] : memref<16x160x125xi32, #tpu.memory_space<hbm>> -> memref<1x160x125xi32, #tpu.memory_space<hbm>>
      %dma_start3A_81 = tpu.memref_squeeze %dma_start3A_80 : memref<1x160x125xi32, #tpu.memory_space<hbm>> -> memref<160x125xi32, #tpu.memory_space<hbm>>
      %dma_start3A_82 = arith.constant 0 : i32
      %dma_start3A_83 = arith.constant 0 : i32
      %dma_start3A_84 = tpu.memref_slice %arg4[%arg1, %dma_start3A_82, %dma_start3A_83] : memref<16x160x125xi32, #tpu.memory_space<hbm>> -> memref<1x160x125xi32, #tpu.memory_space<hbm>>
      %dma_start3A_85 = tpu.memref_squeeze %dma_start3A_84 : memref<1x160x125xi32, #tpu.memory_space<hbm>> -> memref<160x125xi32, #tpu.memory_space<hbm>>
      tpu.enqueue_dma source(%dma_start3A_85 : memref<160x125xi32, #tpu.memory_space<hbm>>) target(%arg7 : memref<160x125xi32, #tpu.memory_space<vmem>>) target_semaphore(%run_scoped3A : memref<!tpu.dma_semaphore, #tpu.memory_space<semaphore_mem>>)
      %dma_wait3A = arith.constant 0 : i32
      %dma_wait3A_86 = arith.constant 0 : i32
      %dma_wait3A_87 = tpu.memref_slice %arg4[%arg1, %dma_wait3A, %dma_wait3A_86] : memref<16x160x125xi32, #tpu.memory_space<hbm>> -> memref<1x160x125xi32, #tpu.memory_space<hbm>>
      %dma_wait3A_88 = tpu.memref_squeeze %dma_wait3A_87 : memref<1x160x125xi32, #tpu.memory_space<hbm>> -> memref<160x125xi32, #tpu.memory_space<hbm>>
      %dma_wait3A_89 = arith.constant 0 : i32
      %dma_wait3A_90 = arith.constant 0 : i32
      %dma_wait3A_91 = tpu.memref_slice %arg4[%arg1, %dma_wait3A_89, %dma_wait3A_90] : memref<16x160x125xi32, #tpu.memory_space<hbm>> -> memref<1x160x125xi32, #tpu.memory_space<hbm>>
      %dma_wait3A_92 = tpu.memref_squeeze %dma_wait3A_91 : memref<1x160x125xi32, #tpu.memory_space<hbm>> -> memref<160x125xi32, #tpu.memory_space<hbm>>
      tpu.wait_dma2 semaphore(%run_scoped3A : memref<!tpu.dma_semaphore, #tpu.memory_space<semaphore_mem>>) src(%dma_wait3A_92 : memref<160x125xi32, #tpu.memory_space<hbm>>) dst(%arg7 : memref<160x125xi32, #tpu.memory_space<vmem>>)
      tpu.yield
    }) : () -> ()
    %dma_start3A = arith.constant 0 : i32
    %dma_start3A_0 = arith.constant 0 : i32
    %dma_start3A_1 = tpu.memref_slice %arg6[%dma_start3A, %dma_start3A_0] : memref<160x125xi32, #tpu.memory_space<vmem>> -> memref<1x125xi32, #tpu.memory_space<vmem>>
    %dma_start3A_2 = tpu.memref_squeeze %dma_start3A_1 : memref<1x125xi32, #tpu.memory_space<vmem>> -> memref<125xi32, #tpu.memory_space<vmem>>
    %dma_start3A_3 = arith.constant 0 : i32
    %dma_start3A_4 = arith.constant 0 : i32
    %dma_start3A_5 = tpu.memref_slice %arg2[%arg0, %dma_start3A_3, %dma_start3A_4] : memref<2x10000x64xf32, #tpu.memory_space<hbm>> -> memref<1x10000x64xf32, #tpu.memory_space<hbm>>
    %dma_start3A_6 = tpu.memref_squeeze %dma_start3A_5 : memref<1x10000x64xf32, #tpu.memory_space<hbm>> -> memref<10000x64xf32, #tpu.memory_space<hbm>>
    %dma_start3A_7 = arith.constant 0 : i32
    %dma_start3A_8 = arith.constant 0 : i32
    %dma_start3A_9 = tpu.memref_slice %dma_start3A_6[%dma_start3A_7, %dma_start3A_8] : memref<10000x64xf32, #tpu.memory_space<hbm>> -> memref<10000x64xf32, #tpu.memory_space<hbm>>
    tpu.enqueue_indirect_dma source(%dma_start3A_9 : memref<10000x64xf32, #tpu.memory_space<hbm>>) target(%arg8 : memref<125x64xf32, #tpu.memory_space<vmem>>) offsets(%dma_start3A_2 : memref<125xi32, #tpu.memory_space<vmem>>) semaphore(%arg14 : memref<!tpu.dma_semaphore, #tpu.memory_space<semaphore_mem>>)
    %dma_start3A_10 = arith.constant 1 : i32
    %dma_start3A_11 = arith.constant 0 : i32
    %dma_start3A_12 = tpu.memref_slice %arg6[%dma_start3A_10, %dma_start3A_11] : memref<160x125xi32, #tpu.memory_space<vmem>> -> memref<1x125xi32, #tpu.memory_space<vmem>>
    %dma_start3A_13 = tpu.memref_squeeze %dma_start3A_12 : memref<1x125xi32, #tpu.memory_space<vmem>> -> memref<125xi32, #tpu.memory_space<vmem>>
    %dma_start3A_14 = arith.constant 0 : i32
    %dma_start3A_15 = arith.constant 0 : i32
    %dma_start3A_16 = tpu.memref_slice %arg2[%arg0, %dma_start3A_14, %dma_start3A_15] : memref<2x10000x64xf32, #tpu.memory_space<hbm>> -> memref<1x10000x64xf32, #tpu.memory_space<hbm>>
    %dma_start3A_17 = tpu.memref_squeeze %dma_start3A_16 : memref<1x10000x64xf32, #tpu.memory_space<hbm>> -> memref<10000x64xf32, #tpu.memory_space<hbm>>
    %dma_start3A_18 = arith.constant 0 : i32
    %dma_start3A_19 = arith.constant 0 : i32
    %dma_start3A_20 = tpu.memref_slice %dma_start3A_17[%dma_start3A_18, %dma_start3A_19] : memref<10000x64xf32, #tpu.memory_space<hbm>> -> memref<10000x64xf32, #tpu.memory_space<hbm>>
    tpu.enqueue_indirect_dma source(%dma_start3A_20 : memref<10000x64xf32, #tpu.memory_space<hbm>>) target(%arg9 : memref<125x64xf32, #tpu.memory_space<vmem>>) offsets(%dma_start3A_13 : memref<125xi32, #tpu.memory_space<vmem>>) semaphore(%arg15 : memref<!tpu.dma_semaphore, #tpu.memory_space<semaphore_mem>>)
    %dma_start3A_21 = arith.constant 2 : i32
    %dma_start3A_22 = arith.constant 0 : i32
    %dma_start3A_23 = tpu.memref_slice %arg6[%dma_start3A_21, %dma_start3A_22] : memref<160x125xi32, #tpu.memory_space<vmem>> -> memref<1x125xi32, #tpu.memory_space<vmem>>
    %dma_start3A_24 = tpu.memref_squeeze %dma_start3A_23 : memref<1x125xi32, #tpu.memory_space<vmem>> -> memref<125xi32, #tpu.memory_space<vmem>>
    %dma_start3A_25 = arith.constant 0 : i32
    %dma_start3A_26 = arith.constant 0 : i32
    %dma_start3A_27 = tpu.memref_slice %arg2[%arg0, %dma_start3A_25, %dma_start3A_26] : memref<2x10000x64xf32, #tpu.memory_space<hbm>> -> memref<1x10000x64xf32, #tpu.memory_space<hbm>>
    %dma_start3A_28 = tpu.memref_squeeze %dma_start3A_27 : memref<1x10000x64xf32, #tpu.memory_space<hbm>> -> memref<10000x64xf32, #tpu.memory_space<hbm>>
    %dma_start3A_29 = arith.constant 0 : i32
    %dma_start3A_30 = arith.constant 0 : i32
    %dma_start3A_31 = tpu.memref_slice %dma_start3A_28[%dma_start3A_29, %dma_start3A_30] : memref<10000x64xf32, #tpu.memory_space<hbm>> -> memref<10000x64xf32, #tpu.memory_space<hbm>>
    tpu.enqueue_indirect_dma source(%dma_start3A_31 : memref<10000x64xf32, #tpu.memory_space<hbm>>) target(%arg10 : memref<125x64xf32, #tpu.memory_space<vmem>>) offsets(%dma_start3A_24 : memref<125xi32, #tpu.memory_space<vmem>>) semaphore(%arg16 : memref<!tpu.dma_semaphore, #tpu.memory_space<semaphore_mem>>)
    %dma_start3A_32 = arith.constant 3 : i32
    %dma_start3A_33 = arith.constant 0 : i32
    %dma_start3A_34 = tpu.memref_slice %arg6[%dma_start3A_32, %dma_start3A_33] : memref<160x125xi32, #tpu.memory_space<vmem>> -> memref<1x125xi32, #tpu.memory_space<vmem>>
    %dma_start3A_35 = tpu.memref_squeeze %dma_start3A_34 : memref<1x125xi32, #tpu.memory_space<vmem>> -> memref<125xi32, #tpu.memory_space<vmem>>
    %dma_start3A_36 = arith.constant 0 : i32
    %dma_start3A_37 = arith.constant 0 : i32
    %dma_start3A_38 = tpu.memref_slice %arg2[%arg0, %dma_start3A_36, %dma_start3A_37] : memref<2x10000x64xf32, #tpu.memory_space<hbm>> -> memref<1x10000x64xf32, #tpu.memory_space<hbm>>
    %dma_start3A_39 = tpu.memref_squeeze %dma_start3A_38 : memref<1x10000x64xf32, #tpu.memory_space<hbm>> -> memref<10000x64xf32, #tpu.memory_space<hbm>>
    %dma_start3A_40 = arith.constant 0 : i32
    %dma_start3A_41 = arith.constant 0 : i32
    %dma_start3A_42 = tpu.memref_slice %dma_start3A_39[%dma_start3A_40, %dma_start3A_41] : memref<10000x64xf32, #tpu.memory_space<hbm>> -> memref<10000x64xf32, #tpu.memory_space<hbm>>
    tpu.enqueue_indirect_dma source(%dma_start3A_42 : memref<10000x64xf32, #tpu.memory_space<hbm>>) target(%arg11 : memref<125x64xf32, #tpu.memory_space<vmem>>) offsets(%dma_start3A_35 : memref<125xi32, #tpu.memory_space<vmem>>) semaphore(%arg17 : memref<!tpu.dma_semaphore, #tpu.memory_space<semaphore_mem>>)
    %broadcast_in_dim3A = arith.constant 0.000000e+00 : f32
    %broadcast_in_dim3A_43 = vector.broadcast %broadcast_in_dim3A : f32 to vector<16xf32>
    %scan3A = arith.constant 0 : i32
    %scan3A_44 = arith.constant 0 : i32
    %scan3A_45 = arith.constant 512 : i32
    %scan3A_46 = arith.addi %scan3A_44, %scan3A_45 : i32
    %scan3A_47 = arith.constant 1 : i32
    scf.for %scan3A_78 = %scan3A_44 to %scan3A_46 step %scan3A_47  : i32 {
      %jit3A = arith.constant 4 : i32
      %div3A = arith.divsi %scan3A_78, %jit3A : i32
      %sign3A = arith.constant 0 : i32
      %sign3A_79 = arith.cmpi sgt, %scan3A_78, %sign3A : i32
      %sign3A_80 = arith.extui %sign3A_79 : i1 to i32
      %sign3A_81 = arith.constant 0 : i32
      %sign3A_82 = arith.cmpi slt, %scan3A_78, %sign3A_81 : i32
      %sign3A_83 = arith.extui %sign3A_82 : i1 to i32
      %sign3A_84 = arith.subi %sign3A_80, %sign3A_83 : i32
      %sign3A_85 = arith.constant 0 : i32
      %sign3A_86 = arith.cmpi sgt, %jit3A, %sign3A_85 : i32
      %sign3A_87 = arith.extui %sign3A_86 : i1 to i32
      %sign3A_88 = arith.constant 0 : i32
      %sign3A_89 = arith.cmpi slt, %jit3A, %sign3A_88 : i32
      %sign3A_90 = arith.extui %sign3A_89 : i1 to i32
      %sign3A_91 = arith.subi %sign3A_87, %sign3A_90 : i32
      %ne3A = arith.cmpi ne, %sign3A_84, %sign3A_91 : i32
      %rem3A = arith.remsi %scan3A_78, %jit3A : i32
      %ne3A_92 = arith.constant 0 : i32
      %ne3A_93 = arith.cmpi ne, %rem3A, %ne3A_92 : i32
      %and3A = arith.andi %ne3A, %ne3A_93 : i1
      %sub3A = arith.constant 1 : i32
      %sub3A_94 = arith.subi %div3A, %sub3A : i32
      %select_n3A = arith.select %and3A, %sub3A_94, %div3A : i32
      %jit3A_95 = arith.constant 4 : i32
      %eq3A = arith.constant 0 : i32
      %eq3A_96 = arith.cmpi eq, %jit3A_95, %eq3A : i32
      %jit3A_97 = arith.constant 1 : i32
      %select_n3A_98 = arith.select %eq3A_96, %jit3A_97, %jit3A_95 : i32
      %rem3A_99 = arith.remsi %scan3A_78, %select_n3A_98 : i32
      %ne3A_100 = arith.constant 0 : i32
      %ne3A_101 = arith.cmpi ne, %rem3A_99, %ne3A_100 : i32
      %lt3A = arith.constant 0 : i32
      %lt3A_102 = arith.cmpi slt, %rem3A_99, %lt3A : i32
      %lt3A_103 = arith.constant 0 : i32
      %lt3A_104 = arith.cmpi slt, %select_n3A_98, %lt3A_103 : i32
      %ne3A_105 = arith.xori %lt3A_102, %lt3A_104 : i1
      %and3A_106 = arith.andi %ne3A_105, %ne3A_101 : i1
      %add3A_107 = arith.addi %rem3A_99, %select_n3A_98 : i32
      %select_n3A_108 = arith.select %and3A_106, %add3A_107, %rem3A_99 : i32
      %mul3A_109 = arith.constant 16 : i32
      %mul3A_110 = arith.muli %select_n3A_108, %mul3A_109 : i32
      %swap3A = arith.index_cast %select_n3A : i32 to index
      %swap3A_111 = arith.index_cast %mul3A_110 : i32 to index
      %swap3A_112 = tpu.vector_load %arg12[%swap3A, %swap3A_111] {strides = array<i32>} : memref<128x64xf32, #tpu.memory_space<vmem>>, vector<1x16xf32>,
      %swap3A_113 = vector.shape_cast %swap3A_112 : vector<1x16xf32> to vector<16xf32>
      %swap3A_114 = vector.shape_cast %broadcast_in_dim3A_43 : vector<16xf32> to vector<1x16xf32>
      tpu.vector_store %arg12[%swap3A, %swap3A_111], %swap3A_114 {strides = array<i32>} : memref<128x64xf32, #tpu.memory_space<vmem>>, vector<1x16xf32>,
    }
    %scan3A_48 = arith.constant 512 : i32
    %mul3A = arith.constant 640 : i32
    %mul3A_49 = arith.muli %arg1, %mul3A : i32
    %add3A = arith.constant 0 : i32
    %add3A_50 = arith.addi %mul3A_49, %add3A : i32
    "tpu.region"() ({
      %run_scoped3A = tpu.sem_alloc : memref<!tpu.dma_semaphore, #tpu.memory_space<semaphore_mem>>
      %dma_start3A_78 = arith.constant 0 : i32
      %dma_start3A_79 = tpu.memref_slice %arg13[%add3A_50, %dma_start3A_78] : memref<10240x64xf32, #tpu.memory_space<vmem_shared>> -> memref<128x64xf32, #tpu.memory_space<vmem_shared>>
      %dma_start3A_80 = arith.constant 0 : i32
      %dma_start3A_81 = tpu.memref_slice %arg13[%add3A_50, %dma_start3A_80] : memref<10240x64xf32, #tpu.memory_space<vmem_shared>> -> memref<128x64xf32, #tpu.memory_space<vmem_shared>>
      tpu.enqueue_dma source(%arg12 : memref<128x64xf32, #tpu.memory_space<vmem>>) target(%dma_start3A_81 : memref<128x64xf32, #tpu.memory_space<vmem_shared>>) target_semaphore(%run_scoped3A : memref<!tpu.dma_semaphore, #tpu.memory_space<semaphore_mem>>)
      %dma_wait3A = arith.constant 0 : i32
      %dma_wait3A_82 = tpu.memref_slice %arg13[%add3A_50, %dma_wait3A] : memref<10240x64xf32, #tpu.memory_space<vmem_shared>> -> memref<128x64xf32, #tpu.memory_space<vmem_shared>>
      %dma_wait3A_83 = arith.constant 0 : i32
      %dma_wait3A_84 = tpu.memref_slice %arg13[%add3A_50, %dma_wait3A_83] : memref<10240x64xf32, #tpu.memory_space<vmem_shared>> -> memref<128x64xf32, #tpu.memory_space<vmem_shared>>
      tpu.wait_dma2 semaphore(%run_scoped3A : memref<!tpu.dma_semaphore, #tpu.memory_space<semaphore_mem>>) src(%arg12 : memref<128x64xf32, #tpu.memory_space<vmem>>) dst(%dma_wait3A_84 : memref<128x64xf32, #tpu.memory_space<vmem_shared>>)
      tpu.yield
    }) : () -> ()
    %mul3A_51 = arith.constant 640 : i32
    %mul3A_52 = arith.muli %arg1, %mul3A_51 : i32
    %add3A_53 = arith.constant 128 : i32
    %add3A_54 = arith.addi %mul3A_52, %add3A_53 : i32
    "tpu.region"() ({
      %run_scoped3A = tpu.sem_alloc : memref<!tpu.dma_semaphore, #tpu.memory_space<semaphore_mem>>
      %dma_start3A_78 = arith.constant 0 : i32
      %dma_start3A_79 = tpu.memref_slice %arg13[%add3A_54, %dma_start3A_78] : memref<10240x64xf32, #tpu.memory_space<vmem_shared>> -> memref<128x64xf32, #tpu.memory_space<vmem_shared>>
      %dma_start3A_80 = arith.constant 0 : i32
      %dma_start3A_81 = tpu.memref_slice %arg13[%add3A_54, %dma_start3A_80] : memref<10240x64xf32, #tpu.memory_space<vmem_shared>> -> memref<128x64xf32, #tpu.memory_space<vmem_shared>>
      tpu.enqueue_dma source(%arg12 : memref<128x64xf32, #tpu.memory_space<vmem>>) target(%dma_start3A_81 : memref<128x64xf32, #tpu.memory_space<vmem_shared>>) target_semaphore(%run_scoped3A : memref<!tpu.dma_semaphore, #tpu.memory_space<semaphore_mem>>)
      %dma_wait3A = arith.constant 0 : i32
      %dma_wait3A_82 = tpu.memref_slice %arg13[%add3A_54, %dma_wait3A] : memref<10240x64xf32, #tpu.memory_space<vmem_shared>> -> memref<128x64xf32, #tpu.memory_space<vmem_shared>>
      %dma_wait3A_83 = arith.constant 0 : i32
      %dma_wait3A_84 = tpu.memref_slice %arg13[%add3A_54, %dma_wait3A_83] : memref<10240x64xf32, #tpu.memory_space<vmem_shared>> -> memref<128x64xf32, #tpu.memory_space<vmem_shared>>
      tpu.wait_dma2 semaphore(%run_scoped3A : memref<!tpu.dma_semaphore, #tpu.memory_space<semaphore_mem>>) src(%arg12 : memref<128x64xf32, #tpu.memory_space<vmem>>) dst(%dma_wait3A_84 : memref<128x64xf32, #tpu.memory_space<vmem_shared>>)
      tpu.yield
    }) : () -> ()
    %mul3A_55 = arith.constant 640 : i32
    %mul3A_56 = arith.muli %arg1, %mul3A_55 : i32
    %add3A_57 = arith.constant 256 : i32
    %add3A_58 = arith.addi %mul3A_56, %add3A_57 : i32
    "tpu.region"() ({
      %run_scoped3A = tpu.sem_alloc : memref<!tpu.dma_semaphore, #tpu.memory_space<semaphore_mem>>
      %dma_start3A_78 = arith.constant 0 : i32
      %dma_start3A_79 = tpu.memref_slice %arg13[%add3A_58, %dma_start3A_78] : memref<10240x64xf32, #tpu.memory_space<vmem_shared>> -> memref<128x64xf32, #tpu.memory_space<vmem_shared>>
      %dma_start3A_80 = arith.constant 0 : i32
      %dma_start3A_81 = tpu.memref_slice %arg13[%add3A_58, %dma_start3A_80] : memref<10240x64xf32, #tpu.memory_space<vmem_shared>> -> memref<128x64xf32, #tpu.memory_space<vmem_shared>>
      tpu.enqueue_dma source(%arg12 : memref<128x64xf32, #tpu.memory_space<vmem>>) target(%dma_start3A_81 : memref<128x64xf32, #tpu.memory_space<vmem_shared>>) target_semaphore(%run_scoped3A : memref<!tpu.dma_semaphore, #tpu.memory_space<semaphore_mem>>)
      %dma_wait3A = arith.constant 0 : i32
      %dma_wait3A_82 = tpu.memref_slice %arg13[%add3A_58, %dma_wait3A] : memref<10240x64xf32, #tpu.memory_space<vmem_shared>> -> memref<128x64xf32, #tpu.memory_space<vmem_shared>>
      %dma_wait3A_83 = arith.constant 0 : i32
      %dma_wait3A_84 = tpu.memref_slice %arg13[%add3A_58, %dma_wait3A_83] : memref<10240x64xf32, #tpu.memory_space<vmem_shared>> -> memref<128x64xf32, #tpu.memory_space<vmem_shared>>
      tpu.wait_dma2 semaphore(%run_scoped3A : memref<!tpu.dma_semaphore, #tpu.memory_space<semaphore_mem>>) src(%arg12 : memref<128x64xf32, #tpu.memory_space<vmem>>) dst(%dma_wait3A_84 : memref<128x64xf32, #tpu.memory_space<vmem_shared>>)
      tpu.yield
    }) : () -> ()
    %mul3A_59 = arith.constant 640 : i32
    %mul3A_60 = arith.muli %arg1, %mul3A_59 : i32
    %add3A_61 = arith.constant 384 : i32
    %add3A_62 = arith.addi %mul3A_60, %add3A_61 : i32
    "tpu.region"() ({
      %run_scoped3A = tpu.sem_alloc : memref<!tpu.dma_semaphore, #tpu.memory_space<semaphore_mem>>
      %dma_start3A_78 = arith.constant 0 : i32
      %dma_start3A_79 = tpu.memref_slice %arg13[%add3A_62, %dma_start3A_78] : memref<10240x64xf32, #tpu.memory_space<vmem_shared>> -> memref<128x64xf32, #tpu.memory_space<vmem_shared>>
      %dma_start3A_80 = arith.constant 0 : i32
      %dma_start3A_81 = tpu.memref_slice %arg13[%add3A_62, %dma_start3A_80] : memref<10240x64xf32, #tpu.memory_space<vmem_shared>> -> memref<128x64xf32, #tpu.memory_space<vmem_shared>>
      tpu.enqueue_dma source(%arg12 : memref<128x64xf32, #tpu.memory_space<vmem>>) target(%dma_start3A_81 : memref<128x64xf32, #tpu.memory_space<vmem_shared>>) target_semaphore(%run_scoped3A : memref<!tpu.dma_semaphore, #tpu.memory_space<semaphore_mem>>)
      %dma_wait3A = arith.constant 0 : i32
      %dma_wait3A_82 = tpu.memref_slice %arg13[%add3A_62, %dma_wait3A] : memref<10240x64xf32, #tpu.memory_space<vmem_shared>> -> memref<128x64xf32, #tpu.memory_space<vmem_shared>>
      %dma_wait3A_83 = arith.constant 0 : i32
      %dma_wait3A_84 = tpu.memref_slice %arg13[%add3A_62, %dma_wait3A_83] : memref<10240x64xf32, #tpu.memory_space<vmem_shared>> -> memref<128x64xf32, #tpu.memory_space<vmem_shared>>
      tpu.wait_dma2 semaphore(%run_scoped3A : memref<!tpu.dma_semaphore, #tpu.memory_space<semaphore_mem>>) src(%arg12 : memref<128x64xf32, #tpu.memory_space<vmem>>) dst(%dma_wait3A_84 : memref<128x64xf32, #tpu.memory_space<vmem_shared>>)
      tpu.yield
    }) : () -> ()
    %mul3A_63 = arith.constant 640 : i32
    %mul3A_64 = arith.muli %arg1, %mul3A_63 : i32
    %add3A_65 = arith.constant 512 : i32
    %add3A_66 = arith.addi %mul3A_64, %add3A_65 : i32
    "tpu.region"() ({
      %run_scoped3A = tpu.sem_alloc : memref<!tpu.dma_semaphore, #tpu.memory_space<semaphore_mem>>
      %dma_start3A_78 = arith.constant 0 : i32
      %dma_start3A_79 = tpu.memref_slice %arg13[%add3A_66, %dma_start3A_78] : memref<10240x64xf32, #tpu.memory_space<vmem_shared>> -> memref<128x64xf32, #tpu.memory_space<vmem_shared>>
      %dma_start3A_80 = arith.constant 0 : i32
      %dma_start3A_81 = tpu.memref_slice %arg13[%add3A_66, %dma_start3A_80] : memref<10240x64xf32, #tpu.memory_space<vmem_shared>> -> memref<128x64xf32, #tpu.memory_space<vmem_shared>>
      tpu.enqueue_dma source(%arg12 : memref<128x64xf32, #tpu.memory_space<vmem>>) target(%dma_start3A_81 : memref<128x64xf32, #tpu.memory_space<vmem_shared>>) target_semaphore(%run_scoped3A : memref<!tpu.dma_semaphore, #tpu.memory_space<semaphore_mem>>)
      %dma_wait3A = arith.constant 0 : i32
      %dma_wait3A_82 = tpu.memref_slice %arg13[%add3A_66, %dma_wait3A] : memref<10240x64xf32, #tpu.memory_space<vmem_shared>> -> memref<128x64xf32, #tpu.memory_space<vmem_shared>>
      %dma_wait3A_83 = arith.constant 0 : i32
      %dma_wait3A_84 = tpu.memref_slice %arg13[%add3A_66, %dma_wait3A_83] : memref<10240x64xf32, #tpu.memory_space<vmem_shared>> -> memref<128x64xf32, #tpu.memory_space<vmem_shared>>
      tpu.wait_dma2 semaphore(%run_scoped3A : memref<!tpu.dma_semaphore, #tpu.memory_space<semaphore_mem>>) src(%arg12 : memref<128x64xf32, #tpu.memory_space<vmem>>) dst(%dma_wait3A_84 : memref<128x64xf32, #tpu.memory_space<vmem_shared>>)
      tpu.yield
    }) : () -> ()
    %barrier3A = arith.constant 0 : index
    tpu.barrier barrier_id(%barrier3A)
    %scan3A_67 = arith.constant 0 : i32
    %scan3A_68 = arith.constant 0 : i32
    %scan3A_69 = arith.constant 40 : i32
    %scan3A_70 = arith.addi %scan3A_68, %scan3A_69 : i32
    %scan3A_71 = arith.constant 1 : i32
    scf.for %scan3A_78 = %scan3A_68 to %scan3A_70 step %scan3A_71  : i32 {
      %mul3A_79 = arith.constant 4 : i32
      %mul3A_80 = arith.muli %mul3A_79, %scan3A_78 : i32
      %add3A_81 = arith.constant 0 : i32
      %add3A_82 = arith.addi %mul3A_80, %add3A_81 : i32
      %dma_wait3A = arith.constant 0 : i32
      %dma_wait3A_83 = tpu.memref_slice %arg6[%add3A_82, %dma_wait3A] : memref<160x125xi32, #tpu.memory_space<vmem>> -> memref<1x125xi32, #tpu.memory_space<vmem>>
      %dma_wait3A_84 = tpu.memref_squeeze %dma_wait3A_83 : memref<1x125xi32, #tpu.memory_space<vmem>> -> memref<125xi32, #tpu.memory_space<vmem>>
      %dma_wait3A_85 = arith.constant 0 : i32
      %dma_wait3A_86 = arith.constant 0 : i32
      %dma_wait3A_87 = tpu.memref_slice %arg2[%arg0, %dma_wait3A_85, %dma_wait3A_86] : memref<2x10000x64xf32, #tpu.memory_space<hbm>> -> memref<1x10000x64xf32, #tpu.memory_space<hbm>>
      %dma_wait3A_88 = tpu.memref_squeeze %dma_wait3A_87 : memref<1x10000x64xf32, #tpu.memory_space<hbm>> -> memref<10000x64xf32, #tpu.memory_space<hbm>>
      %dma_wait3A_89 = arith.constant 0 : i32
      %dma_wait3A_90 = arith.constant 0 : i32
      %dma_wait3A_91 = tpu.memref_slice %dma_wait3A_88[%dma_wait3A_89, %dma_wait3A_90] : memref<10000x64xf32, #tpu.memory_space<hbm>> -> memref<10000x64xf32, #tpu.memory_space<hbm>>
      tpu.wait_indirect_dma semaphore(%arg14 : memref<!tpu.dma_semaphore, #tpu.memory_space<semaphore_mem>>) src(%dma_wait3A_91 : memref<10000x64xf32, #tpu.memory_space<hbm>>) dst(%arg8 : memref<125x64xf32, #tpu.memory_space<vmem>>)
      "tpu.region"() ({
        %run_scoped3A = tpu.sem_alloc : memref<!tpu.dma_semaphore, #tpu.memory_space<semaphore_mem>>
        %dma_start3A_153 = arith.constant 0 : i32
        %dma_start3A_154 = tpu.memref_slice %arg7[%add3A_82, %dma_start3A_153] : memref<160x125xi32, #tpu.memory_space<vmem>> -> memref<1x125xi32, #tpu.memory_space<vmem>>
        %dma_start3A_155 = tpu.memref_squeeze %dma_start3A_154 : memref<1x125xi32, #tpu.memory_space<vmem>> -> memref<125xi32, #tpu.memory_space<vmem>>
        %dma_start3A_156 = arith.constant 0 : i32
        %dma_start3A_157 = arith.constant 0 : i32
        %dma_start3A_158 = tpu.memref_slice %arg13[%dma_start3A_156, %dma_start3A_157] : memref<10240x64xf32, #tpu.memory_space<vmem_shared>> -> memref<10240x64xf32, #tpu.memory_space<vmem_shared>>
        tpu.enqueue_indirect_dma source(%arg8 : memref<125x64xf32, #tpu.memory_space<vmem>>) target(%dma_start3A_158 : memref<10240x64xf32, #tpu.memory_space<vmem_shared>>) offsets(%dma_start3A_155 : memref<125xi32, #tpu.memory_space<vmem>>) semaphore(%run_scoped3A : memref<!tpu.dma_semaphore, #tpu.memory_space<semaphore_mem>>) {add = true}
        %dma_wait3A_159 = arith.constant 0 : i32
        %dma_wait3A_160 = tpu.memref_slice %arg7[%add3A_82, %dma_wait3A_159] : memref<160x125xi32, #tpu.memory_space<vmem>> -> memref<1x125xi32, #tpu.memory_space<vmem>>
        %dma_wait3A_161 = tpu.memref_squeeze %dma_wait3A_160 : memref<1x125xi32, #tpu.memory_space<vmem>> -> memref<125xi32, #tpu.memory_space<vmem>>
        %dma_wait3A_162 = arith.constant 0 : i32
        %dma_wait3A_163 = arith.constant 0 : i32
        %dma_wait3A_164 = tpu.memref_slice %arg13[%dma_wait3A_162, %dma_wait3A_163] : memref<10240x64xf32, #tpu.memory_space<vmem_shared>> -> memref<10240x64xf32, #tpu.memory_space<vmem_shared>>
        tpu.wait_indirect_dma semaphore(%run_scoped3A : memref<!tpu.dma_semaphore, #tpu.memory_space<semaphore_mem>>) src(%arg8 : memref<125x64xf32, #tpu.memory_space<vmem>>) dst(%dma_wait3A_164 : memref<10240x64xf32, #tpu.memory_space<vmem_shared>>)
        tpu.yield
      }) : () -> ()
      %add3A_92 = arith.constant 4 : i32
      %add3A_93 = arith.addi %add3A_82, %add3A_92 : i32
      %lt3A = arith.constant 160 : i32
      %lt3A_94 = arith.cmpi slt, %add3A_93, %lt3A : i32
      %convert_element_type3A = arith.extui %lt3A_94 : i1 to i32
      %cond3A = arith.constant 0 : i32
      %cond3A_95 = arith.cmpi ne, %convert_element_type3A, %cond3A : i32
      scf.if %cond3A_95 {
        %add3A_153 = arith.constant 4 : i32
        %add3A_154 = arith.addi %add3A_82, %add3A_153 : i32
        %dma_start3A_155 = arith.constant 0 : i32
        %dma_start3A_156 = tpu.memref_slice %arg6[%add3A_154, %dma_start3A_155] : memref<160x125xi32, #tpu.memory_space<vmem>> -> memref<1x125xi32, #tpu.memory_space<vmem>>
        %dma_start3A_157 = tpu.memref_squeeze %dma_start3A_156 : memref<1x125xi32, #tpu.memory_space<vmem>> -> memref<125xi32, #tpu.memory_space<vmem>>
        %dma_start3A_158 = arith.constant 0 : i32
        %dma_start3A_159 = arith.constant 0 : i32
        %dma_start3A_160 = tpu.memref_slice %arg2[%arg0, %dma_start3A_158, %dma_start3A_159] : memref<2x10000x64xf32, #tpu.memory_space<hbm>> -> memref<1x10000x64xf32, #tpu.memory_space<hbm>>
        %dma_start3A_161 = tpu.memref_squeeze %dma_start3A_160 : memref<1x10000x64xf32, #tpu.memory_space<hbm>> -> memref<10000x64xf32, #tpu.memory_space<hbm>>
        %dma_start3A_162 = arith.constant 0 : i32
        %dma_start3A_163 = arith.constant 0 : i32
        %dma_start3A_164 = tpu.memref_slice %dma_start3A_161[%dma_start3A_162, %dma_start3A_163] : memref<10000x64xf32, #tpu.memory_space<hbm>> -> memref<10000x64xf32, #tpu.memory_space<hbm>>
        tpu.enqueue_indirect_dma source(%dma_start3A_164 : memref<10000x64xf32, #tpu.memory_space<hbm>>) target(%arg8 : memref<125x64xf32, #tpu.memory_space<vmem>>) offsets(%dma_start3A_157 : memref<125xi32, #tpu.memory_space<vmem>>) semaphore(%arg14 : memref<!tpu.dma_semaphore, #tpu.memory_space<semaphore_mem>>)
      } else {
      }
      %add3A_96 = arith.constant 1 : i32
      %add3A_97 = arith.addi %mul3A_80, %add3A_96 : i32
      %dma_wait3A_98 = arith.constant 0 : i32
      %dma_wait3A_99 = tpu.memref_slice %arg6[%add3A_97, %dma_wait3A_98] : memref<160x125xi32, #tpu.memory_space<vmem>> -> memref<1x125xi32, #tpu.memory_space<vmem>>
      %dma_wait3A_100 = tpu.memref_squeeze %dma_wait3A_99 : memref<1x125xi32, #tpu.memory_space<vmem>> -> memref<125xi32, #tpu.memory_space<vmem>>
      %dma_wait3A_101 = arith.constant 0 : i32
      %dma_wait3A_102 = arith.constant 0 : i32
      %dma_wait3A_103 = tpu.memref_slice %arg2[%arg0, %dma_wait3A_101, %dma_wait3A_102] : memref<2x10000x64xf32, #tpu.memory_space<hbm>> -> memref<1x10000x64xf32, #tpu.memory_space<hbm>>
      %dma_wait3A_104 = tpu.memref_squeeze %dma_wait3A_103 : memref<1x10000x64xf32, #tpu.memory_space<hbm>> -> memref<10000x64xf32, #tpu.memory_space<hbm>>
      %dma_wait3A_105 = arith.constant 0 : i32
      %dma_wait3A_106 = arith.constant 0 : i32
      %dma_wait3A_107 = tpu.memref_slice %dma_wait3A_104[%dma_wait3A_105, %dma_wait3A_106] : memref<10000x64xf32, #tpu.memory_space<hbm>> -> memref<10000x64xf32, #tpu.memory_space<hbm>>
      tpu.wait_indirect_dma semaphore(%arg15 : memref<!tpu.dma_semaphore, #tpu.memory_space<semaphore_mem>>) src(%dma_wait3A_107 : memref<10000x64xf32, #tpu.memory_space<hbm>>) dst(%arg9 : memref<125x64xf32, #tpu.memory_space<vmem>>)
      "tpu.region"() ({
        %run_scoped3A = tpu.sem_alloc : memref<!tpu.dma_semaphore, #tpu.memory_space<semaphore_mem>>
        %dma_start3A_153 = arith.constant 0 : i32
        %dma_start3A_154 = tpu.memref_slice %arg7[%add3A_97, %dma_start3A_153] : memref<160x125xi32, #tpu.memory_space<vmem>> -> memref<1x125xi32, #tpu.memory_space<vmem>>
        %dma_start3A_155 = tpu.memref_squeeze %dma_start3A_154 : memref<1x125xi32, #tpu.memory_space<vmem>> -> memref<125xi32, #tpu.memory_space<vmem>>
        %dma_start3A_156 = arith.constant 0 : i32
        %dma_start3A_157 = arith.constant 0 : i32
        %dma_start3A_158 = tpu.memref_slice %arg13[%dma_start3A_156, %dma_start3A_157] : memref<10240x64xf32, #tpu.memory_space<vmem_shared>> -> memref<10240x64xf32, #tpu.memory_space<vmem_shared>>
        tpu.enqueue_indirect_dma source(%arg9 : memref<125x64xf32, #tpu.memory_space<vmem>>) target(%dma_start3A_158 : memref<10240x64xf32, #tpu.memory_space<vmem_shared>>) offsets(%dma_start3A_155 : memref<125xi32, #tpu.memory_space<vmem>>) semaphore(%run_scoped3A : memref<!tpu.dma_semaphore, #tpu.memory_space<semaphore_mem>>) {add = true}
        %dma_wait3A_159 = arith.constant 0 : i32
        %dma_wait3A_160 = tpu.memref_slice %arg7[%add3A_97, %dma_wait3A_159] : memref<160x125xi32, #tpu.memory_space<vmem>> -> memref<1x125xi32, #tpu.memory_space<vmem>>
        %dma_wait3A_161 = tpu.memref_squeeze %dma_wait3A_160 : memref<1x125xi32, #tpu.memory_space<vmem>> -> memref<125xi32, #tpu.memory_space<vmem>>
        %dma_wait3A_162 = arith.constant 0 : i32
        %dma_wait3A_163 = arith.constant 0 : i32
        %dma_wait3A_164 = tpu.memref_slice %arg13[%dma_wait3A_162, %dma_wait3A_163] : memref<10240x64xf32, #tpu.memory_space<vmem_shared>> -> memref<10240x64xf32, #tpu.memory_space<vmem_shared>>
        tpu.wait_indirect_dma semaphore(%run_scoped3A : memref<!tpu.dma_semaphore, #tpu.memory_space<semaphore_mem>>) src(%arg9 : memref<125x64xf32, #tpu.memory_space<vmem>>) dst(%dma_wait3A_164 : memref<10240x64xf32, #tpu.memory_space<vmem_shared>>)
        tpu.yield
      }) : () -> ()
      %add3A_108 = arith.constant 4 : i32
      %add3A_109 = arith.addi %add3A_97, %add3A_108 : i32
      %lt3A_110 = arith.constant 160 : i32
      %lt3A_111 = arith.cmpi slt, %add3A_109, %lt3A_110 : i32
      %convert_element_type3A_112 = arith.extui %lt3A_111 : i1 to i32
      %cond3A_113 = arith.constant 0 : i32
      %cond3A_114 = arith.cmpi ne, %convert_element_type3A_112, %cond3A_113 : i32
      scf.if %cond3A_114 {
        %add3A_153 = arith.constant 4 : i32
        %add3A_154 = arith.addi %add3A_97, %add3A_153 : i32
        %dma_start3A_155 = arith.constant 0 : i32
        %dma_start3A_156 = tpu.memref_slice %arg6[%add3A_154, %dma_start3A_155] : memref<160x125xi32, #tpu.memory_space<vmem>> -> memref<1x125xi32, #tpu.memory_space<vmem>>
        %dma_start3A_157 = tpu.memref_squeeze %dma_start3A_156 : memref<1x125xi32, #tpu.memory_space<vmem>> -> memref<125xi32, #tpu.memory_space<vmem>>
        %dma_start3A_158 = arith.constant 0 : i32
        %dma_start3A_159 = arith.constant 0 : i32
        %dma_start3A_160 = tpu.memref_slice %arg2[%arg0, %dma_start3A_158, %dma_start3A_159] : memref<2x10000x64xf32, #tpu.memory_space<hbm>> -> memref<1x10000x64xf32, #tpu.memory_space<hbm>>
        %dma_start3A_161 = tpu.memref_squeeze %dma_start3A_160 : memref<1x10000x64xf32, #tpu.memory_space<hbm>> -> memref<10000x64xf32, #tpu.memory_space<hbm>>
        %dma_start3A_162 = arith.constant 0 : i32
        %dma_start3A_163 = arith.constant 0 : i32
        %dma_start3A_164 = tpu.memref_slice %dma_start3A_161[%dma_start3A_162, %dma_start3A_163] : memref<10000x64xf32, #tpu.memory_space<hbm>> -> memref<10000x64xf32, #tpu.memory_space<hbm>>
        tpu.enqueue_indirect_dma source(%dma_start3A_164 : memref<10000x64xf32, #tpu.memory_space<hbm>>) target(%arg9 : memref<125x64xf32, #tpu.memory_space<vmem>>) offsets(%dma_start3A_157 : memref<125xi32, #tpu.memory_space<vmem>>) semaphore(%arg15 : memref<!tpu.dma_semaphore, #tpu.memory_space<semaphore_mem>>)
      } else {
      }
      %add3A_115 = arith.constant 2 : i32
      %add3A_116 = arith.addi %mul3A_80, %add3A_115 : i32
      %dma_wait3A_117 = arith.constant 0 : i32
      %dma_wait3A_118 = tpu.memref_slice %arg6[%add3A_116, %dma_wait3A_117] : memref<160x125xi32, #tpu.memory_space<vmem>> -> memref<1x125xi32, #tpu.memory_space<vmem>>
      %dma_wait3A_119 = tpu.memref_squeeze %dma_wait3A_118 : memref<1x125xi32, #tpu.memory_space<vmem>> -> memref<125xi32, #tpu.memory_space<vmem>>
      %dma_wait3A_120 = arith.constant 0 : i32
      %dma_wait3A_121 = arith.constant 0 : i32
      %dma_wait3A_122 = tpu.memref_slice %arg2[%arg0, %dma_wait3A_120, %dma_wait3A_121] : memref<2x10000x64xf32, #tpu.memory_space<hbm>> -> memref<1x10000x64xf32, #tpu.memory_space<hbm>>
      %dma_wait3A_123 = tpu.memref_squeeze %dma_wait3A_122 : memref<1x10000x64xf32, #tpu.memory_space<hbm>> -> memref<10000x64xf32, #tpu.memory_space<hbm>>
      %dma_wait3A_124 = arith.constant 0 : i32
      %dma_wait3A_125 = arith.constant 0 : i32
      %dma_wait3A_126 = tpu.memref_slice %dma_wait3A_123[%dma_wait3A_124, %dma_wait3A_125] : memref<10000x64xf32, #tpu.memory_space<hbm>> -> memref<10000x64xf32, #tpu.memory_space<hbm>>
      tpu.wait_indirect_dma semaphore(%arg16 : memref<!tpu.dma_semaphore, #tpu.memory_space<semaphore_mem>>) src(%dma_wait3A_126 : memref<10000x64xf32, #tpu.memory_space<hbm>>) dst(%arg10 : memref<125x64xf32, #tpu.memory_space<vmem>>)
      "tpu.region"() ({
        %run_scoped3A = tpu.sem_alloc : memref<!tpu.dma_semaphore, #tpu.memory_space<semaphore_mem>>
        %dma_start3A_153 = arith.constant 0 : i32
        %dma_start3A_154 = tpu.memref_slice %arg7[%add3A_116, %dma_start3A_153] : memref<160x125xi32, #tpu.memory_space<vmem>> -> memref<1x125xi32, #tpu.memory_space<vmem>>
        %dma_start3A_155 = tpu.memref_squeeze %dma_start3A_154 : memref<1x125xi32, #tpu.memory_space<vmem>> -> memref<125xi32, #tpu.memory_space<vmem>>
        %dma_start3A_156 = arith.constant 0 : i32
        %dma_start3A_157 = arith.constant 0 : i32
        %dma_start3A_158 = tpu.memref_slice %arg13[%dma_start3A_156, %dma_start3A_157] : memref<10240x64xf32, #tpu.memory_space<vmem_shared>> -> memref<10240x64xf32, #tpu.memory_space<vmem_shared>>
        tpu.enqueue_indirect_dma source(%arg10 : memref<125x64xf32, #tpu.memory_space<vmem>>) target(%dma_start3A_158 : memref<10240x64xf32, #tpu.memory_space<vmem_shared>>) offsets(%dma_start3A_155 : memref<125xi32, #tpu.memory_space<vmem>>) semaphore(%run_scoped3A : memref<!tpu.dma_semaphore, #tpu.memory_space<semaphore_mem>>) {add = true}
        %dma_wait3A_159 = arith.constant 0 : i32
        %dma_wait3A_160 = tpu.memref_slice %arg7[%add3A_116, %dma_wait3A_159] : memref<160x125xi32, #tpu.memory_space<vmem>> -> memref<1x125xi32, #tpu.memory_space<vmem>>
        %dma_wait3A_161 = tpu.memref_squeeze %dma_wait3A_160 : memref<1x125xi32, #tpu.memory_space<vmem>> -> memref<125xi32, #tpu.memory_space<vmem>>
        %dma_wait3A_162 = arith.constant 0 : i32
        %dma_wait3A_163 = arith.constant 0 : i32
        %dma_wait3A_164 = tpu.memref_slice %arg13[%dma_wait3A_162, %dma_wait3A_163] : memref<10240x64xf32, #tpu.memory_space<vmem_shared>> -> memref<10240x64xf32, #tpu.memory_space<vmem_shared>>
        tpu.wait_indirect_dma semaphore(%run_scoped3A : memref<!tpu.dma_semaphore, #tpu.memory_space<semaphore_mem>>) src(%arg10 : memref<125x64xf32, #tpu.memory_space<vmem>>) dst(%dma_wait3A_164 : memref<10240x64xf32, #tpu.memory_space<vmem_shared>>)
        tpu.yield
      }) : () -> ()
      %add3A_127 = arith.constant 4 : i32
      %add3A_128 = arith.addi %add3A_116, %add3A_127 : i32
      %lt3A_129 = arith.constant 160 : i32
      %lt3A_130 = arith.cmpi slt, %add3A_128, %lt3A_129 : i32
      %convert_element_type3A_131 = arith.extui %lt3A_130 : i1 to i32
      %cond3A_132 = arith.constant 0 : i32
      %cond3A_133 = arith.cmpi ne, %convert_element_type3A_131, %cond3A_132 : i32
      scf.if %cond3A_133 {
        %add3A_153 = arith.constant 4 : i32
        %add3A_154 = arith.addi %add3A_116, %add3A_153 : i32
        %dma_start3A_155 = arith.constant 0 : i32
        %dma_start3A_156 = tpu.memref_slice %arg6[%add3A_154, %dma_start3A_155] : memref<160x125xi32, #tpu.memory_space<vmem>> -> memref<1x125xi32, #tpu.memory_space<vmem>>
        %dma_start3A_157 = tpu.memref_squeeze %dma_start3A_156 : memref<1x125xi32, #tpu.memory_space<vmem>> -> memref<125xi32, #tpu.memory_space<vmem>>
        %dma_start3A_158 = arith.constant 0 : i32
        %dma_start3A_159 = arith.constant 0 : i32
        %dma_start3A_160 = tpu.memref_slice %arg2[%arg0, %dma_start3A_158, %dma_start3A_159] : memref<2x10000x64xf32, #tpu.memory_space<hbm>> -> memref<1x10000x64xf32, #tpu.memory_space<hbm>>
        %dma_start3A_161 = tpu.memref_squeeze %dma_start3A_160 : memref<1x10000x64xf32, #tpu.memory_space<hbm>> -> memref<10000x64xf32, #tpu.memory_space<hbm>>
        %dma_start3A_162 = arith.constant 0 : i32
        %dma_start3A_163 = arith.constant 0 : i32
        %dma_start3A_164 = tpu.memref_slice %dma_start3A_161[%dma_start3A_162, %dma_start3A_163] : memref<10000x64xf32, #tpu.memory_space<hbm>> -> memref<10000x64xf32, #tpu.memory_space<hbm>>
        tpu.enqueue_indirect_dma source(%dma_start3A_164 : memref<10000x64xf32, #tpu.memory_space<hbm>>) target(%arg10 : memref<125x64xf32, #tpu.memory_space<vmem>>) offsets(%dma_start3A_157 : memref<125xi32, #tpu.memory_space<vmem>>) semaphore(%arg16 : memref<!tpu.dma_semaphore, #tpu.memory_space<semaphore_mem>>)
      } else {
      }
      %add3A_134 = arith.constant 3 : i32
      %add3A_135 = arith.addi %mul3A_80, %add3A_134 : i32
      %dma_wait3A_136 = arith.constant 0 : i32
      %dma_wait3A_137 = tpu.memref_slice %arg6[%add3A_135, %dma_wait3A_136] : memref<160x125xi32, #tpu.memory_space<vmem>> -> memref<1x125xi32, #tpu.memory_space<vmem>>
      %dma_wait3A_138 = tpu.memref_squeeze %dma_wait3A_137 : memref<1x125xi32, #tpu.memory_space<vmem>> -> memref<125xi32, #tpu.memory_space<vmem>>
      %dma_wait3A_139 = arith.constant 0 : i32
      %dma_wait3A_140 = arith.constant 0 : i32
      %dma_wait3A_141 = tpu.memref_slice %arg2[%arg0, %dma_wait3A_139, %dma_wait3A_140] : memref<2x10000x64xf32, #tpu.memory_space<hbm>> -> memref<1x10000x64xf32, #tpu.memory_space<hbm>>
      %dma_wait3A_142 = tpu.memref_squeeze %dma_wait3A_141 : memref<1x10000x64xf32, #tpu.memory_space<hbm>> -> memref<10000x64xf32, #tpu.memory_space<hbm>>
      %dma_wait3A_143 = arith.constant 0 : i32
      %dma_wait3A_144 = arith.constant 0 : i32
      %dma_wait3A_145 = tpu.memref_slice %dma_wait3A_142[%dma_wait3A_143, %dma_wait3A_144] : memref<10000x64xf32, #tpu.memory_space<hbm>> -> memref<10000x64xf32, #tpu.memory_space<hbm>>
      tpu.wait_indirect_dma semaphore(%arg17 : memref<!tpu.dma_semaphore, #tpu.memory_space<semaphore_mem>>) src(%dma_wait3A_145 : memref<10000x64xf32, #tpu.memory_space<hbm>>) dst(%arg11 : memref<125x64xf32, #tpu.memory_space<vmem>>)
      "tpu.region"() ({
        %run_scoped3A = tpu.sem_alloc : memref<!tpu.dma_semaphore, #tpu.memory_space<semaphore_mem>>
        %dma_start3A_153 = arith.constant 0 : i32
        %dma_start3A_154 = tpu.memref_slice %arg7[%add3A_135, %dma_start3A_153] : memref<160x125xi32, #tpu.memory_space<vmem>> -> memref<1x125xi32, #tpu.memory_space<vmem>>
        %dma_start3A_155 = tpu.memref_squeeze %dma_start3A_154 : memref<1x125xi32, #tpu.memory_space<vmem>> -> memref<125xi32, #tpu.memory_space<vmem>>
        %dma_start3A_156 = arith.constant 0 : i32
        %dma_start3A_157 = arith.constant 0 : i32
        %dma_start3A_158 = tpu.memref_slice %arg13[%dma_start3A_156, %dma_start3A_157] : memref<10240x64xf32, #tpu.memory_space<vmem_shared>> -> memref<10240x64xf32, #tpu.memory_space<vmem_shared>>
        tpu.enqueue_indirect_dma source(%arg11 : memref<125x64xf32, #tpu.memory_space<vmem>>) target(%dma_start3A_158 : memref<10240x64xf32, #tpu.memory_space<vmem_shared>>) offsets(%dma_start3A_155 : memref<125xi32, #tpu.memory_space<vmem>>) semaphore(%run_scoped3A : memref<!tpu.dma_semaphore, #tpu.memory_space<semaphore_mem>>) {add = true}
        %dma_wait3A_159 = arith.constant 0 : i32
        %dma_wait3A_160 = tpu.memref_slice %arg7[%add3A_135, %dma_wait3A_159] : memref<160x125xi32, #tpu.memory_space<vmem>> -> memref<1x125xi32, #tpu.memory_space<vmem>>
        %dma_wait3A_161 = tpu.memref_squeeze %dma_wait3A_160 : memref<1x125xi32, #tpu.memory_space<vmem>> -> memref<125xi32, #tpu.memory_space<vmem>>
        %dma_wait3A_162 = arith.constant 0 : i32
        %dma_wait3A_163 = arith.constant 0 : i32
        %dma_wait3A_164 = tpu.memref_slice %arg13[%dma_wait3A_162, %dma_wait3A_163] : memref<10240x64xf32, #tpu.memory_space<vmem_shared>> -> memref<10240x64xf32, #tpu.memory_space<vmem_shared>>
        tpu.wait_indirect_dma semaphore(%run_scoped3A : memref<!tpu.dma_semaphore, #tpu.memory_space<semaphore_mem>>) src(%arg11 : memref<125x64xf32, #tpu.memory_space<vmem>>) dst(%dma_wait3A_164 : memref<10240x64xf32, #tpu.memory_space<vmem_shared>>)
        tpu.yield
      }) : () -> ()
      %add3A_146 = arith.constant 4 : i32
      %add3A_147 = arith.addi %add3A_135, %add3A_146 : i32
      %lt3A_148 = arith.constant 160 : i32
      %lt3A_149 = arith.cmpi slt, %add3A_147, %lt3A_148 : i32
      %convert_element_type3A_150 = arith.extui %lt3A_149 : i1 to i32
      %cond3A_151 = arith.constant 0 : i32
      %cond3A_152 = arith.cmpi ne, %convert_element_type3A_150, %cond3A_151 : i32
      scf.if %cond3A_152 {
        %add3A_153 = arith.constant 4 : i32
        %add3A_154 = arith.addi %add3A_135, %add3A_153 : i32
        %dma_start3A_155 = arith.constant 0 : i32
        %dma_start3A_156 = tpu.memref_slice %arg6[%add3A_154, %dma_start3A_155] : memref<160x125xi32, #tpu.memory_space<vmem>> -> memref<1x125xi32, #tpu.memory_space<vmem>>
        %dma_start3A_157 = tpu.memref_squeeze %dma_start3A_156 : memref<1x125xi32, #tpu.memory_space<vmem>> -> memref<125xi32, #tpu.memory_space<vmem>>
        %dma_start3A_158 = arith.constant 0 : i32
        %dma_start3A_159 = arith.constant 0 : i32
        %dma_start3A_160 = tpu.memref_slice %arg2[%arg0, %dma_start3A_158, %dma_start3A_159] : memref<2x10000x64xf32, #tpu.memory_space<hbm>> -> memref<1x10000x64xf32, #tpu.memory_space<hbm>>
        %dma_start3A_161 = tpu.memref_squeeze %dma_start3A_160 : memref<1x10000x64xf32, #tpu.memory_space<hbm>> -> memref<10000x64xf32, #tpu.memory_space<hbm>>
        %dma_start3A_162 = arith.constant 0 : i32
        %dma_start3A_163 = arith.constant 0 : i32
        %dma_start3A_164 = tpu.memref_slice %dma_start3A_161[%dma_start3A_162, %dma_start3A_163] : memref<10000x64xf32, #tpu.memory_space<hbm>> -> memref<10000x64xf32, #tpu.memory_space<hbm>>
        tpu.enqueue_indirect_dma source(%dma_start3A_164 : memref<10000x64xf32, #tpu.memory_space<hbm>>) target(%arg11 : memref<125x64xf32, #tpu.memory_space<vmem>>) offsets(%dma_start3A_157 : memref<125xi32, #tpu.memory_space<vmem>>) semaphore(%arg17 : memref<!tpu.dma_semaphore, #tpu.memory_space<semaphore_mem>>)
      } else {
      }
    }
    %scan3A_72 = arith.constant 40 : i32
    %barrier3A_73 = arith.constant 0 : index
    tpu.barrier barrier_id(%barrier3A_73)
    %mul3A_74 = arith.constant 640 : i32
    %mul3A_75 = arith.muli %arg1, %mul3A_74 : i32
    %mul3A_76 = arith.constant 640 : i32
    %mul3A_77 = arith.muli %arg1, %mul3A_76 : i32
    "tpu.region"() ({
      %run_scoped3A = tpu.sem_alloc : memref<!tpu.dma_semaphore, #tpu.memory_space<semaphore_mem>>
      %dma_start3A_78 = arith.constant 0 : i32
      %dma_start3A_79 = tpu.memref_slice %arg5[%arg0, %mul3A_77, %dma_start3A_78] : memref<2x10240x64xf32, #tpu.memory_space<hbm>> -> memref<1x640x64xf32, #tpu.memory_space<hbm>>
      %dma_start3A_80 = tpu.memref_squeeze %dma_start3A_79 : memref<1x640x64xf32, #tpu.memory_space<hbm>> -> memref<640x64xf32, #tpu.memory_space<hbm>>
      %dma_start3A_81 = arith.constant 0 : i32
      %dma_start3A_82 = tpu.memref_slice %arg13[%mul3A_75, %dma_start3A_81] : memref<10240x64xf32, #tpu.memory_space<vmem_shared>> -> memref<640x64xf32, #tpu.memory_space<vmem_shared>>
      tpu.enqueue_dma source(%dma_start3A_82 : memref<640x64xf32, #tpu.memory_space<vmem_shared>>) target(%dma_start3A_80 : memref<640x64xf32, #tpu.memory_space<hbm>>) target_semaphore(%run_scoped3A : memref<!tpu.dma_semaphore, #tpu.memory_space<semaphore_mem>>)
      %dma_wait3A = arith.constant 0 : i32
      %dma_wait3A_83 = tpu.memref_slice %arg5[%arg0, %mul3A_77, %dma_wait3A] : memref<2x10240x64xf32, #tpu.memory_space<hbm>> -> memref<1x640x64xf32, #tpu.memory_space<hbm>>
      %dma_wait3A_84 = tpu.memref_squeeze %dma_wait3A_83 : memref<1x640x64xf32, #tpu.memory_space<hbm>> -> memref<640x64xf32, #tpu.memory_space<hbm>>
      %dma_wait3A_85 = arith.constant 0 : i32
      %dma_wait3A_86 = tpu.memref_slice %arg13[%mul3A_75, %dma_wait3A_85] : memref<10240x64xf32, #tpu.memory_space<vmem_shared>> -> memref<640x64xf32, #tpu.memory_space<vmem_shared>>
      tpu.wait_dma2 semaphore(%run_scoped3A : memref<!tpu.dma_semaphore, #tpu.memory_space<semaphore_mem>>) src(%dma_wait3A_86 : memref<640x64xf32, #tpu.memory_space<vmem_shared>>) dst(%dma_wait3A_84 : memref<640x64xf32, #tpu.memory_space<hbm>>)
      tpu.yield
    }) : () -> ()
    return
  }
}

#map = affine_map<(d0, d1) -> (0, 0, 0)>
module attributes {stable_mosaic.version = 14 : i64} {
  func.func @_deg_body(%arg0: i32, %arg1: i32, %arg2: memref<32x80x125xi32, #tpu.memory_space<hbm>>, %arg3: memref<2x10240x16xf32, #tpu.memory_space<hbm>>, %arg4: memref<80x125xi32, #tpu.memory_space<vmem>>, %arg5: memref<125x16xf32, #tpu.memory_space<vmem>>, %arg6: memref<128x16xf32, #tpu.memory_space<vmem>>, %arg7: memref<10240x16xf32, #tpu.memory_space<vmem_shared>>, %arg8: memref<!tpu.dma_semaphore, #tpu.memory_space<semaphore_mem>>) attributes {dimension_semantics = [#tpu.dimension_semantics<core_parallel>, #tpu.dimension_semantics<subcore_parallel>], iteration_bounds = array<i64: 2, 16>, scalar_prefetch = 0 : i64, scratch_operands = 5 : i64, tpu.core_type = #tpu.core_type<sc_vector_subcore>, window_params = [{transform_indices = #map}, {transform_indices = #map}]} {
    %mul3A = arith.constant 16 : i32
    %mul3A_0 = arith.muli %arg0, %mul3A : i32
    %add3A = arith.addi %mul3A_0, %arg1 : i32
    %broadcast_in_dim3A = arith.constant 0.000000e+00 : f32
    %broadcast_in_dim3A_1 = vector.broadcast %broadcast_in_dim3A : f32 to vector<16xf32>
    %broadcast_in_dim3A_2 = arith.constant 1.000000e+00 : f32
    %broadcast_in_dim3A_3 = vector.broadcast %broadcast_in_dim3A_2 : f32 to vector<16xf32>
    %scan3A = arith.constant 0 : i32
    %scan3A_4 = arith.constant 0 : i32
    %scan3A_5 = arith.constant 128 : i32
    %scan3A_6 = arith.addi %scan3A_4, %scan3A_5 : i32
    %scan3A_7 = arith.constant 1 : i32
    scf.for %scan3A_52 = %scan3A_4 to %scan3A_6 step %scan3A_7  : i32 {
      %swap3A = arith.index_cast %scan3A_52 : i32 to index
      %swap3A_53 = arith.constant 0 : index
      %swap3A_54 = tpu.vector_load %arg6[%swap3A, %swap3A_53] {strides = array<i32>} : memref<128x16xf32, #tpu.memory_space<vmem>>, vector<1x16xf32>,
      %swap3A_55 = vector.shape_cast %swap3A_54 : vector<1x16xf32> to vector<16xf32>
      %swap3A_56 = vector.shape_cast %broadcast_in_dim3A_1 : vector<16xf32> to vector<1x16xf32>
      tpu.vector_store %arg6[%swap3A, %swap3A_53], %swap3A_56 {strides = array<i32>} : memref<128x16xf32, #tpu.memory_space<vmem>>, vector<1x16xf32>,
    }
    %scan3A_8 = arith.constant 128 : i32
    %mul3A_9 = arith.constant 640 : i32
    %mul3A_10 = arith.muli %arg1, %mul3A_9 : i32
    %add3A_11 = arith.constant 0 : i32
    %add3A_12 = arith.addi %mul3A_10, %add3A_11 : i32
    "tpu.region"() ({
      %run_scoped3A = tpu.sem_alloc : memref<!tpu.dma_semaphore, #tpu.memory_space<semaphore_mem>>
      %dma_start3A = arith.constant 0 : i32
      %dma_start3A_52 = tpu.memref_slice %arg7[%add3A_12, %dma_start3A] : memref<10240x16xf32, #tpu.memory_space<vmem_shared>> -> memref<128x16xf32, #tpu.memory_space<vmem_shared>>
      %dma_start3A_53 = arith.constant 0 : i32
      %dma_start3A_54 = tpu.memref_slice %arg7[%add3A_12, %dma_start3A_53] : memref<10240x16xf32, #tpu.memory_space<vmem_shared>> -> memref<128x16xf32, #tpu.memory_space<vmem_shared>>
      tpu.enqueue_dma source(%arg6 : memref<128x16xf32, #tpu.memory_space<vmem>>) target(%dma_start3A_54 : memref<128x16xf32, #tpu.memory_space<vmem_shared>>) target_semaphore(%run_scoped3A : memref<!tpu.dma_semaphore, #tpu.memory_space<semaphore_mem>>)
      %dma_wait3A = arith.constant 0 : i32
      %dma_wait3A_55 = tpu.memref_slice %arg7[%add3A_12, %dma_wait3A] : memref<10240x16xf32, #tpu.memory_space<vmem_shared>> -> memref<128x16xf32, #tpu.memory_space<vmem_shared>>
      %dma_wait3A_56 = arith.constant 0 : i32
      %dma_wait3A_57 = tpu.memref_slice %arg7[%add3A_12, %dma_wait3A_56] : memref<10240x16xf32, #tpu.memory_space<vmem_shared>> -> memref<128x16xf32, #tpu.memory_space<vmem_shared>>
      tpu.wait_dma2 semaphore(%run_scoped3A : memref<!tpu.dma_semaphore, #tpu.memory_space<semaphore_mem>>) src(%arg6 : memref<128x16xf32, #tpu.memory_space<vmem>>) dst(%dma_wait3A_57 : memref<128x16xf32, #tpu.memory_space<vmem_shared>>)
      tpu.yield
    }) : () -> ()
    %mul3A_13 = arith.constant 640 : i32
    %mul3A_14 = arith.muli %arg1, %mul3A_13 : i32
    %add3A_15 = arith.constant 128 : i32
    %add3A_16 = arith.addi %mul3A_14, %add3A_15 : i32
    "tpu.region"() ({
      %run_scoped3A = tpu.sem_alloc : memref<!tpu.dma_semaphore, #tpu.memory_space<semaphore_mem>>
      %dma_start3A = arith.constant 0 : i32
      %dma_start3A_52 = tpu.memref_slice %arg7[%add3A_16, %dma_start3A] : memref<10240x16xf32, #tpu.memory_space<vmem_shared>> -> memref<128x16xf32, #tpu.memory_space<vmem_shared>>
      %dma_start3A_53 = arith.constant 0 : i32
      %dma_start3A_54 = tpu.memref_slice %arg7[%add3A_16, %dma_start3A_53] : memref<10240x16xf32, #tpu.memory_space<vmem_shared>> -> memref<128x16xf32, #tpu.memory_space<vmem_shared>>
      tpu.enqueue_dma source(%arg6 : memref<128x16xf32, #tpu.memory_space<vmem>>) target(%dma_start3A_54 : memref<128x16xf32, #tpu.memory_space<vmem_shared>>) target_semaphore(%run_scoped3A : memref<!tpu.dma_semaphore, #tpu.memory_space<semaphore_mem>>)
      %dma_wait3A = arith.constant 0 : i32
      %dma_wait3A_55 = tpu.memref_slice %arg7[%add3A_16, %dma_wait3A] : memref<10240x16xf32, #tpu.memory_space<vmem_shared>> -> memref<128x16xf32, #tpu.memory_space<vmem_shared>>
      %dma_wait3A_56 = arith.constant 0 : i32
      %dma_wait3A_57 = tpu.memref_slice %arg7[%add3A_16, %dma_wait3A_56] : memref<10240x16xf32, #tpu.memory_space<vmem_shared>> -> memref<128x16xf32, #tpu.memory_space<vmem_shared>>
      tpu.wait_dma2 semaphore(%run_scoped3A : memref<!tpu.dma_semaphore, #tpu.memory_space<semaphore_mem>>) src(%arg6 : memref<128x16xf32, #tpu.memory_space<vmem>>) dst(%dma_wait3A_57 : memref<128x16xf32, #tpu.memory_space<vmem_shared>>)
      tpu.yield
    }) : () -> ()
    %mul3A_17 = arith.constant 640 : i32
    %mul3A_18 = arith.muli %arg1, %mul3A_17 : i32
    %add3A_19 = arith.constant 256 : i32
    %add3A_20 = arith.addi %mul3A_18, %add3A_19 : i32
    "tpu.region"() ({
      %run_scoped3A = tpu.sem_alloc : memref<!tpu.dma_semaphore, #tpu.memory_space<semaphore_mem>>
      %dma_start3A = arith.constant 0 : i32
      %dma_start3A_52 = tpu.memref_slice %arg7[%add3A_20, %dma_start3A] : memref<10240x16xf32, #tpu.memory_space<vmem_shared>> -> memref<128x16xf32, #tpu.memory_space<vmem_shared>>
      %dma_start3A_53 = arith.constant 0 : i32
      %dma_start3A_54 = tpu.memref_slice %arg7[%add3A_20, %dma_start3A_53] : memref<10240x16xf32, #tpu.memory_space<vmem_shared>> -> memref<128x16xf32, #tpu.memory_space<vmem_shared>>
      tpu.enqueue_dma source(%arg6 : memref<128x16xf32, #tpu.memory_space<vmem>>) target(%dma_start3A_54 : memref<128x16xf32, #tpu.memory_space<vmem_shared>>) target_semaphore(%run_scoped3A : memref<!tpu.dma_semaphore, #tpu.memory_space<semaphore_mem>>)
      %dma_wait3A = arith.constant 0 : i32
      %dma_wait3A_55 = tpu.memref_slice %arg7[%add3A_20, %dma_wait3A] : memref<10240x16xf32, #tpu.memory_space<vmem_shared>> -> memref<128x16xf32, #tpu.memory_space<vmem_shared>>
      %dma_wait3A_56 = arith.constant 0 : i32
      %dma_wait3A_57 = tpu.memref_slice %arg7[%add3A_20, %dma_wait3A_56] : memref<10240x16xf32, #tpu.memory_space<vmem_shared>> -> memref<128x16xf32, #tpu.memory_space<vmem_shared>>
      tpu.wait_dma2 semaphore(%run_scoped3A : memref<!tpu.dma_semaphore, #tpu.memory_space<semaphore_mem>>) src(%arg6 : memref<128x16xf32, #tpu.memory_space<vmem>>) dst(%dma_wait3A_57 : memref<128x16xf32, #tpu.memory_space<vmem_shared>>)
      tpu.yield
    }) : () -> ()
    %mul3A_21 = arith.constant 640 : i32
    %mul3A_22 = arith.muli %arg1, %mul3A_21 : i32
    %add3A_23 = arith.constant 384 : i32
    %add3A_24 = arith.addi %mul3A_22, %add3A_23 : i32
    "tpu.region"() ({
      %run_scoped3A = tpu.sem_alloc : memref<!tpu.dma_semaphore, #tpu.memory_space<semaphore_mem>>
      %dma_start3A = arith.constant 0 : i32
      %dma_start3A_52 = tpu.memref_slice %arg7[%add3A_24, %dma_start3A] : memref<10240x16xf32, #tpu.memory_space<vmem_shared>> -> memref<128x16xf32, #tpu.memory_space<vmem_shared>>
      %dma_start3A_53 = arith.constant 0 : i32
      %dma_start3A_54 = tpu.memref_slice %arg7[%add3A_24, %dma_start3A_53] : memref<10240x16xf32, #tpu.memory_space<vmem_shared>> -> memref<128x16xf32, #tpu.memory_space<vmem_shared>>
      tpu.enqueue_dma source(%arg6 : memref<128x16xf32, #tpu.memory_space<vmem>>) target(%dma_start3A_54 : memref<128x16xf32, #tpu.memory_space<vmem_shared>>) target_semaphore(%run_scoped3A : memref<!tpu.dma_semaphore, #tpu.memory_space<semaphore_mem>>)
      %dma_wait3A = arith.constant 0 : i32
      %dma_wait3A_55 = tpu.memref_slice %arg7[%add3A_24, %dma_wait3A] : memref<10240x16xf32, #tpu.memory_space<vmem_shared>> -> memref<128x16xf32, #tpu.memory_space<vmem_shared>>
      %dma_wait3A_56 = arith.constant 0 : i32
      %dma_wait3A_57 = tpu.memref_slice %arg7[%add3A_24, %dma_wait3A_56] : memref<10240x16xf32, #tpu.memory_space<vmem_shared>> -> memref<128x16xf32, #tpu.memory_space<vmem_shared>>
      tpu.wait_dma2 semaphore(%run_scoped3A : memref<!tpu.dma_semaphore, #tpu.memory_space<semaphore_mem>>) src(%arg6 : memref<128x16xf32, #tpu.memory_space<vmem>>) dst(%dma_wait3A_57 : memref<128x16xf32, #tpu.memory_space<vmem_shared>>)
      tpu.yield
    }) : () -> ()
    %mul3A_25 = arith.constant 640 : i32
    %mul3A_26 = arith.muli %arg1, %mul3A_25 : i32
    %add3A_27 = arith.constant 512 : i32
    %add3A_28 = arith.addi %mul3A_26, %add3A_27 : i32
    "tpu.region"() ({
      %run_scoped3A = tpu.sem_alloc : memref<!tpu.dma_semaphore, #tpu.memory_space<semaphore_mem>>
      %dma_start3A = arith.constant 0 : i32
      %dma_start3A_52 = tpu.memref_slice %arg7[%add3A_28, %dma_start3A] : memref<10240x16xf32, #tpu.memory_space<vmem_shared>> -> memref<128x16xf32, #tpu.memory_space<vmem_shared>>
      %dma_start3A_53 = arith.constant 0 : i32
      %dma_start3A_54 = tpu.memref_slice %arg7[%add3A_28, %dma_start3A_53] : memref<10240x16xf32, #tpu.memory_space<vmem_shared>> -> memref<128x16xf32, #tpu.memory_space<vmem_shared>>
      tpu.enqueue_dma source(%arg6 : memref<128x16xf32, #tpu.memory_space<vmem>>) target(%dma_start3A_54 : memref<128x16xf32, #tpu.memory_space<vmem_shared>>) target_semaphore(%run_scoped3A : memref<!tpu.dma_semaphore, #tpu.memory_space<semaphore_mem>>)
      %dma_wait3A = arith.constant 0 : i32
      %dma_wait3A_55 = tpu.memref_slice %arg7[%add3A_28, %dma_wait3A] : memref<10240x16xf32, #tpu.memory_space<vmem_shared>> -> memref<128x16xf32, #tpu.memory_space<vmem_shared>>
      %dma_wait3A_56 = arith.constant 0 : i32
      %dma_wait3A_57 = tpu.memref_slice %arg7[%add3A_28, %dma_wait3A_56] : memref<10240x16xf32, #tpu.memory_space<vmem_shared>> -> memref<128x16xf32, #tpu.memory_space<vmem_shared>>
      tpu.wait_dma2 semaphore(%run_scoped3A : memref<!tpu.dma_semaphore, #tpu.memory_space<semaphore_mem>>) src(%arg6 : memref<128x16xf32, #tpu.memory_space<vmem>>) dst(%dma_wait3A_57 : memref<128x16xf32, #tpu.memory_space<vmem_shared>>)
      tpu.yield
    }) : () -> ()
    %scan3A_29 = arith.constant 0 : i32
    %scan3A_30 = arith.constant 0 : i32
    %scan3A_31 = arith.constant 125 : i32
    %scan3A_32 = arith.addi %scan3A_30, %scan3A_31 : i32
    %scan3A_33 = arith.constant 1 : i32
    scf.for %scan3A_52 = %scan3A_30 to %scan3A_32 step %scan3A_33  : i32 {
      %swap3A = arith.index_cast %scan3A_52 : i32 to index
      %swap3A_53 = arith.constant 0 : index
      %swap3A_54 = tpu.vector_load %arg5[%swap3A, %swap3A_53] {strides = array<i32>} : memref<125x16xf32, #tpu.memory_space<vmem>>, vector<1x16xf32>,
      %swap3A_55 = vector.shape_cast %swap3A_54 : vector<1x16xf32> to vector<16xf32>
      %swap3A_56 = vector.shape_cast %broadcast_in_dim3A_3 : vector<16xf32> to vector<1x16xf32>
      tpu.vector_store %arg5[%swap3A, %swap3A_53], %swap3A_56 {strides = array<i32>} : memref<125x16xf32, #tpu.memory_space<vmem>>, vector<1x16xf32>,
    }
    %scan3A_34 = arith.constant 125 : i32
    %barrier3A = arith.constant 0 : index
    tpu.barrier barrier_id(%barrier3A)
    "tpu.region"() ({
      %run_scoped3A = tpu.sem_alloc : memref<!tpu.dma_semaphore, #tpu.memory_space<semaphore_mem>>
      %dma_start3A = arith.constant 0 : i32
      %dma_start3A_52 = arith.constant 0 : i32
      %dma_start3A_53 = tpu.memref_slice %arg2[%add3A, %dma_start3A, %dma_start3A_52] : memref<32x80x125xi32, #tpu.memory_space<hbm>> -> memref<1x80x125xi32, #tpu.memory_space<hbm>>
      %dma_start3A_54 = tpu.memref_squeeze %dma_start3A_53 : memref<1x80x125xi32, #tpu.memory_space<hbm>> -> memref<80x125xi32, #tpu.memory_space<hbm>>
      %dma_start3A_55 = arith.constant 0 : i32
      %dma_start3A_56 = arith.constant 0 : i32
      %dma_start3A_57 = tpu.memref_slice %arg2[%add3A, %dma_start3A_55, %dma_start3A_56] : memref<32x80x125xi32, #tpu.memory_space<hbm>> -> memref<1x80x125xi32, #tpu.memory_space<hbm>>
      %dma_start3A_58 = tpu.memref_squeeze %dma_start3A_57 : memref<1x80x125xi32, #tpu.memory_space<hbm>> -> memref<80x125xi32, #tpu.memory_space<hbm>>
      tpu.enqueue_dma source(%dma_start3A_58 : memref<80x125xi32, #tpu.memory_space<hbm>>) target(%arg4 : memref<80x125xi32, #tpu.memory_space<vmem>>) target_semaphore(%run_scoped3A : memref<!tpu.dma_semaphore, #tpu.memory_space<semaphore_mem>>)
      %dma_wait3A = arith.constant 0 : i32
      %dma_wait3A_59 = arith.constant 0 : i32
      %dma_wait3A_60 = tpu.memref_slice %arg2[%add3A, %dma_wait3A, %dma_wait3A_59] : memref<32x80x125xi32, #tpu.memory_space<hbm>> -> memref<1x80x125xi32, #tpu.memory_space<hbm>>
      %dma_wait3A_61 = tpu.memref_squeeze %dma_wait3A_60 : memref<1x80x125xi32, #tpu.memory_space<hbm>> -> memref<80x125xi32, #tpu.memory_space<hbm>>
      %dma_wait3A_62 = arith.constant 0 : i32
      %dma_wait3A_63 = arith.constant 0 : i32
      %dma_wait3A_64 = tpu.memref_slice %arg2[%add3A, %dma_wait3A_62, %dma_wait3A_63] : memref<32x80x125xi32, #tpu.memory_space<hbm>> -> memref<1x80x125xi32, #tpu.memory_space<hbm>>
      %dma_wait3A_65 = tpu.memref_squeeze %dma_wait3A_64 : memref<1x80x125xi32, #tpu.memory_space<hbm>> -> memref<80x125xi32, #tpu.memory_space<hbm>>
      tpu.wait_dma2 semaphore(%run_scoped3A : memref<!tpu.dma_semaphore, #tpu.memory_space<semaphore_mem>>) src(%dma_wait3A_65 : memref<80x125xi32, #tpu.memory_space<hbm>>) dst(%arg4 : memref<80x125xi32, #tpu.memory_space<vmem>>)
      tpu.yield
    }) : () -> ()
    %scan3A_35 = arith.constant 0 : i32
    %scan3A_36 = arith.constant 0 : i32
    %scan3A_37 = arith.constant 80 : i32
    %scan3A_38 = arith.addi %scan3A_36, %scan3A_37 : i32
    %scan3A_39 = arith.constant 1 : i32
    scf.for %scan3A_52 = %scan3A_36 to %scan3A_38 step %scan3A_39  : i32 {
      %dma_start3A = arith.constant 0 : i32
      %dma_start3A_53 = tpu.memref_slice %arg4[%scan3A_52, %dma_start3A] : memref<80x125xi32, #tpu.memory_space<vmem>> -> memref<1x125xi32, #tpu.memory_space<vmem>>
      %dma_start3A_54 = tpu.memref_squeeze %dma_start3A_53 : memref<1x125xi32, #tpu.memory_space<vmem>> -> memref<125xi32, #tpu.memory_space<vmem>>
      %dma_start3A_55 = arith.constant 0 : i32
      %dma_start3A_56 = arith.constant 0 : i32
      %dma_start3A_57 = tpu.memref_slice %arg7[%dma_start3A_55, %dma_start3A_56] : memref<10240x16xf32, #tpu.memory_space<vmem_shared>> -> memref<10240x16xf32, #tpu.memory_space<vmem_shared>>
      tpu.enqueue_indirect_dma source(%arg5 : memref<125x16xf32, #tpu.memory_space<vmem>>) target(%dma_start3A_57 : memref<10240x16xf32, #tpu.memory_space<vmem_shared>>) offsets(%dma_start3A_54 : memref<125xi32, #tpu.memory_space<vmem>>) semaphore(%arg8 : memref<!tpu.dma_semaphore, #tpu.memory_space<semaphore_mem>>) {add = true}
    }
    %scan3A_40 = arith.constant 80 : i32
    %scan3A_41 = arith.constant 0 : i32
    %scan3A_42 = arith.constant 0 : i32
    %scan3A_43 = arith.constant 80 : i32
    %scan3A_44 = arith.addi %scan3A_42, %scan3A_43 : i32
    %scan3A_45 = arith.constant 1 : i32
    scf.for %scan3A_52 = %scan3A_42 to %scan3A_44 step %scan3A_45  : i32 {
      %dma_wait3A = arith.constant 0 : i32
      %dma_wait3A_53 = tpu.memref_slice %arg4[%scan3A_52, %dma_wait3A] : memref<80x125xi32, #tpu.memory_space<vmem>> -> memref<1x125xi32, #tpu.memory_space<vmem>>
      %dma_wait3A_54 = tpu.memref_squeeze %dma_wait3A_53 : memref<1x125xi32, #tpu.memory_space<vmem>> -> memref<125xi32, #tpu.memory_space<vmem>>
      %dma_wait3A_55 = arith.constant 0 : i32
      %dma_wait3A_56 = arith.constant 0 : i32
      %dma_wait3A_57 = tpu.memref_slice %arg7[%dma_wait3A_55, %dma_wait3A_56] : memref<10240x16xf32, #tpu.memory_space<vmem_shared>> -> memref<10240x16xf32, #tpu.memory_space<vmem_shared>>
      tpu.wait_indirect_dma semaphore(%arg8 : memref<!tpu.dma_semaphore, #tpu.memory_space<semaphore_mem>>) src(%arg5 : memref<125x16xf32, #tpu.memory_space<vmem>>) dst(%dma_wait3A_57 : memref<10240x16xf32, #tpu.memory_space<vmem_shared>>)
    }
    %scan3A_46 = arith.constant 80 : i32
    %barrier3A_47 = arith.constant 0 : index
    tpu.barrier barrier_id(%barrier3A_47)
    %mul3A_48 = arith.constant 640 : i32
    %mul3A_49 = arith.muli %arg1, %mul3A_48 : i32
    %mul3A_50 = arith.constant 640 : i32
    %mul3A_51 = arith.muli %arg1, %mul3A_50 : i32
    "tpu.region"() ({
      %run_scoped3A = tpu.sem_alloc : memref<!tpu.dma_semaphore, #tpu.memory_space<semaphore_mem>>
      %dma_start3A = arith.constant 0 : i32
      %dma_start3A_52 = tpu.memref_slice %arg3[%arg0, %mul3A_51, %dma_start3A] : memref<2x10240x16xf32, #tpu.memory_space<hbm>> -> memref<1x640x16xf32, #tpu.memory_space<hbm>>
      %dma_start3A_53 = tpu.memref_squeeze %dma_start3A_52 : memref<1x640x16xf32, #tpu.memory_space<hbm>> -> memref<640x16xf32, #tpu.memory_space<hbm>>
      %dma_start3A_54 = arith.constant 0 : i32
      %dma_start3A_55 = tpu.memref_slice %arg7[%mul3A_49, %dma_start3A_54] : memref<10240x16xf32, #tpu.memory_space<vmem_shared>> -> memref<640x16xf32, #tpu.memory_space<vmem_shared>>
      tpu.enqueue_dma source(%dma_start3A_55 : memref<640x16xf32, #tpu.memory_space<vmem_shared>>) target(%dma_start3A_53 : memref<640x16xf32, #tpu.memory_space<hbm>>) target_semaphore(%run_scoped3A : memref<!tpu.dma_semaphore, #tpu.memory_space<semaphore_mem>>)
      %dma_wait3A = arith.constant 0 : i32
      %dma_wait3A_56 = tpu.memref_slice %arg3[%arg0, %mul3A_51, %dma_wait3A] : memref<2x10240x16xf32, #tpu.memory_space<hbm>> -> memref<1x640x16xf32, #tpu.memory_space<hbm>>
      %dma_wait3A_57 = tpu.memref_squeeze %dma_wait3A_56 : memref<1x640x16xf32, #tpu.memory_space<hbm>> -> memref<640x16xf32, #tpu.memory_space<hbm>>
      %dma_wait3A_58 = arith.constant 0 : i32
      %dma_wait3A_59 = tpu.memref_slice %arg7[%mul3A_49, %dma_wait3A_58] : memref<10240x16xf32, #tpu.memory_space<vmem_shared>> -> memref<640x16xf32, #tpu.memory_space<vmem_shared>>
      tpu.wait_dma2 semaphore(%run_scoped3A : memref<!tpu.dma_semaphore, #tpu.memory_space<semaphore_mem>>) src(%dma_wait3A_59 : memref<640x16xf32, #tpu.memory_space<vmem_shared>>) dst(%dma_wait3A_57 : memref<640x16xf32, #tpu.memory_space<hbm>>)
      tpu.yield
    }) : () -> ()
    return
  }
}

#map = affine_map<(d0, d1) -> (0, 0, 0)>
module attributes {stable_mosaic.version = 14 : i64} {
  func.func @_agg_body(%arg0: i32, %arg1: i32, %arg2: memref<2x10000x64xf32, #tpu.memory_space<hbm>>, %arg3: memref<16x160x125xi32, #tpu.memory_space<hbm>>, %arg4: memref<16x160x125xi32, #tpu.memory_space<hbm>>, %arg5: memref<2x10240x64xf32, #tpu.memory_space<hbm>>, %arg6: memref<160x125xi32, #tpu.memory_space<vmem>>, %arg7: memref<160x125xi32, #tpu.memory_space<vmem>>, %arg8: memref<125x64xf32, #tpu.memory_space<vmem>>, %arg9: memref<125x64xf32, #tpu.memory_space<vmem>>, %arg10: memref<125x64xf32, #tpu.memory_space<vmem>>, %arg11: memref<125x64xf32, #tpu.memory_space<vmem>>, %arg12: memref<128x64xf32, #tpu.memory_space<vmem>>, %arg13: memref<10240x64xf32, #tpu.memory_space<vmem_shared>>, %arg14: memref<!tpu.dma_semaphore, #tpu.memory_space<semaphore_mem>>, %arg15: memref<!tpu.dma_semaphore, #tpu.memory_space<semaphore_mem>>, %arg16: memref<!tpu.dma_semaphore, #tpu.memory_space<semaphore_mem>>, %arg17: memref<!tpu.dma_semaphore, #tpu.memory_space<semaphore_mem>>) attributes {dimension_semantics = [#tpu.dimension_semantics<core_parallel>, #tpu.dimension_semantics<subcore_parallel>], iteration_bounds = array<i64: 2, 16>, scalar_prefetch = 0 : i64, scratch_operands = 12 : i64, tpu.core_type = #tpu.core_type<sc_vector_subcore>, window_params = [{transform_indices = #map}, {transform_indices = #map}, {transform_indices = #map}, {transform_indices = #map}]} {
    "tpu.region"() ({
      %run_scoped3A = tpu.sem_alloc : memref<!tpu.dma_semaphore, #tpu.memory_space<semaphore_mem>>
      %dma_start3A_78 = arith.constant 0 : i32
      %dma_start3A_79 = arith.constant 0 : i32
      %dma_start3A_80 = tpu.memref_slice %arg3[%arg1, %dma_start3A_78, %dma_start3A_79] : memref<16x160x125xi32, #tpu.memory_space<hbm>> -> memref<1x160x125xi32, #tpu.memory_space<hbm>>
      %dma_start3A_81 = tpu.memref_squeeze %dma_start3A_80 : memref<1x160x125xi32, #tpu.memory_space<hbm>> -> memref<160x125xi32, #tpu.memory_space<hbm>>
      %dma_start3A_82 = arith.constant 0 : i32
      %dma_start3A_83 = arith.constant 0 : i32
      %dma_start3A_84 = tpu.memref_slice %arg3[%arg1, %dma_start3A_82, %dma_start3A_83] : memref<16x160x125xi32, #tpu.memory_space<hbm>> -> memref<1x160x125xi32, #tpu.memory_space<hbm>>
      %dma_start3A_85 = tpu.memref_squeeze %dma_start3A_84 : memref<1x160x125xi32, #tpu.memory_space<hbm>> -> memref<160x125xi32, #tpu.memory_space<hbm>>
      tpu.enqueue_dma source(%dma_start3A_85 : memref<160x125xi32, #tpu.memory_space<hbm>>) target(%arg6 : memref<160x125xi32, #tpu.memory_space<vmem>>) target_semaphore(%run_scoped3A : memref<!tpu.dma_semaphore, #tpu.memory_space<semaphore_mem>>)
      %dma_wait3A = arith.constant 0 : i32
      %dma_wait3A_86 = arith.constant 0 : i32
      %dma_wait3A_87 = tpu.memref_slice %arg3[%arg1, %dma_wait3A, %dma_wait3A_86] : memref<16x160x125xi32, #tpu.memory_space<hbm>> -> memref<1x160x125xi32, #tpu.memory_space<hbm>>
      %dma_wait3A_88 = tpu.memref_squeeze %dma_wait3A_87 : memref<1x160x125xi32, #tpu.memory_space<hbm>> -> memref<160x125xi32, #tpu.memory_space<hbm>>
      %dma_wait3A_89 = arith.constant 0 : i32
      %dma_wait3A_90 = arith.constant 0 : i32
      %dma_wait3A_91 = tpu.memref_slice %arg3[%arg1, %dma_wait3A_89, %dma_wait3A_90] : memref<16x160x125xi32, #tpu.memory_space<hbm>> -> memref<1x160x125xi32, #tpu.memory_space<hbm>>
      %dma_wait3A_92 = tpu.memref_squeeze %dma_wait3A_91 : memref<1x160x125xi32, #tpu.memory_space<hbm>> -> memref<160x125xi32, #tpu.memory_space<hbm>>
      tpu.wait_dma2 semaphore(%run_scoped3A : memref<!tpu.dma_semaphore, #tpu.memory_space<semaphore_mem>>) src(%dma_wait3A_92 : memref<160x125xi32, #tpu.memory_space<hbm>>) dst(%arg6 : memref<160x125xi32, #tpu.memory_space<vmem>>)
      tpu.yield
    }) : () -> ()
    "tpu.region"() ({
      %run_scoped3A = tpu.sem_alloc : memref<!tpu.dma_semaphore, #tpu.memory_space<semaphore_mem>>
      %dma_start3A_78 = arith.constant 0 : i32
      %dma_start3A_79 = arith.constant 0 : i32
      %dma_start3A_80 = tpu.memref_slice %arg4[%arg1, %dma_start3A_78, %dma_start3A_79] : memref<16x160x125xi32, #tpu.memory_space<hbm>> -> memref<1x160x125xi32, #tpu.memory_space<hbm>>
      %dma_start3A_81 = tpu.memref_squeeze %dma_start3A_80 : memref<1x160x125xi32, #tpu.memory_space<hbm>> -> memref<160x125xi32, #tpu.memory_space<hbm>>
      %dma_start3A_82 = arith.constant 0 : i32
      %dma_start3A_83 = arith.constant 0 : i32
      %dma_start3A_84 = tpu.memref_slice %arg4[%arg1, %dma_start3A_82, %dma_start3A_83] : memref<16x160x125xi32, #tpu.memory_space<hbm>> -> memref<1x160x125xi32, #tpu.memory_space<hbm>>
      %dma_start3A_85 = tpu.memref_squeeze %dma_start3A_84 : memref<1x160x125xi32, #tpu.memory_space<hbm>> -> memref<160x125xi32, #tpu.memory_space<hbm>>
      tpu.enqueue_dma source(%dma_start3A_85 : memref<160x125xi32, #tpu.memory_space<hbm>>) target(%arg7 : memref<160x125xi32, #tpu.memory_space<vmem>>) target_semaphore(%run_scoped3A : memref<!tpu.dma_semaphore, #tpu.memory_space<semaphore_mem>>)
      %dma_wait3A = arith.constant 0 : i32
      %dma_wait3A_86 = arith.constant 0 : i32
      %dma_wait3A_87 = tpu.memref_slice %arg4[%arg1, %dma_wait3A, %dma_wait3A_86] : memref<16x160x125xi32, #tpu.memory_space<hbm>> -> memref<1x160x125xi32, #tpu.memory_space<hbm>>
      %dma_wait3A_88 = tpu.memref_squeeze %dma_wait3A_87 : memref<1x160x125xi32, #tpu.memory_space<hbm>> -> memref<160x125xi32, #tpu.memory_space<hbm>>
      %dma_wait3A_89 = arith.constant 0 : i32
      %dma_wait3A_90 = arith.constant 0 : i32
      %dma_wait3A_91 = tpu.memref_slice %arg4[%arg1, %dma_wait3A_89, %dma_wait3A_90] : memref<16x160x125xi32, #tpu.memory_space<hbm>> -> memref<1x160x125xi32, #tpu.memory_space<hbm>>
      %dma_wait3A_92 = tpu.memref_squeeze %dma_wait3A_91 : memref<1x160x125xi32, #tpu.memory_space<hbm>> -> memref<160x125xi32, #tpu.memory_space<hbm>>
      tpu.wait_dma2 semaphore(%run_scoped3A : memref<!tpu.dma_semaphore, #tpu.memory_space<semaphore_mem>>) src(%dma_wait3A_92 : memref<160x125xi32, #tpu.memory_space<hbm>>) dst(%arg7 : memref<160x125xi32, #tpu.memory_space<vmem>>)
      tpu.yield
    }) : () -> ()
    %dma_start3A = arith.constant 0 : i32
    %dma_start3A_0 = arith.constant 0 : i32
    %dma_start3A_1 = tpu.memref_slice %arg6[%dma_start3A, %dma_start3A_0] : memref<160x125xi32, #tpu.memory_space<vmem>> -> memref<1x125xi32, #tpu.memory_space<vmem>>
    %dma_start3A_2 = tpu.memref_squeeze %dma_start3A_1 : memref<1x125xi32, #tpu.memory_space<vmem>> -> memref<125xi32, #tpu.memory_space<vmem>>
    %dma_start3A_3 = arith.constant 0 : i32
    %dma_start3A_4 = arith.constant 0 : i32
    %dma_start3A_5 = tpu.memref_slice %arg2[%arg0, %dma_start3A_3, %dma_start3A_4] : memref<2x10000x64xf32, #tpu.memory_space<hbm>> -> memref<1x10000x64xf32, #tpu.memory_space<hbm>>
    %dma_start3A_6 = tpu.memref_squeeze %dma_start3A_5 : memref<1x10000x64xf32, #tpu.memory_space<hbm>> -> memref<10000x64xf32, #tpu.memory_space<hbm>>
    %dma_start3A_7 = arith.constant 0 : i32
    %dma_start3A_8 = arith.constant 0 : i32
    %dma_start3A_9 = tpu.memref_slice %dma_start3A_6[%dma_start3A_7, %dma_start3A_8] : memref<10000x64xf32, #tpu.memory_space<hbm>> -> memref<10000x64xf32, #tpu.memory_space<hbm>>
    tpu.enqueue_indirect_dma source(%dma_start3A_9 : memref<10000x64xf32, #tpu.memory_space<hbm>>) target(%arg8 : memref<125x64xf32, #tpu.memory_space<vmem>>) offsets(%dma_start3A_2 : memref<125xi32, #tpu.memory_space<vmem>>) semaphore(%arg14 : memref<!tpu.dma_semaphore, #tpu.memory_space<semaphore_mem>>)
    %dma_start3A_10 = arith.constant 1 : i32
    %dma_start3A_11 = arith.constant 0 : i32
    %dma_start3A_12 = tpu.memref_slice %arg6[%dma_start3A_10, %dma_start3A_11] : memref<160x125xi32, #tpu.memory_space<vmem>> -> memref<1x125xi32, #tpu.memory_space<vmem>>
    %dma_start3A_13 = tpu.memref_squeeze %dma_start3A_12 : memref<1x125xi32, #tpu.memory_space<vmem>> -> memref<125xi32, #tpu.memory_space<vmem>>
    %dma_start3A_14 = arith.constant 0 : i32
    %dma_start3A_15 = arith.constant 0 : i32
    %dma_start3A_16 = tpu.memref_slice %arg2[%arg0, %dma_start3A_14, %dma_start3A_15] : memref<2x10000x64xf32, #tpu.memory_space<hbm>> -> memref<1x10000x64xf32, #tpu.memory_space<hbm>>
    %dma_start3A_17 = tpu.memref_squeeze %dma_start3A_16 : memref<1x10000x64xf32, #tpu.memory_space<hbm>> -> memref<10000x64xf32, #tpu.memory_space<hbm>>
    %dma_start3A_18 = arith.constant 0 : i32
    %dma_start3A_19 = arith.constant 0 : i32
    %dma_start3A_20 = tpu.memref_slice %dma_start3A_17[%dma_start3A_18, %dma_start3A_19] : memref<10000x64xf32, #tpu.memory_space<hbm>> -> memref<10000x64xf32, #tpu.memory_space<hbm>>
    tpu.enqueue_indirect_dma source(%dma_start3A_20 : memref<10000x64xf32, #tpu.memory_space<hbm>>) target(%arg9 : memref<125x64xf32, #tpu.memory_space<vmem>>) offsets(%dma_start3A_13 : memref<125xi32, #tpu.memory_space<vmem>>) semaphore(%arg15 : memref<!tpu.dma_semaphore, #tpu.memory_space<semaphore_mem>>)
    %dma_start3A_21 = arith.constant 2 : i32
    %dma_start3A_22 = arith.constant 0 : i32
    %dma_start3A_23 = tpu.memref_slice %arg6[%dma_start3A_21, %dma_start3A_22] : memref<160x125xi32, #tpu.memory_space<vmem>> -> memref<1x125xi32, #tpu.memory_space<vmem>>
    %dma_start3A_24 = tpu.memref_squeeze %dma_start3A_23 : memref<1x125xi32, #tpu.memory_space<vmem>> -> memref<125xi32, #tpu.memory_space<vmem>>
    %dma_start3A_25 = arith.constant 0 : i32
    %dma_start3A_26 = arith.constant 0 : i32
    %dma_start3A_27 = tpu.memref_slice %arg2[%arg0, %dma_start3A_25, %dma_start3A_26] : memref<2x10000x64xf32, #tpu.memory_space<hbm>> -> memref<1x10000x64xf32, #tpu.memory_space<hbm>>
    %dma_start3A_28 = tpu.memref_squeeze %dma_start3A_27 : memref<1x10000x64xf32, #tpu.memory_space<hbm>> -> memref<10000x64xf32, #tpu.memory_space<hbm>>
    %dma_start3A_29 = arith.constant 0 : i32
    %dma_start3A_30 = arith.constant 0 : i32
    %dma_start3A_31 = tpu.memref_slice %dma_start3A_28[%dma_start3A_29, %dma_start3A_30] : memref<10000x64xf32, #tpu.memory_space<hbm>> -> memref<10000x64xf32, #tpu.memory_space<hbm>>
    tpu.enqueue_indirect_dma source(%dma_start3A_31 : memref<10000x64xf32, #tpu.memory_space<hbm>>) target(%arg10 : memref<125x64xf32, #tpu.memory_space<vmem>>) offsets(%dma_start3A_24 : memref<125xi32, #tpu.memory_space<vmem>>) semaphore(%arg16 : memref<!tpu.dma_semaphore, #tpu.memory_space<semaphore_mem>>)
    %dma_start3A_32 = arith.constant 3 : i32
    %dma_start3A_33 = arith.constant 0 : i32
    %dma_start3A_34 = tpu.memref_slice %arg6[%dma_start3A_32, %dma_start3A_33] : memref<160x125xi32, #tpu.memory_space<vmem>> -> memref<1x125xi32, #tpu.memory_space<vmem>>
    %dma_start3A_35 = tpu.memref_squeeze %dma_start3A_34 : memref<1x125xi32, #tpu.memory_space<vmem>> -> memref<125xi32, #tpu.memory_space<vmem>>
    %dma_start3A_36 = arith.constant 0 : i32
    %dma_start3A_37 = arith.constant 0 : i32
    %dma_start3A_38 = tpu.memref_slice %arg2[%arg0, %dma_start3A_36, %dma_start3A_37] : memref<2x10000x64xf32, #tpu.memory_space<hbm>> -> memref<1x10000x64xf32, #tpu.memory_space<hbm>>
    %dma_start3A_39 = tpu.memref_squeeze %dma_start3A_38 : memref<1x10000x64xf32, #tpu.memory_space<hbm>> -> memref<10000x64xf32, #tpu.memory_space<hbm>>
    %dma_start3A_40 = arith.constant 0 : i32
    %dma_start3A_41 = arith.constant 0 : i32
    %dma_start3A_42 = tpu.memref_slice %dma_start3A_39[%dma_start3A_40, %dma_start3A_41] : memref<10000x64xf32, #tpu.memory_space<hbm>> -> memref<10000x64xf32, #tpu.memory_space<hbm>>
    tpu.enqueue_indirect_dma source(%dma_start3A_42 : memref<10000x64xf32, #tpu.memory_space<hbm>>) target(%arg11 : memref<125x64xf32, #tpu.memory_space<vmem>>) offsets(%dma_start3A_35 : memref<125xi32, #tpu.memory_space<vmem>>) semaphore(%arg17 : memref<!tpu.dma_semaphore, #tpu.memory_space<semaphore_mem>>)
    %broadcast_in_dim3A = arith.constant 0.000000e+00 : f32
    %broadcast_in_dim3A_43 = vector.broadcast %broadcast_in_dim3A : f32 to vector<16xf32>
    %scan3A = arith.constant 0 : i32
    %scan3A_44 = arith.constant 0 : i32
    %scan3A_45 = arith.constant 512 : i32
    %scan3A_46 = arith.addi %scan3A_44, %scan3A_45 : i32
    %scan3A_47 = arith.constant 1 : i32
    scf.for %scan3A_78 = %scan3A_44 to %scan3A_46 step %scan3A_47  : i32 {
      %jit3A = arith.constant 4 : i32
      %div3A = arith.divsi %scan3A_78, %jit3A : i32
      %sign3A = arith.constant 0 : i32
      %sign3A_79 = arith.cmpi sgt, %scan3A_78, %sign3A : i32
      %sign3A_80 = arith.extui %sign3A_79 : i1 to i32
      %sign3A_81 = arith.constant 0 : i32
      %sign3A_82 = arith.cmpi slt, %scan3A_78, %sign3A_81 : i32
      %sign3A_83 = arith.extui %sign3A_82 : i1 to i32
      %sign3A_84 = arith.subi %sign3A_80, %sign3A_83 : i32
      %sign3A_85 = arith.constant 0 : i32
      %sign3A_86 = arith.cmpi sgt, %jit3A, %sign3A_85 : i32
      %sign3A_87 = arith.extui %sign3A_86 : i1 to i32
      %sign3A_88 = arith.constant 0 : i32
      %sign3A_89 = arith.cmpi slt, %jit3A, %sign3A_88 : i32
      %sign3A_90 = arith.extui %sign3A_89 : i1 to i32
      %sign3A_91 = arith.subi %sign3A_87, %sign3A_90 : i32
      %ne3A = arith.cmpi ne, %sign3A_84, %sign3A_91 : i32
      %rem3A = arith.remsi %scan3A_78, %jit3A : i32
      %ne3A_92 = arith.constant 0 : i32
      %ne3A_93 = arith.cmpi ne, %rem3A, %ne3A_92 : i32
      %and3A = arith.andi %ne3A, %ne3A_93 : i1
      %sub3A = arith.constant 1 : i32
      %sub3A_94 = arith.subi %div3A, %sub3A : i32
      %select_n3A = arith.select %and3A, %sub3A_94, %div3A : i32
      %jit3A_95 = arith.constant 4 : i32
      %eq3A = arith.constant 0 : i32
      %eq3A_96 = arith.cmpi eq, %jit3A_95, %eq3A : i32
      %jit3A_97 = arith.constant 1 : i32
      %select_n3A_98 = arith.select %eq3A_96, %jit3A_97, %jit3A_95 : i32
      %rem3A_99 = arith.remsi %scan3A_78, %select_n3A_98 : i32
      %ne3A_100 = arith.constant 0 : i32
      %ne3A_101 = arith.cmpi ne, %rem3A_99, %ne3A_100 : i32
      %lt3A = arith.constant 0 : i32
      %lt3A_102 = arith.cmpi slt, %rem3A_99, %lt3A : i32
      %lt3A_103 = arith.constant 0 : i32
      %lt3A_104 = arith.cmpi slt, %select_n3A_98, %lt3A_103 : i32
      %ne3A_105 = arith.xori %lt3A_102, %lt3A_104 : i1
      %and3A_106 = arith.andi %ne3A_105, %ne3A_101 : i1
      %add3A_107 = arith.addi %rem3A_99, %select_n3A_98 : i32
      %select_n3A_108 = arith.select %and3A_106, %add3A_107, %rem3A_99 : i32
      %mul3A_109 = arith.constant 16 : i32
      %mul3A_110 = arith.muli %select_n3A_108, %mul3A_109 : i32
      %swap3A = arith.index_cast %select_n3A : i32 to index
      %swap3A_111 = arith.index_cast %mul3A_110 : i32 to index
      %swap3A_112 = tpu.vector_load %arg12[%swap3A, %swap3A_111] {strides = array<i32>} : memref<128x64xf32, #tpu.memory_space<vmem>>, vector<1x16xf32>,
      %swap3A_113 = vector.shape_cast %swap3A_112 : vector<1x16xf32> to vector<16xf32>
      %swap3A_114 = vector.shape_cast %broadcast_in_dim3A_43 : vector<16xf32> to vector<1x16xf32>
      tpu.vector_store %arg12[%swap3A, %swap3A_111], %swap3A_114 {strides = array<i32>} : memref<128x64xf32, #tpu.memory_space<vmem>>, vector<1x16xf32>,
    }
    %scan3A_48 = arith.constant 512 : i32
    %mul3A = arith.constant 640 : i32
    %mul3A_49 = arith.muli %arg1, %mul3A : i32
    %add3A = arith.constant 0 : i32
    %add3A_50 = arith.addi %mul3A_49, %add3A : i32
    "tpu.region"() ({
      %run_scoped3A = tpu.sem_alloc : memref<!tpu.dma_semaphore, #tpu.memory_space<semaphore_mem>>
      %dma_start3A_78 = arith.constant 0 : i32
      %dma_start3A_79 = tpu.memref_slice %arg13[%add3A_50, %dma_start3A_78] : memref<10240x64xf32, #tpu.memory_space<vmem_shared>> -> memref<128x64xf32, #tpu.memory_space<vmem_shared>>
      %dma_start3A_80 = arith.constant 0 : i32
      %dma_start3A_81 = tpu.memref_slice %arg13[%add3A_50, %dma_start3A_80] : memref<10240x64xf32, #tpu.memory_space<vmem_shared>> -> memref<128x64xf32, #tpu.memory_space<vmem_shared>>
      tpu.enqueue_dma source(%arg12 : memref<128x64xf32, #tpu.memory_space<vmem>>) target(%dma_start3A_81 : memref<128x64xf32, #tpu.memory_space<vmem_shared>>) target_semaphore(%run_scoped3A : memref<!tpu.dma_semaphore, #tpu.memory_space<semaphore_mem>>)
      %dma_wait3A = arith.constant 0 : i32
      %dma_wait3A_82 = tpu.memref_slice %arg13[%add3A_50, %dma_wait3A] : memref<10240x64xf32, #tpu.memory_space<vmem_shared>> -> memref<128x64xf32, #tpu.memory_space<vmem_shared>>
      %dma_wait3A_83 = arith.constant 0 : i32
      %dma_wait3A_84 = tpu.memref_slice %arg13[%add3A_50, %dma_wait3A_83] : memref<10240x64xf32, #tpu.memory_space<vmem_shared>> -> memref<128x64xf32, #tpu.memory_space<vmem_shared>>
      tpu.wait_dma2 semaphore(%run_scoped3A : memref<!tpu.dma_semaphore, #tpu.memory_space<semaphore_mem>>) src(%arg12 : memref<128x64xf32, #tpu.memory_space<vmem>>) dst(%dma_wait3A_84 : memref<128x64xf32, #tpu.memory_space<vmem_shared>>)
      tpu.yield
    }) : () -> ()
    %mul3A_51 = arith.constant 640 : i32
    %mul3A_52 = arith.muli %arg1, %mul3A_51 : i32
    %add3A_53 = arith.constant 128 : i32
    %add3A_54 = arith.addi %mul3A_52, %add3A_53 : i32
    "tpu.region"() ({
      %run_scoped3A = tpu.sem_alloc : memref<!tpu.dma_semaphore, #tpu.memory_space<semaphore_mem>>
      %dma_start3A_78 = arith.constant 0 : i32
      %dma_start3A_79 = tpu.memref_slice %arg13[%add3A_54, %dma_start3A_78] : memref<10240x64xf32, #tpu.memory_space<vmem_shared>> -> memref<128x64xf32, #tpu.memory_space<vmem_shared>>
      %dma_start3A_80 = arith.constant 0 : i32
      %dma_start3A_81 = tpu.memref_slice %arg13[%add3A_54, %dma_start3A_80] : memref<10240x64xf32, #tpu.memory_space<vmem_shared>> -> memref<128x64xf32, #tpu.memory_space<vmem_shared>>
      tpu.enqueue_dma source(%arg12 : memref<128x64xf32, #tpu.memory_space<vmem>>) target(%dma_start3A_81 : memref<128x64xf32, #tpu.memory_space<vmem_shared>>) target_semaphore(%run_scoped3A : memref<!tpu.dma_semaphore, #tpu.memory_space<semaphore_mem>>)
      %dma_wait3A = arith.constant 0 : i32
      %dma_wait3A_82 = tpu.memref_slice %arg13[%add3A_54, %dma_wait3A] : memref<10240x64xf32, #tpu.memory_space<vmem_shared>> -> memref<128x64xf32, #tpu.memory_space<vmem_shared>>
      %dma_wait3A_83 = arith.constant 0 : i32
      %dma_wait3A_84 = tpu.memref_slice %arg13[%add3A_54, %dma_wait3A_83] : memref<10240x64xf32, #tpu.memory_space<vmem_shared>> -> memref<128x64xf32, #tpu.memory_space<vmem_shared>>
      tpu.wait_dma2 semaphore(%run_scoped3A : memref<!tpu.dma_semaphore, #tpu.memory_space<semaphore_mem>>) src(%arg12 : memref<128x64xf32, #tpu.memory_space<vmem>>) dst(%dma_wait3A_84 : memref<128x64xf32, #tpu.memory_space<vmem_shared>>)
      tpu.yield
    }) : () -> ()
    %mul3A_55 = arith.constant 640 : i32
    %mul3A_56 = arith.muli %arg1, %mul3A_55 : i32
    %add3A_57 = arith.constant 256 : i32
    %add3A_58 = arith.addi %mul3A_56, %add3A_57 : i32
    "tpu.region"() ({
      %run_scoped3A = tpu.sem_alloc : memref<!tpu.dma_semaphore, #tpu.memory_space<semaphore_mem>>
      %dma_start3A_78 = arith.constant 0 : i32
      %dma_start3A_79 = tpu.memref_slice %arg13[%add3A_58, %dma_start3A_78] : memref<10240x64xf32, #tpu.memory_space<vmem_shared>> -> memref<128x64xf32, #tpu.memory_space<vmem_shared>>
      %dma_start3A_80 = arith.constant 0 : i32
      %dma_start3A_81 = tpu.memref_slice %arg13[%add3A_58, %dma_start3A_80] : memref<10240x64xf32, #tpu.memory_space<vmem_shared>> -> memref<128x64xf32, #tpu.memory_space<vmem_shared>>
      tpu.enqueue_dma source(%arg12 : memref<128x64xf32, #tpu.memory_space<vmem>>) target(%dma_start3A_81 : memref<128x64xf32, #tpu.memory_space<vmem_shared>>) target_semaphore(%run_scoped3A : memref<!tpu.dma_semaphore, #tpu.memory_space<semaphore_mem>>)
      %dma_wait3A = arith.constant 0 : i32
      %dma_wait3A_82 = tpu.memref_slice %arg13[%add3A_58, %dma_wait3A] : memref<10240x64xf32, #tpu.memory_space<vmem_shared>> -> memref<128x64xf32, #tpu.memory_space<vmem_shared>>
      %dma_wait3A_83 = arith.constant 0 : i32
      %dma_wait3A_84 = tpu.memref_slice %arg13[%add3A_58, %dma_wait3A_83] : memref<10240x64xf32, #tpu.memory_space<vmem_shared>> -> memref<128x64xf32, #tpu.memory_space<vmem_shared>>
      tpu.wait_dma2 semaphore(%run_scoped3A : memref<!tpu.dma_semaphore, #tpu.memory_space<semaphore_mem>>) src(%arg12 : memref<128x64xf32, #tpu.memory_space<vmem>>) dst(%dma_wait3A_84 : memref<128x64xf32, #tpu.memory_space<vmem_shared>>)
      tpu.yield
    }) : () -> ()
    %mul3A_59 = arith.constant 640 : i32
    %mul3A_60 = arith.muli %arg1, %mul3A_59 : i32
    %add3A_61 = arith.constant 384 : i32
    %add3A_62 = arith.addi %mul3A_60, %add3A_61 : i32
    "tpu.region"() ({
      %run_scoped3A = tpu.sem_alloc : memref<!tpu.dma_semaphore, #tpu.memory_space<semaphore_mem>>
      %dma_start3A_78 = arith.constant 0 : i32
      %dma_start3A_79 = tpu.memref_slice %arg13[%add3A_62, %dma_start3A_78] : memref<10240x64xf32, #tpu.memory_space<vmem_shared>> -> memref<128x64xf32, #tpu.memory_space<vmem_shared>>
      %dma_start3A_80 = arith.constant 0 : i32
      %dma_start3A_81 = tpu.memref_slice %arg13[%add3A_62, %dma_start3A_80] : memref<10240x64xf32, #tpu.memory_space<vmem_shared>> -> memref<128x64xf32, #tpu.memory_space<vmem_shared>>
      tpu.enqueue_dma source(%arg12 : memref<128x64xf32, #tpu.memory_space<vmem>>) target(%dma_start3A_81 : memref<128x64xf32, #tpu.memory_space<vmem_shared>>) target_semaphore(%run_scoped3A : memref<!tpu.dma_semaphore, #tpu.memory_space<semaphore_mem>>)
      %dma_wait3A = arith.constant 0 : i32
      %dma_wait3A_82 = tpu.memref_slice %arg13[%add3A_62, %dma_wait3A] : memref<10240x64xf32, #tpu.memory_space<vmem_shared>> -> memref<128x64xf32, #tpu.memory_space<vmem_shared>>
      %dma_wait3A_83 = arith.constant 0 : i32
      %dma_wait3A_84 = tpu.memref_slice %arg13[%add3A_62, %dma_wait3A_83] : memref<10240x64xf32, #tpu.memory_space<vmem_shared>> -> memref<128x64xf32, #tpu.memory_space<vmem_shared>>
      tpu.wait_dma2 semaphore(%run_scoped3A : memref<!tpu.dma_semaphore, #tpu.memory_space<semaphore_mem>>) src(%arg12 : memref<128x64xf32, #tpu.memory_space<vmem>>) dst(%dma_wait3A_84 : memref<128x64xf32, #tpu.memory_space<vmem_shared>>)
      tpu.yield
    }) : () -> ()
    %mul3A_63 = arith.constant 640 : i32
    %mul3A_64 = arith.muli %arg1, %mul3A_63 : i32
    %add3A_65 = arith.constant 512 : i32
    %add3A_66 = arith.addi %mul3A_64, %add3A_65 : i32
    "tpu.region"() ({
      %run_scoped3A = tpu.sem_alloc : memref<!tpu.dma_semaphore, #tpu.memory_space<semaphore_mem>>
      %dma_start3A_78 = arith.constant 0 : i32
      %dma_start3A_79 = tpu.memref_slice %arg13[%add3A_66, %dma_start3A_78] : memref<10240x64xf32, #tpu.memory_space<vmem_shared>> -> memref<128x64xf32, #tpu.memory_space<vmem_shared>>
      %dma_start3A_80 = arith.constant 0 : i32
      %dma_start3A_81 = tpu.memref_slice %arg13[%add3A_66, %dma_start3A_80] : memref<10240x64xf32, #tpu.memory_space<vmem_shared>> -> memref<128x64xf32, #tpu.memory_space<vmem_shared>>
      tpu.enqueue_dma source(%arg12 : memref<128x64xf32, #tpu.memory_space<vmem>>) target(%dma_start3A_81 : memref<128x64xf32, #tpu.memory_space<vmem_shared>>) target_semaphore(%run_scoped3A : memref<!tpu.dma_semaphore, #tpu.memory_space<semaphore_mem>>)
      %dma_wait3A = arith.constant 0 : i32
      %dma_wait3A_82 = tpu.memref_slice %arg13[%add3A_66, %dma_wait3A] : memref<10240x64xf32, #tpu.memory_space<vmem_shared>> -> memref<128x64xf32, #tpu.memory_space<vmem_shared>>
      %dma_wait3A_83 = arith.constant 0 : i32
      %dma_wait3A_84 = tpu.memref_slice %arg13[%add3A_66, %dma_wait3A_83] : memref<10240x64xf32, #tpu.memory_space<vmem_shared>> -> memref<128x64xf32, #tpu.memory_space<vmem_shared>>
      tpu.wait_dma2 semaphore(%run_scoped3A : memref<!tpu.dma_semaphore, #tpu.memory_space<semaphore_mem>>) src(%arg12 : memref<128x64xf32, #tpu.memory_space<vmem>>) dst(%dma_wait3A_84 : memref<128x64xf32, #tpu.memory_space<vmem_shared>>)
      tpu.yield
    }) : () -> ()
    %barrier3A = arith.constant 0 : index
    tpu.barrier barrier_id(%barrier3A)
    %scan3A_67 = arith.constant 0 : i32
    %scan3A_68 = arith.constant 0 : i32
    %scan3A_69 = arith.constant 40 : i32
    %scan3A_70 = arith.addi %scan3A_68, %scan3A_69 : i32
    %scan3A_71 = arith.constant 1 : i32
    scf.for %scan3A_78 = %scan3A_68 to %scan3A_70 step %scan3A_71  : i32 {
      %mul3A_79 = arith.constant 4 : i32
      %mul3A_80 = arith.muli %mul3A_79, %scan3A_78 : i32
      %add3A_81 = arith.constant 0 : i32
      %add3A_82 = arith.addi %mul3A_80, %add3A_81 : i32
      %dma_wait3A = arith.constant 0 : i32
      %dma_wait3A_83 = tpu.memref_slice %arg6[%add3A_82, %dma_wait3A] : memref<160x125xi32, #tpu.memory_space<vmem>> -> memref<1x125xi32, #tpu.memory_space<vmem>>
      %dma_wait3A_84 = tpu.memref_squeeze %dma_wait3A_83 : memref<1x125xi32, #tpu.memory_space<vmem>> -> memref<125xi32, #tpu.memory_space<vmem>>
      %dma_wait3A_85 = arith.constant 0 : i32
      %dma_wait3A_86 = arith.constant 0 : i32
      %dma_wait3A_87 = tpu.memref_slice %arg2[%arg0, %dma_wait3A_85, %dma_wait3A_86] : memref<2x10000x64xf32, #tpu.memory_space<hbm>> -> memref<1x10000x64xf32, #tpu.memory_space<hbm>>
      %dma_wait3A_88 = tpu.memref_squeeze %dma_wait3A_87 : memref<1x10000x64xf32, #tpu.memory_space<hbm>> -> memref<10000x64xf32, #tpu.memory_space<hbm>>
      %dma_wait3A_89 = arith.constant 0 : i32
      %dma_wait3A_90 = arith.constant 0 : i32
      %dma_wait3A_91 = tpu.memref_slice %dma_wait3A_88[%dma_wait3A_89, %dma_wait3A_90] : memref<10000x64xf32, #tpu.memory_space<hbm>> -> memref<10000x64xf32, #tpu.memory_space<hbm>>
      tpu.wait_indirect_dma semaphore(%arg14 : memref<!tpu.dma_semaphore, #tpu.memory_space<semaphore_mem>>) src(%dma_wait3A_91 : memref<10000x64xf32, #tpu.memory_space<hbm>>) dst(%arg8 : memref<125x64xf32, #tpu.memory_space<vmem>>)
      "tpu.region"() ({
        %run_scoped3A = tpu.sem_alloc : memref<!tpu.dma_semaphore, #tpu.memory_space<semaphore_mem>>
        %dma_start3A_153 = arith.constant 0 : i32
        %dma_start3A_154 = tpu.memref_slice %arg7[%add3A_82, %dma_start3A_153] : memref<160x125xi32, #tpu.memory_space<vmem>> -> memref<1x125xi32, #tpu.memory_space<vmem>>
        %dma_start3A_155 = tpu.memref_squeeze %dma_start3A_154 : memref<1x125xi32, #tpu.memory_space<vmem>> -> memref<125xi32, #tpu.memory_space<vmem>>
        %dma_start3A_156 = arith.constant 0 : i32
        %dma_start3A_157 = arith.constant 0 : i32
        %dma_start3A_158 = tpu.memref_slice %arg13[%dma_start3A_156, %dma_start3A_157] : memref<10240x64xf32, #tpu.memory_space<vmem_shared>> -> memref<10240x64xf32, #tpu.memory_space<vmem_shared>>
        tpu.enqueue_indirect_dma source(%arg8 : memref<125x64xf32, #tpu.memory_space<vmem>>) target(%dma_start3A_158 : memref<10240x64xf32, #tpu.memory_space<vmem_shared>>) offsets(%dma_start3A_155 : memref<125xi32, #tpu.memory_space<vmem>>) semaphore(%run_scoped3A : memref<!tpu.dma_semaphore, #tpu.memory_space<semaphore_mem>>) {add = true}
        %dma_wait3A_159 = arith.constant 0 : i32
        %dma_wait3A_160 = tpu.memref_slice %arg7[%add3A_82, %dma_wait3A_159] : memref<160x125xi32, #tpu.memory_space<vmem>> -> memref<1x125xi32, #tpu.memory_space<vmem>>
        %dma_wait3A_161 = tpu.memref_squeeze %dma_wait3A_160 : memref<1x125xi32, #tpu.memory_space<vmem>> -> memref<125xi32, #tpu.memory_space<vmem>>
        %dma_wait3A_162 = arith.constant 0 : i32
        %dma_wait3A_163 = arith.constant 0 : i32
        %dma_wait3A_164 = tpu.memref_slice %arg13[%dma_wait3A_162, %dma_wait3A_163] : memref<10240x64xf32, #tpu.memory_space<vmem_shared>> -> memref<10240x64xf32, #tpu.memory_space<vmem_shared>>
        tpu.wait_indirect_dma semaphore(%run_scoped3A : memref<!tpu.dma_semaphore, #tpu.memory_space<semaphore_mem>>) src(%arg8 : memref<125x64xf32, #tpu.memory_space<vmem>>) dst(%dma_wait3A_164 : memref<10240x64xf32, #tpu.memory_space<vmem_shared>>)
        tpu.yield
      }) : () -> ()
      %add3A_92 = arith.constant 4 : i32
      %add3A_93 = arith.addi %add3A_82, %add3A_92 : i32
      %lt3A = arith.constant 160 : i32
      %lt3A_94 = arith.cmpi slt, %add3A_93, %lt3A : i32
      %convert_element_type3A = arith.extui %lt3A_94 : i1 to i32
      %cond3A = arith.constant 0 : i32
      %cond3A_95 = arith.cmpi ne, %convert_element_type3A, %cond3A : i32
      scf.if %cond3A_95 {
        %add3A_153 = arith.constant 4 : i32
        %add3A_154 = arith.addi %add3A_82, %add3A_153 : i32
        %dma_start3A_155 = arith.constant 0 : i32
        %dma_start3A_156 = tpu.memref_slice %arg6[%add3A_154, %dma_start3A_155] : memref<160x125xi32, #tpu.memory_space<vmem>> -> memref<1x125xi32, #tpu.memory_space<vmem>>
        %dma_start3A_157 = tpu.memref_squeeze %dma_start3A_156 : memref<1x125xi32, #tpu.memory_space<vmem>> -> memref<125xi32, #tpu.memory_space<vmem>>
        %dma_start3A_158 = arith.constant 0 : i32
        %dma_start3A_159 = arith.constant 0 : i32
        %dma_start3A_160 = tpu.memref_slice %arg2[%arg0, %dma_start3A_158, %dma_start3A_159] : memref<2x10000x64xf32, #tpu.memory_space<hbm>> -> memref<1x10000x64xf32, #tpu.memory_space<hbm>>
        %dma_start3A_161 = tpu.memref_squeeze %dma_start3A_160 : memref<1x10000x64xf32, #tpu.memory_space<hbm>> -> memref<10000x64xf32, #tpu.memory_space<hbm>>
        %dma_start3A_162 = arith.constant 0 : i32
        %dma_start3A_163 = arith.constant 0 : i32
        %dma_start3A_164 = tpu.memref_slice %dma_start3A_161[%dma_start3A_162, %dma_start3A_163] : memref<10000x64xf32, #tpu.memory_space<hbm>> -> memref<10000x64xf32, #tpu.memory_space<hbm>>
        tpu.enqueue_indirect_dma source(%dma_start3A_164 : memref<10000x64xf32, #tpu.memory_space<hbm>>) target(%arg8 : memref<125x64xf32, #tpu.memory_space<vmem>>) offsets(%dma_start3A_157 : memref<125xi32, #tpu.memory_space<vmem>>) semaphore(%arg14 : memref<!tpu.dma_semaphore, #tpu.memory_space<semaphore_mem>>)
      } else {
      }
      %add3A_96 = arith.constant 1 : i32
      %add3A_97 = arith.addi %mul3A_80, %add3A_96 : i32
      %dma_wait3A_98 = arith.constant 0 : i32
      %dma_wait3A_99 = tpu.memref_slice %arg6[%add3A_97, %dma_wait3A_98] : memref<160x125xi32, #tpu.memory_space<vmem>> -> memref<1x125xi32, #tpu.memory_space<vmem>>
      %dma_wait3A_100 = tpu.memref_squeeze %dma_wait3A_99 : memref<1x125xi32, #tpu.memory_space<vmem>> -> memref<125xi32, #tpu.memory_space<vmem>>
      %dma_wait3A_101 = arith.constant 0 : i32
      %dma_wait3A_102 = arith.constant 0 : i32
      %dma_wait3A_103 = tpu.memref_slice %arg2[%arg0, %dma_wait3A_101, %dma_wait3A_102] : memref<2x10000x64xf32, #tpu.memory_space<hbm>> -> memref<1x10000x64xf32, #tpu.memory_space<hbm>>
      %dma_wait3A_104 = tpu.memref_squeeze %dma_wait3A_103 : memref<1x10000x64xf32, #tpu.memory_space<hbm>> -> memref<10000x64xf32, #tpu.memory_space<hbm>>
      %dma_wait3A_105 = arith.constant 0 : i32
      %dma_wait3A_106 = arith.constant 0 : i32
      %dma_wait3A_107 = tpu.memref_slice %dma_wait3A_104[%dma_wait3A_105, %dma_wait3A_106] : memref<10000x64xf32, #tpu.memory_space<hbm>> -> memref<10000x64xf32, #tpu.memory_space<hbm>>
      tpu.wait_indirect_dma semaphore(%arg15 : memref<!tpu.dma_semaphore, #tpu.memory_space<semaphore_mem>>) src(%dma_wait3A_107 : memref<10000x64xf32, #tpu.memory_space<hbm>>) dst(%arg9 : memref<125x64xf32, #tpu.memory_space<vmem>>)
      "tpu.region"() ({
        %run_scoped3A = tpu.sem_alloc : memref<!tpu.dma_semaphore, #tpu.memory_space<semaphore_mem>>
        %dma_start3A_153 = arith.constant 0 : i32
        %dma_start3A_154 = tpu.memref_slice %arg7[%add3A_97, %dma_start3A_153] : memref<160x125xi32, #tpu.memory_space<vmem>> -> memref<1x125xi32, #tpu.memory_space<vmem>>
        %dma_start3A_155 = tpu.memref_squeeze %dma_start3A_154 : memref<1x125xi32, #tpu.memory_space<vmem>> -> memref<125xi32, #tpu.memory_space<vmem>>
        %dma_start3A_156 = arith.constant 0 : i32
        %dma_start3A_157 = arith.constant 0 : i32
        %dma_start3A_158 = tpu.memref_slice %arg13[%dma_start3A_156, %dma_start3A_157] : memref<10240x64xf32, #tpu.memory_space<vmem_shared>> -> memref<10240x64xf32, #tpu.memory_space<vmem_shared>>
        tpu.enqueue_indirect_dma source(%arg9 : memref<125x64xf32, #tpu.memory_space<vmem>>) target(%dma_start3A_158 : memref<10240x64xf32, #tpu.memory_space<vmem_shared>>) offsets(%dma_start3A_155 : memref<125xi32, #tpu.memory_space<vmem>>) semaphore(%run_scoped3A : memref<!tpu.dma_semaphore, #tpu.memory_space<semaphore_mem>>) {add = true}
        %dma_wait3A_159 = arith.constant 0 : i32
        %dma_wait3A_160 = tpu.memref_slice %arg7[%add3A_97, %dma_wait3A_159] : memref<160x125xi32, #tpu.memory_space<vmem>> -> memref<1x125xi32, #tpu.memory_space<vmem>>
        %dma_wait3A_161 = tpu.memref_squeeze %dma_wait3A_160 : memref<1x125xi32, #tpu.memory_space<vmem>> -> memref<125xi32, #tpu.memory_space<vmem>>
        %dma_wait3A_162 = arith.constant 0 : i32
        %dma_wait3A_163 = arith.constant 0 : i32
        %dma_wait3A_164 = tpu.memref_slice %arg13[%dma_wait3A_162, %dma_wait3A_163] : memref<10240x64xf32, #tpu.memory_space<vmem_shared>> -> memref<10240x64xf32, #tpu.memory_space<vmem_shared>>
        tpu.wait_indirect_dma semaphore(%run_scoped3A : memref<!tpu.dma_semaphore, #tpu.memory_space<semaphore_mem>>) src(%arg9 : memref<125x64xf32, #tpu.memory_space<vmem>>) dst(%dma_wait3A_164 : memref<10240x64xf32, #tpu.memory_space<vmem_shared>>)
        tpu.yield
      }) : () -> ()
      %add3A_108 = arith.constant 4 : i32
      %add3A_109 = arith.addi %add3A_97, %add3A_108 : i32
      %lt3A_110 = arith.constant 160 : i32
      %lt3A_111 = arith.cmpi slt, %add3A_109, %lt3A_110 : i32
      %convert_element_type3A_112 = arith.extui %lt3A_111 : i1 to i32
      %cond3A_113 = arith.constant 0 : i32
      %cond3A_114 = arith.cmpi ne, %convert_element_type3A_112, %cond3A_113 : i32
      scf.if %cond3A_114 {
        %add3A_153 = arith.constant 4 : i32
        %add3A_154 = arith.addi %add3A_97, %add3A_153 : i32
        %dma_start3A_155 = arith.constant 0 : i32
        %dma_start3A_156 = tpu.memref_slice %arg6[%add3A_154, %dma_start3A_155] : memref<160x125xi32, #tpu.memory_space<vmem>> -> memref<1x125xi32, #tpu.memory_space<vmem>>
        %dma_start3A_157 = tpu.memref_squeeze %dma_start3A_156 : memref<1x125xi32, #tpu.memory_space<vmem>> -> memref<125xi32, #tpu.memory_space<vmem>>
        %dma_start3A_158 = arith.constant 0 : i32
        %dma_start3A_159 = arith.constant 0 : i32
        %dma_start3A_160 = tpu.memref_slice %arg2[%arg0, %dma_start3A_158, %dma_start3A_159] : memref<2x10000x64xf32, #tpu.memory_space<hbm>> -> memref<1x10000x64xf32, #tpu.memory_space<hbm>>
        %dma_start3A_161 = tpu.memref_squeeze %dma_start3A_160 : memref<1x10000x64xf32, #tpu.memory_space<hbm>> -> memref<10000x64xf32, #tpu.memory_space<hbm>>
        %dma_start3A_162 = arith.constant 0 : i32
        %dma_start3A_163 = arith.constant 0 : i32
        %dma_start3A_164 = tpu.memref_slice %dma_start3A_161[%dma_start3A_162, %dma_start3A_163] : memref<10000x64xf32, #tpu.memory_space<hbm>> -> memref<10000x64xf32, #tpu.memory_space<hbm>>
        tpu.enqueue_indirect_dma source(%dma_start3A_164 : memref<10000x64xf32, #tpu.memory_space<hbm>>) target(%arg9 : memref<125x64xf32, #tpu.memory_space<vmem>>) offsets(%dma_start3A_157 : memref<125xi32, #tpu.memory_space<vmem>>) semaphore(%arg15 : memref<!tpu.dma_semaphore, #tpu.memory_space<semaphore_mem>>)
      } else {
      }
      %add3A_115 = arith.constant 2 : i32
      %add3A_116 = arith.addi %mul3A_80, %add3A_115 : i32
      %dma_wait3A_117 = arith.constant 0 : i32
      %dma_wait3A_118 = tpu.memref_slice %arg6[%add3A_116, %dma_wait3A_117] : memref<160x125xi32, #tpu.memory_space<vmem>> -> memref<1x125xi32, #tpu.memory_space<vmem>>
      %dma_wait3A_119 = tpu.memref_squeeze %dma_wait3A_118 : memref<1x125xi32, #tpu.memory_space<vmem>> -> memref<125xi32, #tpu.memory_space<vmem>>
      %dma_wait3A_120 = arith.constant 0 : i32
      %dma_wait3A_121 = arith.constant 0 : i32
      %dma_wait3A_122 = tpu.memref_slice %arg2[%arg0, %dma_wait3A_120, %dma_wait3A_121] : memref<2x10000x64xf32, #tpu.memory_space<hbm>> -> memref<1x10000x64xf32, #tpu.memory_space<hbm>>
      %dma_wait3A_123 = tpu.memref_squeeze %dma_wait3A_122 : memref<1x10000x64xf32, #tpu.memory_space<hbm>> -> memref<10000x64xf32, #tpu.memory_space<hbm>>
      %dma_wait3A_124 = arith.constant 0 : i32
      %dma_wait3A_125 = arith.constant 0 : i32
      %dma_wait3A_126 = tpu.memref_slice %dma_wait3A_123[%dma_wait3A_124, %dma_wait3A_125] : memref<10000x64xf32, #tpu.memory_space<hbm>> -> memref<10000x64xf32, #tpu.memory_space<hbm>>
      tpu.wait_indirect_dma semaphore(%arg16 : memref<!tpu.dma_semaphore, #tpu.memory_space<semaphore_mem>>) src(%dma_wait3A_126 : memref<10000x64xf32, #tpu.memory_space<hbm>>) dst(%arg10 : memref<125x64xf32, #tpu.memory_space<vmem>>)
      "tpu.region"() ({
        %run_scoped3A = tpu.sem_alloc : memref<!tpu.dma_semaphore, #tpu.memory_space<semaphore_mem>>
        %dma_start3A_153 = arith.constant 0 : i32
        %dma_start3A_154 = tpu.memref_slice %arg7[%add3A_116, %dma_start3A_153] : memref<160x125xi32, #tpu.memory_space<vmem>> -> memref<1x125xi32, #tpu.memory_space<vmem>>
        %dma_start3A_155 = tpu.memref_squeeze %dma_start3A_154 : memref<1x125xi32, #tpu.memory_space<vmem>> -> memref<125xi32, #tpu.memory_space<vmem>>
        %dma_start3A_156 = arith.constant 0 : i32
        %dma_start3A_157 = arith.constant 0 : i32
        %dma_start3A_158 = tpu.memref_slice %arg13[%dma_start3A_156, %dma_start3A_157] : memref<10240x64xf32, #tpu.memory_space<vmem_shared>> -> memref<10240x64xf32, #tpu.memory_space<vmem_shared>>
        tpu.enqueue_indirect_dma source(%arg10 : memref<125x64xf32, #tpu.memory_space<vmem>>) target(%dma_start3A_158 : memref<10240x64xf32, #tpu.memory_space<vmem_shared>>) offsets(%dma_start3A_155 : memref<125xi32, #tpu.memory_space<vmem>>) semaphore(%run_scoped3A : memref<!tpu.dma_semaphore, #tpu.memory_space<semaphore_mem>>) {add = true}
        %dma_wait3A_159 = arith.constant 0 : i32
        %dma_wait3A_160 = tpu.memref_slice %arg7[%add3A_116, %dma_wait3A_159] : memref<160x125xi32, #tpu.memory_space<vmem>> -> memref<1x125xi32, #tpu.memory_space<vmem>>
        %dma_wait3A_161 = tpu.memref_squeeze %dma_wait3A_160 : memref<1x125xi32, #tpu.memory_space<vmem>> -> memref<125xi32, #tpu.memory_space<vmem>>
        %dma_wait3A_162 = arith.constant 0 : i32
        %dma_wait3A_163 = arith.constant 0 : i32
        %dma_wait3A_164 = tpu.memref_slice %arg13[%dma_wait3A_162, %dma_wait3A_163] : memref<10240x64xf32, #tpu.memory_space<vmem_shared>> -> memref<10240x64xf32, #tpu.memory_space<vmem_shared>>
        tpu.wait_indirect_dma semaphore(%run_scoped3A : memref<!tpu.dma_semaphore, #tpu.memory_space<semaphore_mem>>) src(%arg10 : memref<125x64xf32, #tpu.memory_space<vmem>>) dst(%dma_wait3A_164 : memref<10240x64xf32, #tpu.memory_space<vmem_shared>>)
        tpu.yield
      }) : () -> ()
      %add3A_127 = arith.constant 4 : i32
      %add3A_128 = arith.addi %add3A_116, %add3A_127 : i32
      %lt3A_129 = arith.constant 160 : i32
      %lt3A_130 = arith.cmpi slt, %add3A_128, %lt3A_129 : i32
      %convert_element_type3A_131 = arith.extui %lt3A_130 : i1 to i32
      %cond3A_132 = arith.constant 0 : i32
      %cond3A_133 = arith.cmpi ne, %convert_element_type3A_131, %cond3A_132 : i32
      scf.if %cond3A_133 {
        %add3A_153 = arith.constant 4 : i32
        %add3A_154 = arith.addi %add3A_116, %add3A_153 : i32
        %dma_start3A_155 = arith.constant 0 : i32
        %dma_start3A_156 = tpu.memref_slice %arg6[%add3A_154, %dma_start3A_155] : memref<160x125xi32, #tpu.memory_space<vmem>> -> memref<1x125xi32, #tpu.memory_space<vmem>>
        %dma_start3A_157 = tpu.memref_squeeze %dma_start3A_156 : memref<1x125xi32, #tpu.memory_space<vmem>> -> memref<125xi32, #tpu.memory_space<vmem>>
        %dma_start3A_158 = arith.constant 0 : i32
        %dma_start3A_159 = arith.constant 0 : i32
        %dma_start3A_160 = tpu.memref_slice %arg2[%arg0, %dma_start3A_158, %dma_start3A_159] : memref<2x10000x64xf32, #tpu.memory_space<hbm>> -> memref<1x10000x64xf32, #tpu.memory_space<hbm>>
        %dma_start3A_161 = tpu.memref_squeeze %dma_start3A_160 : memref<1x10000x64xf32, #tpu.memory_space<hbm>> -> memref<10000x64xf32, #tpu.memory_space<hbm>>
        %dma_start3A_162 = arith.constant 0 : i32
        %dma_start3A_163 = arith.constant 0 : i32
        %dma_start3A_164 = tpu.memref_slice %dma_start3A_161[%dma_start3A_162, %dma_start3A_163] : memref<10000x64xf32, #tpu.memory_space<hbm>> -> memref<10000x64xf32, #tpu.memory_space<hbm>>
        tpu.enqueue_indirect_dma source(%dma_start3A_164 : memref<10000x64xf32, #tpu.memory_space<hbm>>) target(%arg10 : memref<125x64xf32, #tpu.memory_space<vmem>>) offsets(%dma_start3A_157 : memref<125xi32, #tpu.memory_space<vmem>>) semaphore(%arg16 : memref<!tpu.dma_semaphore, #tpu.memory_space<semaphore_mem>>)
      } else {
      }
      %add3A_134 = arith.constant 3 : i32
      %add3A_135 = arith.addi %mul3A_80, %add3A_134 : i32
      %dma_wait3A_136 = arith.constant 0 : i32
      %dma_wait3A_137 = tpu.memref_slice %arg6[%add3A_135, %dma_wait3A_136] : memref<160x125xi32, #tpu.memory_space<vmem>> -> memref<1x125xi32, #tpu.memory_space<vmem>>
      %dma_wait3A_138 = tpu.memref_squeeze %dma_wait3A_137 : memref<1x125xi32, #tpu.memory_space<vmem>> -> memref<125xi32, #tpu.memory_space<vmem>>
      %dma_wait3A_139 = arith.constant 0 : i32
      %dma_wait3A_140 = arith.constant 0 : i32
      %dma_wait3A_141 = tpu.memref_slice %arg2[%arg0, %dma_wait3A_139, %dma_wait3A_140] : memref<2x10000x64xf32, #tpu.memory_space<hbm>> -> memref<1x10000x64xf32, #tpu.memory_space<hbm>>
      %dma_wait3A_142 = tpu.memref_squeeze %dma_wait3A_141 : memref<1x10000x64xf32, #tpu.memory_space<hbm>> -> memref<10000x64xf32, #tpu.memory_space<hbm>>
      %dma_wait3A_143 = arith.constant 0 : i32
      %dma_wait3A_144 = arith.constant 0 : i32
      %dma_wait3A_145 = tpu.memref_slice %dma_wait3A_142[%dma_wait3A_143, %dma_wait3A_144] : memref<10000x64xf32, #tpu.memory_space<hbm>> -> memref<10000x64xf32, #tpu.memory_space<hbm>>
      tpu.wait_indirect_dma semaphore(%arg17 : memref<!tpu.dma_semaphore, #tpu.memory_space<semaphore_mem>>) src(%dma_wait3A_145 : memref<10000x64xf32, #tpu.memory_space<hbm>>) dst(%arg11 : memref<125x64xf32, #tpu.memory_space<vmem>>)
      "tpu.region"() ({
        %run_scoped3A = tpu.sem_alloc : memref<!tpu.dma_semaphore, #tpu.memory_space<semaphore_mem>>
        %dma_start3A_153 = arith.constant 0 : i32
        %dma_start3A_154 = tpu.memref_slice %arg7[%add3A_135, %dma_start3A_153] : memref<160x125xi32, #tpu.memory_space<vmem>> -> memref<1x125xi32, #tpu.memory_space<vmem>>
        %dma_start3A_155 = tpu.memref_squeeze %dma_start3A_154 : memref<1x125xi32, #tpu.memory_space<vmem>> -> memref<125xi32, #tpu.memory_space<vmem>>
        %dma_start3A_156 = arith.constant 0 : i32
        %dma_start3A_157 = arith.constant 0 : i32
        %dma_start3A_158 = tpu.memref_slice %arg13[%dma_start3A_156, %dma_start3A_157] : memref<10240x64xf32, #tpu.memory_space<vmem_shared>> -> memref<10240x64xf32, #tpu.memory_space<vmem_shared>>
        tpu.enqueue_indirect_dma source(%arg11 : memref<125x64xf32, #tpu.memory_space<vmem>>) target(%dma_start3A_158 : memref<10240x64xf32, #tpu.memory_space<vmem_shared>>) offsets(%dma_start3A_155 : memref<125xi32, #tpu.memory_space<vmem>>) semaphore(%run_scoped3A : memref<!tpu.dma_semaphore, #tpu.memory_space<semaphore_mem>>) {add = true}
        %dma_wait3A_159 = arith.constant 0 : i32
        %dma_wait3A_160 = tpu.memref_slice %arg7[%add3A_135, %dma_wait3A_159] : memref<160x125xi32, #tpu.memory_space<vmem>> -> memref<1x125xi32, #tpu.memory_space<vmem>>
        %dma_wait3A_161 = tpu.memref_squeeze %dma_wait3A_160 : memref<1x125xi32, #tpu.memory_space<vmem>> -> memref<125xi32, #tpu.memory_space<vmem>>
        %dma_wait3A_162 = arith.constant 0 : i32
        %dma_wait3A_163 = arith.constant 0 : i32
        %dma_wait3A_164 = tpu.memref_slice %arg13[%dma_wait3A_162, %dma_wait3A_163] : memref<10240x64xf32, #tpu.memory_space<vmem_shared>> -> memref<10240x64xf32, #tpu.memory_space<vmem_shared>>
        tpu.wait_indirect_dma semaphore(%run_scoped3A : memref<!tpu.dma_semaphore, #tpu.memory_space<semaphore_mem>>) src(%arg11 : memref<125x64xf32, #tpu.memory_space<vmem>>) dst(%dma_wait3A_164 : memref<10240x64xf32, #tpu.memory_space<vmem_shared>>)
        tpu.yield
      }) : () -> ()
      %add3A_146 = arith.constant 4 : i32
      %add3A_147 = arith.addi %add3A_135, %add3A_146 : i32
      %lt3A_148 = arith.constant 160 : i32
      %lt3A_149 = arith.cmpi slt, %add3A_147, %lt3A_148 : i32
      %convert_element_type3A_150 = arith.extui %lt3A_149 : i1 to i32
      %cond3A_151 = arith.constant 0 : i32
      %cond3A_152 = arith.cmpi ne, %convert_element_type3A_150, %cond3A_151 : i32
      scf.if %cond3A_152 {
        %add3A_153 = arith.constant 4 : i32
        %add3A_154 = arith.addi %add3A_135, %add3A_153 : i32
        %dma_start3A_155 = arith.constant 0 : i32
        %dma_start3A_156 = tpu.memref_slice %arg6[%add3A_154, %dma_start3A_155] : memref<160x125xi32, #tpu.memory_space<vmem>> -> memref<1x125xi32, #tpu.memory_space<vmem>>
        %dma_start3A_157 = tpu.memref_squeeze %dma_start3A_156 : memref<1x125xi32, #tpu.memory_space<vmem>> -> memref<125xi32, #tpu.memory_space<vmem>>
        %dma_start3A_158 = arith.constant 0 : i32
        %dma_start3A_159 = arith.constant 0 : i32
        %dma_start3A_160 = tpu.memref_slice %arg2[%arg0, %dma_start3A_158, %dma_start3A_159] : memref<2x10000x64xf32, #tpu.memory_space<hbm>> -> memref<1x10000x64xf32, #tpu.memory_space<hbm>>
        %dma_start3A_161 = tpu.memref_squeeze %dma_start3A_160 : memref<1x10000x64xf32, #tpu.memory_space<hbm>> -> memref<10000x64xf32, #tpu.memory_space<hbm>>
        %dma_start3A_162 = arith.constant 0 : i32
        %dma_start3A_163 = arith.constant 0 : i32
        %dma_start3A_164 = tpu.memref_slice %dma_start3A_161[%dma_start3A_162, %dma_start3A_163] : memref<10000x64xf32, #tpu.memory_space<hbm>> -> memref<10000x64xf32, #tpu.memory_space<hbm>>
        tpu.enqueue_indirect_dma source(%dma_start3A_164 : memref<10000x64xf32, #tpu.memory_space<hbm>>) target(%arg11 : memref<125x64xf32, #tpu.memory_space<vmem>>) offsets(%dma_start3A_157 : memref<125xi32, #tpu.memory_space<vmem>>) semaphore(%arg17 : memref<!tpu.dma_semaphore, #tpu.memory_space<semaphore_mem>>)
      } else {
      }
    }
    %scan3A_72 = arith.constant 40 : i32
    %barrier3A_73 = arith.constant 0 : index
    tpu.barrier barrier_id(%barrier3A_73)
    %mul3A_74 = arith.constant 640 : i32
    %mul3A_75 = arith.muli %arg1, %mul3A_74 : i32
    %mul3A_76 = arith.constant 640 : i32
    %mul3A_77 = arith.muli %arg1, %mul3A_76 : i32
    "tpu.region"() ({
      %run_scoped3A = tpu.sem_alloc : memref<!tpu.dma_semaphore, #tpu.memory_space<semaphore_mem>>
      %dma_start3A_78 = arith.constant 0 : i32
      %dma_start3A_79 = tpu.memref_slice %arg5[%arg0, %mul3A_77, %dma_start3A_78] : memref<2x10240x64xf32, #tpu.memory_space<hbm>> -> memref<1x640x64xf32, #tpu.memory_space<hbm>>
      %dma_start3A_80 = tpu.memref_squeeze %dma_start3A_79 : memref<1x640x64xf32, #tpu.memory_space<hbm>> -> memref<640x64xf32, #tpu.memory_space<hbm>>
      %dma_start3A_81 = arith.constant 0 : i32
      %dma_start3A_82 = tpu.memref_slice %arg13[%mul3A_75, %dma_start3A_81] : memref<10240x64xf32, #tpu.memory_space<vmem_shared>> -> memref<640x64xf32, #tpu.memory_space<vmem_shared>>
      tpu.enqueue_dma source(%dma_start3A_82 : memref<640x64xf32, #tpu.memory_space<vmem_shared>>) target(%dma_start3A_80 : memref<640x64xf32, #tpu.memory_space<hbm>>) target_semaphore(%run_scoped3A : memref<!tpu.dma_semaphore, #tpu.memory_space<semaphore_mem>>)
      %dma_wait3A = arith.constant 0 : i32
      %dma_wait3A_83 = tpu.memref_slice %arg5[%arg0, %mul3A_77, %dma_wait3A] : memref<2x10240x64xf32, #tpu.memory_space<hbm>> -> memref<1x640x64xf32, #tpu.memory_space<hbm>>
      %dma_wait3A_84 = tpu.memref_squeeze %dma_wait3A_83 : memref<1x640x64xf32, #tpu.memory_space<hbm>> -> memref<640x64xf32, #tpu.memory_space<hbm>>
      %dma_wait3A_85 = arith.constant 0 : i32
      %dma_wait3A_86 = tpu.memref_slice %arg13[%mul3A_75, %dma_wait3A_85] : memref<10240x64xf32, #tpu.memory_space<vmem_shared>> -> memref<640x64xf32, #tpu.memory_space<vmem_shared>>
      tpu.wait_dma2 semaphore(%run_scoped3A : memref<!tpu.dma_semaphore, #tpu.memory_space<semaphore_mem>>) src(%dma_wait3A_86 : memref<640x64xf32, #tpu.memory_space<vmem_shared>>) dst(%dma_wait3A_84 : memref<640x64xf32, #tpu.memory_space<hbm>>)
      tpu.yield
    }) : () -> ()
    return
  }
}

module attributes {stable_mosaic.version = 14 : i64} {
  func.func @_pre_body(%arg0: i32, %arg1: memref<2048x128xf32, #tpu.memory_space<vmem>>, %arg2: memref<128x128xf32, #tpu.memory_space<vmem>>, %arg3: memref<1x128xf32, #tpu.memory_space<vmem>>, %arg4: memref<2x2048x16xf32, #tpu.memory_space<vmem>>, %arg5: memref<128x128xf32, #tpu.memory_space<vmem>>, %arg6: memref<128x128xf32, #tpu.memory_space<vmem>>, %arg7: memref<1x128xf32, #tpu.memory_space<vmem>>, %arg8: memref<2x2048x64xf32, #tpu.memory_space<vmem>>, %arg9: memref<2048x128xf32, #tpu.memory_space<vmem>>, %arg10: memref<2048x1xf32, #tpu.memory_space<vmem>>) attributes {dimension_semantics = [#tpu.dimension_semantics<arbitrary>], iteration_bounds = array<i64: 5>, scalar_prefetch = 0 : i64, scratch_operands = 0 : i64, tpu.core_type = #tpu.core_type<tc>, window_params = [{transform_indices = @transform_0, window_bounds = array<i64: 2048, 128>}, {pipeline_mode = #tpu.pipeline_mode<synchronous>, transform_indices = @transform_1, window_bounds = array<i64: 128, 128>}, {pipeline_mode = #tpu.pipeline_mode<synchronous>, transform_indices = @transform_2, window_bounds = array<i64: 1, 128>}, {transform_indices = @transform_3, window_bounds = array<i64: 2, 2048, 16>}, {pipeline_mode = #tpu.pipeline_mode<synchronous>, transform_indices = @transform_4, window_bounds = array<i64: 128, 128>}, {pipeline_mode = #tpu.pipeline_mode<synchronous>, transform_indices = @transform_5, window_bounds = array<i64: 128, 128>}, {pipeline_mode = #tpu.pipeline_mode<synchronous>, transform_indices = @transform_6, window_bounds = array<i64: 1, 128>}, {transform_indices = @transform_7, window_bounds = array<i64: 2, 2048, 64>}, {transform_indices = @transform_8, window_bounds = array<i64: 2048, 128>}, {transform_indices = @transform_9, window_bounds = array<i64: 2048, 1>}]} {
    %get3A = arith.constant 0 : index
    %get3A_0 = arith.constant 0 : index
    %get3A_1 = vector.load %arg1[%get3A, %get3A_0] : memref<2048x128xf32, #tpu.memory_space<vmem>>, vector<2048x128xf32>
    %get3A_2 = arith.constant 0 : index
    %get3A_3 = arith.constant 0 : index
    %get3A_4 = vector.load %arg2[%get3A_2, %get3A_3] : memref<128x128xf32, #tpu.memory_space<vmem>>, vector<128x128xf32>
    %dot_general3A = arith.constant dense<0.000000e+00> : vector<2048x128xf32>
    %dot_general3A_5 = tpu.matmul %get3A_1, %get3A_4, %dot_general3A {dimension_numbers = #tpu.dot_dimension_numbers<[1], [0], [0], [1], [0, 0, 1, 1], [], []>, transpose_lhs_hint = false} : vector<2048x128xf32>, vector<128x128xf32>, vector<2048x128xf32> -> vector<2048x128xf32>
    %get3A_6 = arith.constant 0 : index
    %get3A_7 = arith.constant 0 : index
    %get3A_8 = vector.load %arg3[%get3A_6, %get3A_7] : memref<1x128xf32, #tpu.memory_space<vmem>>, vector<1x128xf32>
    %add3A = vector.broadcast %get3A_8 : vector<1x128xf32> to vector<2048x128xf32>
    %add3A_9 = arith.addf %dot_general3A_5, %add3A : vector<2048x128xf32>
    %max3A = arith.constant 0.000000e+00 : f32
    %max3A_10 = vector.broadcast %max3A : f32 to vector<2048x128xf32>
    %max3A_11 = arith.maximumf %add3A_9, %max3A_10 : vector<2048x128xf32>
    %abs3A = math.absf %add3A_9 : vector<2048x128xf32>
    %neg3A = arith.constant 0.000000e+00 : f32
    %neg3A_12 = vector.broadcast %neg3A : f32 to vector<2048x128xf32>
    %neg3A_13 = arith.subf %neg3A_12, %abs3A : vector<2048x128xf32>
    %exp3A = math.exp %neg3A_13 : vector<2048x128xf32>
    %log1p3A = math.log1p %exp3A : vector<2048x128xf32>
    %add3A_14 = arith.addf %max3A_11, %log1p3A : vector<2048x128xf32>
    %tanh3A = math.tanh %add3A_14 : vector<2048x128xf32>
    %mul3A = arith.mulf %add3A_9, %tanh3A : vector<2048x128xf32>
    %get3A_15 = arith.constant 0 : index
    %get3A_16 = arith.constant 0 : index
    %get3A_17 = arith.constant 0 : index
    %get3A_18 = vector.load %arg4[%get3A_15, %get3A_16, %get3A_17] : memref<2x2048x16xf32, #tpu.memory_space<vmem>>, vector<1x2048x1xf32>
    %get3A_19 = vector.shape_cast %get3A_18 : vector<1x2048x1xf32> to vector<2048xf32>
    %get3A_20 = arith.constant 1 : index
    %get3A_21 = arith.constant 0 : index
    %get3A_22 = arith.constant 0 : index
    %get3A_23 = vector.load %arg4[%get3A_20, %get3A_21, %get3A_22] : memref<2x2048x16xf32, #tpu.memory_space<vmem>>, vector<1x2048x1xf32>
    %get3A_24 = vector.shape_cast %get3A_23 : vector<1x2048x1xf32> to vector<2048xf32>
    %add3A_25 = arith.addf %get3A_19, %get3A_24 : vector<2048xf32>
    %add3A_26 = arith.constant 1.000000e+00 : f32
    %add3A_27 = vector.broadcast %add3A_26 : f32 to vector<2048xf32>
    %add3A_28 = arith.addf %add3A_25, %add3A_27 : vector<2048xf32>
    %rsqrt3A = math.rsqrt %add3A_28 : vector<2048xf32>
    %broadcast_in_dim3A = vector.shape_cast %rsqrt3A : vector<2048xf32> to vector<2048x1xf32>
    %swap3A = arith.constant 0 : index
    %swap3A_29 = arith.constant 0 : index
    %swap3A_30 = vector.load %arg10[%swap3A, %swap3A_29] : memref<2048x1xf32, #tpu.memory_space<vmem>>, vector<2048x1xf32>
    tpu.vector_store %arg10[%swap3A, %swap3A_29], %broadcast_in_dim3A {strides = array<i32>} : memref<2048x1xf32, #tpu.memory_space<vmem>>, vector<2048x1xf32>,
    %get3A_31 = arith.constant 0 : index
    %get3A_32 = arith.constant 0 : index
    %get3A_33 = vector.load %arg5[%get3A_31, %get3A_32] : memref<128x128xf32, #tpu.memory_space<vmem>>, vector<128x128xf32>
    %dot_general3A_34 = arith.constant dense<0.000000e+00> : vector<2048x128xf32>
    %dot_general3A_35 = tpu.matmul %mul3A, %get3A_33, %dot_general3A_34 {dimension_numbers = #tpu.dot_dimension_numbers<[1], [0], [0], [1], [0, 0, 1, 1], [], []>, transpose_lhs_hint = false} : vector<2048x128xf32>, vector<128x128xf32>, vector<2048x128xf32> -> vector<2048x128xf32>
    %mul3A_36 = vector.broadcast %broadcast_in_dim3A : vector<2048x1xf32> to vector<2048x128xf32>
    %mul3A_37 = arith.mulf %mul3A_36, %dot_general3A_35 : vector<2048x128xf32>
    %slice3A = vector.extract_strided_slice %mul3A_37 {offsets = [0, 0], sizes = [2048, 64], strides = [1, 1]} : vector<2048x128xf32> to vector<2048x64xf32>
    %swap3A_38 = arith.constant 0 : index
    %swap3A_39 = arith.constant 0 : index
    %swap3A_40 = arith.constant 0 : index
    %swap3A_41 = vector.load %arg8[%swap3A_38, %swap3A_39, %swap3A_40] : memref<2x2048x64xf32, #tpu.memory_space<vmem>>, vector<1x2048x64xf32>
    %swap3A_42 = vector.shape_cast %swap3A_41 : vector<1x2048x64xf32> to vector<2048x64xf32>
    %swap3A_43 = vector.shape_cast %slice3A : vector<2048x64xf32> to vector<1x2048x64xf32>
    tpu.vector_store %arg8[%swap3A_38, %swap3A_39, %swap3A_40], %swap3A_43 {strides = array<i32>} : memref<2x2048x64xf32, #tpu.memory_space<vmem>>, vector<1x2048x64xf32>,
    %slice3A_44 = vector.extract_strided_slice %mul3A_37 {offsets = [0, 64], sizes = [2048, 64], strides = [1, 1]} : vector<2048x128xf32> to vector<2048x64xf32>
    %swap3A_45 = arith.constant 1 : index
    %swap3A_46 = arith.constant 0 : index
    %swap3A_47 = arith.constant 0 : index
    %swap3A_48 = vector.load %arg8[%swap3A_45, %swap3A_46, %swap3A_47] : memref<2x2048x64xf32, #tpu.memory_space<vmem>>, vector<1x2048x64xf32>
    %swap3A_49 = vector.shape_cast %swap3A_48 : vector<1x2048x64xf32> to vector<2048x64xf32>
    %swap3A_50 = vector.shape_cast %slice3A_44 : vector<2048x64xf32> to vector<1x2048x64xf32>
    tpu.vector_store %arg8[%swap3A_45, %swap3A_46, %swap3A_47], %swap3A_50 {strides = array<i32>} : memref<2x2048x64xf32, #tpu.memory_space<vmem>>, vector<1x2048x64xf32>,
    %get3A_51 = arith.constant 0 : index
    %get3A_52 = arith.constant 0 : index
    %get3A_53 = vector.load %arg6[%get3A_51, %get3A_52] : memref<128x128xf32, #tpu.memory_space<vmem>>, vector<128x128xf32>
    %dot_general3A_54 = arith.constant dense<0.000000e+00> : vector<2048x128xf32>
    %dot_general3A_55 = tpu.matmul %mul3A, %get3A_53, %dot_general3A_54 {dimension_numbers = #tpu.dot_dimension_numbers<[1], [0], [0], [1], [0, 0, 1, 1], [], []>, transpose_lhs_hint = false} : vector<2048x128xf32>, vector<128x128xf32>, vector<2048x128xf32> -> vector<2048x128xf32>
    %get3A_56 = arith.constant 0 : index
    %get3A_57 = arith.constant 0 : index
    %get3A_58 = vector.load %arg7[%get3A_56, %get3A_57] : memref<1x128xf32, #tpu.memory_space<vmem>>, vector<1x128xf32>
    %add3A_59 = vector.broadcast %get3A_58 : vector<1x128xf32> to vector<2048x128xf32>
    %add3A_60 = arith.addf %dot_general3A_55, %add3A_59 : vector<2048x128xf32>
    %mul3A_61 = vector.broadcast %broadcast_in_dim3A : vector<2048x1xf32> to vector<2048x128xf32>
    %mul3A_62 = arith.mulf %mul3A_61, %mul3A_37 : vector<2048x128xf32>
    %add3A_63 = arith.addf %add3A_60, %mul3A_62 : vector<2048x128xf32>
    %swap3A_64 = arith.constant 0 : index
    %swap3A_65 = arith.constant 0 : index
    %swap3A_66 = vector.load %arg9[%swap3A_64, %swap3A_65] : memref<2048x128xf32, #tpu.memory_space<vmem>>, vector<2048x128xf32>
    tpu.vector_store %arg9[%swap3A_64, %swap3A_65], %add3A_63 {strides = array<i32>} : memref<2048x128xf32, #tpu.memory_space<vmem>>, vector<2048x128xf32>,
    return
  }
  func.func @transform_0(%arg0: i32) -> (i32, i32) {
    %c0_i32 = arith.constant 0 : i32
    %c0_i32_0 = arith.constant 0 : i32
    return %arg0, %c0_i32 : i32, i32
  }
  func.func @transform_1(%arg0: i32) -> (i32, i32) {
    %c0_i32 = arith.constant 0 : i32
    %c0_i32_0 = arith.constant 0 : i32
    %c0_i32_1 = arith.constant 0 : i32
    return %c0_i32, %c0_i32_0 : i32, i32
  }
  func.func @transform_2(%arg0: i32) -> (i32, i32) {
    %c0_i32 = arith.constant 0 : i32
    %c0_i32_0 = arith.constant 0 : i32
    %c0_i32_1 = arith.constant 0 : i32
    return %c0_i32, %c0_i32_0 : i32, i32
  }
  func.func @transform_3(%arg0: i32) -> (i32, i32, i32) {
    %c0_i32 = arith.constant 0 : i32
    %c0_i32_0 = arith.constant 0 : i32
    %c0_i32_1 = arith.constant 0 : i32
    return %c0_i32, %arg0, %c0_i32_0 : i32, i32, i32
  }
  func.func @transform_4(%arg0: i32) -> (i32, i32) {
    %c0_i32 = arith.constant 0 : i32
    %c0_i32_0 = arith.constant 0 : i32
    %c0_i32_1 = arith.constant 0 : i32
    return %c0_i32, %c0_i32_0 : i32, i32
  }
  func.func @transform_5(%arg0: i32) -> (i32, i32) {
    %c0_i32 = arith.constant 0 : i32
    %c0_i32_0 = arith.constant 0 : i32
    %c0_i32_1 = arith.constant 0 : i32
    return %c0_i32, %c0_i32_0 : i32, i32
  }
  func.func @transform_6(%arg0: i32) -> (i32, i32) {
    %c0_i32 = arith.constant 0 : i32
    %c0_i32_0 = arith.constant 0 : i32
    %c0_i32_1 = arith.constant 0 : i32
    return %c0_i32, %c0_i32_0 : i32, i32
  }
  func.func @transform_7(%arg0: i32) -> (i32, i32, i32) {
    %c0_i32 = arith.constant 0 : i32
    %c0_i32_0 = arith.constant 0 : i32
    %c0_i32_1 = arith.constant 0 : i32
    return %c0_i32, %arg0, %c0_i32_0 : i32, i32, i32
  }
  func.func @transform_8(%arg0: i32) -> (i32, i32) {
    %c0_i32 = arith.constant 0 : i32
    %c0_i32_0 = arith.constant 0 : i32
    return %arg0, %c0_i32 : i32, i32
  }
  func.func @transform_9(%arg0: i32) -> (i32, i32) {
    %c0_i32 = arith.constant 0 : i32
    %c0_i32_0 = arith.constant 0 : i32
    return %arg0, %c0_i32 : i32, i32
  }
}

module attributes {stable_mosaic.version = 14 : i64} {
  func.func @_comb_mm_body(%arg0: i32, %arg1: memref<2x2048x64xf32, #tpu.memory_space<vmem>>, %arg2: memref<2048x128xf32, #tpu.memory_space<vmem>>, %arg3: memref<2048x1xf32, #tpu.memory_space<vmem>>, %arg4: memref<1x128xf32, #tpu.memory_space<vmem>>, %arg5: memref<128x128xf32, #tpu.memory_space<vmem>>, %arg6: memref<128x128xf32, #tpu.memory_space<vmem>>, %arg7: memref<1x128xf32, #tpu.memory_space<vmem>>, %arg8: memref<2x2048x64xf32, #tpu.memory_space<vmem>>, %arg9: memref<2048x128xf32, #tpu.memory_space<vmem>>) attributes {dimension_semantics = [#tpu.dimension_semantics<arbitrary>], iteration_bounds = array<i64: 5>, scalar_prefetch = 0 : i64, scratch_operands = 0 : i64, tpu.core_type = #tpu.core_type<tc>, window_params = [{transform_indices = @transform_0, window_bounds = array<i64: 2, 2048, 64>}, {transform_indices = @transform_1, window_bounds = array<i64: 2048, 128>}, {transform_indices = @transform_2, window_bounds = array<i64: 2048, 1>}, {pipeline_mode = #tpu.pipeline_mode<synchronous>, transform_indices = @transform_3, window_bounds = array<i64: 1, 128>}, {pipeline_mode = #tpu.pipeline_mode<synchronous>, transform_indices = @transform_4, window_bounds = array<i64: 128, 128>}, {pipeline_mode = #tpu.pipeline_mode<synchronous>, transform_indices = @transform_5, window_bounds = array<i64: 128, 128>}, {pipeline_mode = #tpu.pipeline_mode<synchronous>, transform_indices = @transform_6, window_bounds = array<i64: 1, 128>}, {transform_indices = @transform_7, window_bounds = array<i64: 2, 2048, 64>}, {transform_indices = @transform_8, window_bounds = array<i64: 2048, 128>}]} {
    %get3A = arith.constant 0 : index
    %get3A_0 = arith.constant 0 : index
    %get3A_1 = arith.constant 0 : index
    %get3A_2 = vector.load %arg1[%get3A, %get3A_0, %get3A_1] : memref<2x2048x64xf32, #tpu.memory_space<vmem>>, vector<1x2048x64xf32>
    %get3A_3 = vector.shape_cast %get3A_2 : vector<1x2048x64xf32> to vector<2048x64xf32>
    %get3A_4 = arith.constant 1 : index
    %get3A_5 = arith.constant 0 : index
    %get3A_6 = arith.constant 0 : index
    %get3A_7 = vector.load %arg1[%get3A_4, %get3A_5, %get3A_6] : memref<2x2048x64xf32, #tpu.memory_space<vmem>>, vector<1x2048x64xf32>
    %get3A_8 = vector.shape_cast %get3A_7 : vector<1x2048x64xf32> to vector<2048x64xf32>
    %concatenate3A = tpu.concatenate %get3A_3, %get3A_8 in 1 : vector<2048x64xf32>, vector<2048x64xf32> -> vector<2048x128xf32>
    %get3A_9 = arith.constant 0 : index
    %get3A_10 = arith.constant 0 : index
    %get3A_11 = vector.load %arg3[%get3A_9, %get3A_10] : memref<2048x1xf32, #tpu.memory_space<vmem>>, vector<2048x1xf32>
    %mul3A = vector.broadcast %get3A_11 : vector<2048x1xf32> to vector<2048x128xf32>
    %mul3A_12 = arith.mulf %mul3A, %concatenate3A : vector<2048x128xf32>
    %get3A_13 = arith.constant 0 : index
    %get3A_14 = arith.constant 0 : index
    %get3A_15 = vector.load %arg4[%get3A_13, %get3A_14] : memref<1x128xf32, #tpu.memory_space<vmem>>, vector<1x128xf32>
    %add3A = vector.broadcast %get3A_15 : vector<1x128xf32> to vector<2048x128xf32>
    %add3A_16 = arith.addf %mul3A_12, %add3A : vector<2048x128xf32>
    %get3A_17 = arith.constant 0 : index
    %get3A_18 = arith.constant 0 : index
    %get3A_19 = vector.load %arg2[%get3A_17, %get3A_18] : memref<2048x128xf32, #tpu.memory_space<vmem>>, vector<2048x128xf32>
    %add3A_20 = arith.addf %add3A_16, %get3A_19 : vector<2048x128xf32>
    %max3A = arith.constant 0.000000e+00 : f32
    %max3A_21 = vector.broadcast %max3A : f32 to vector<2048x128xf32>
    %max3A_22 = arith.maximumf %add3A_20, %max3A_21 : vector<2048x128xf32>
    %abs3A = math.absf %add3A_20 : vector<2048x128xf32>
    %neg3A = arith.constant 0.000000e+00 : f32
    %neg3A_23 = vector.broadcast %neg3A : f32 to vector<2048x128xf32>
    %neg3A_24 = arith.subf %neg3A_23, %abs3A : vector<2048x128xf32>
    %exp3A = math.exp %neg3A_24 : vector<2048x128xf32>
    %log1p3A = math.log1p %exp3A : vector<2048x128xf32>
    %add3A_25 = arith.addf %max3A_22, %log1p3A : vector<2048x128xf32>
    %tanh3A = math.tanh %add3A_25 : vector<2048x128xf32>
    %mul3A_26 = arith.mulf %add3A_20, %tanh3A : vector<2048x128xf32>
    %get3A_27 = arith.constant 0 : index
    %get3A_28 = arith.constant 0 : index
    %get3A_29 = vector.load %arg3[%get3A_27, %get3A_28] : memref<2048x1xf32, #tpu.memory_space<vmem>>, vector<2048x1xf32>
    %get3A_30 = arith.constant 0 : index
    %get3A_31 = arith.constant 0 : index
    %get3A_32 = vector.load %arg5[%get3A_30, %get3A_31] : memref<128x128xf32, #tpu.memory_space<vmem>>, vector<128x128xf32>
    %dot_general3A = arith.constant dense<0.000000e+00> : vector<2048x128xf32>
    %dot_general3A_33 = tpu.matmul %mul3A_26, %get3A_32, %dot_general3A {dimension_numbers = #tpu.dot_dimension_numbers<[1], [0], [0], [1], [0, 0, 1, 1], [], []>, transpose_lhs_hint = false} : vector<2048x128xf32>, vector<128x128xf32>, vector<2048x128xf32> -> vector<2048x128xf32>
    %mul3A_34 = vector.broadcast %get3A_29 : vector<2048x1xf32> to vector<2048x128xf32>
    %mul3A_35 = arith.mulf %mul3A_34, %dot_general3A_33 : vector<2048x128xf32>
    %slice3A = vector.extract_strided_slice %mul3A_35 {offsets = [0, 0], sizes = [2048, 64], strides = [1, 1]} : vector<2048x128xf32> to vector<2048x64xf32>
    %swap3A = arith.constant 0 : index
    %swap3A_36 = arith.constant 0 : index
    %swap3A_37 = arith.constant 0 : index
    %swap3A_38 = vector.load %arg8[%swap3A, %swap3A_36, %swap3A_37] : memref<2x2048x64xf32, #tpu.memory_space<vmem>>, vector<1x2048x64xf32>
    %swap3A_39 = vector.shape_cast %swap3A_38 : vector<1x2048x64xf32> to vector<2048x64xf32>
    %swap3A_40 = vector.shape_cast %slice3A : vector<2048x64xf32> to vector<1x2048x64xf32>
    tpu.vector_store %arg8[%swap3A, %swap3A_36, %swap3A_37], %swap3A_40 {strides = array<i32>} : memref<2x2048x64xf32, #tpu.memory_space<vmem>>, vector<1x2048x64xf32>,
    %slice3A_41 = vector.extract_strided_slice %mul3A_35 {offsets = [0, 64], sizes = [2048, 64], strides = [1, 1]} : vector<2048x128xf32> to vector<2048x64xf32>
    %swap3A_42 = arith.constant 1 : index
    %swap3A_43 = arith.constant 0 : index
    %swap3A_44 = arith.constant 0 : index
    %swap3A_45 = vector.load %arg8[%swap3A_42, %swap3A_43, %swap3A_44] : memref<2x2048x64xf32, #tpu.memory_space<vmem>>, vector<1x2048x64xf32>
    %swap3A_46 = vector.shape_cast %swap3A_45 : vector<1x2048x64xf32> to vector<2048x64xf32>
    %swap3A_47 = vector.shape_cast %slice3A_41 : vector<2048x64xf32> to vector<1x2048x64xf32>
    tpu.vector_store %arg8[%swap3A_42, %swap3A_43, %swap3A_44], %swap3A_47 {strides = array<i32>} : memref<2x2048x64xf32, #tpu.memory_space<vmem>>, vector<1x2048x64xf32>,
    %get3A_48 = arith.constant 0 : index
    %get3A_49 = arith.constant 0 : index
    %get3A_50 = vector.load %arg6[%get3A_48, %get3A_49] : memref<128x128xf32, #tpu.memory_space<vmem>>, vector<128x128xf32>
    %dot_general3A_51 = arith.constant dense<0.000000e+00> : vector<2048x128xf32>
    %dot_general3A_52 = tpu.matmul %mul3A_26, %get3A_50, %dot_general3A_51 {dimension_numbers = #tpu.dot_dimension_numbers<[1], [0], [0], [1], [0, 0, 1, 1], [], []>, transpose_lhs_hint = false} : vector<2048x128xf32>, vector<128x128xf32>, vector<2048x128xf32> -> vector<2048x128xf32>
    %get3A_53 = arith.constant 0 : index
    %get3A_54 = arith.constant 0 : index
    %get3A_55 = vector.load %arg7[%get3A_53, %get3A_54] : memref<1x128xf32, #tpu.memory_space<vmem>>, vector<1x128xf32>
    %add3A_56 = vector.broadcast %get3A_55 : vector<1x128xf32> to vector<2048x128xf32>
    %add3A_57 = arith.addf %dot_general3A_52, %add3A_56 : vector<2048x128xf32>
    %mul3A_58 = vector.broadcast %get3A_29 : vector<2048x1xf32> to vector<2048x128xf32>
    %mul3A_59 = arith.mulf %mul3A_58, %mul3A_35 : vector<2048x128xf32>
    %add3A_60 = arith.addf %add3A_57, %mul3A_59 : vector<2048x128xf32>
    %swap3A_61 = arith.constant 0 : index
    %swap3A_62 = arith.constant 0 : index
    %swap3A_63 = vector.load %arg9[%swap3A_61, %swap3A_62] : memref<2048x128xf32, #tpu.memory_space<vmem>>, vector<2048x128xf32>
    tpu.vector_store %arg9[%swap3A_61, %swap3A_62], %add3A_60 {strides = array<i32>} : memref<2048x128xf32, #tpu.memory_space<vmem>>, vector<2048x128xf32>,
    return
  }
  func.func @transform_0(%arg0: i32) -> (i32, i32, i32) {
    %c0_i32 = arith.constant 0 : i32
    %c0_i32_0 = arith.constant 0 : i32
    %c0_i32_1 = arith.constant 0 : i32
    return %c0_i32, %arg0, %c0_i32_0 : i32, i32, i32
  }
  func.func @transform_1(%arg0: i32) -> (i32, i32) {
    %c0_i32 = arith.constant 0 : i32
    %c0_i32_0 = arith.constant 0 : i32
    return %arg0, %c0_i32 : i32, i32
  }
  func.func @transform_2(%arg0: i32) -> (i32, i32) {
    %c0_i32 = arith.constant 0 : i32
    %c0_i32_0 = arith.constant 0 : i32
    return %arg0, %c0_i32 : i32, i32
  }
  func.func @transform_3(%arg0: i32) -> (i32, i32) {
    %c0_i32 = arith.constant 0 : i32
    %c0_i32_0 = arith.constant 0 : i32
    %c0_i32_1 = arith.constant 0 : i32
    return %c0_i32, %c0_i32_0 : i32, i32
  }
  func.func @transform_4(%arg0: i32) -> (i32, i32) {
    %c0_i32 = arith.constant 0 : i32
    %c0_i32_0 = arith.constant 0 : i32
    %c0_i32_1 = arith.constant 0 : i32
    return %c0_i32, %c0_i32_0 : i32, i32
  }
  func.func @transform_5(%arg0: i32) -> (i32, i32) {
    %c0_i32 = arith.constant 0 : i32
    %c0_i32_0 = arith.constant 0 : i32
    %c0_i32_1 = arith.constant 0 : i32
    return %c0_i32, %c0_i32_0 : i32, i32
  }
  func.func @transform_6(%arg0: i32) -> (i32, i32) {
    %c0_i32 = arith.constant 0 : i32
    %c0_i32_0 = arith.constant 0 : i32
    %c0_i32_1 = arith.constant 0 : i32
    return %c0_i32, %c0_i32_0 : i32, i32
  }
  func.func @transform_7(%arg0: i32) -> (i32, i32, i32) {
    %c0_i32 = arith.constant 0 : i32
    %c0_i32_0 = arith.constant 0 : i32
    %c0_i32_1 = arith.constant 0 : i32
    return %c0_i32, %arg0, %c0_i32_0 : i32, i32, i32
  }
  func.func @transform_8(%arg0: i32) -> (i32, i32) {
    %c0_i32 = arith.constant 0 : i32
    %c0_i32_0 = arith.constant 0 : i32
    return %arg0, %c0_i32 : i32, i32
  }
}

module attributes {stable_mosaic.version = 14 : i64} {
  func.func @_comb_post_body(%arg0: i32, %arg1: memref<2x2048x64xf32, #tpu.memory_space<vmem>>, %arg2: memref<2048x128xf32, #tpu.memory_space<vmem>>, %arg3: memref<2048x1xf32, #tpu.memory_space<vmem>>, %arg4: memref<1x128xf32, #tpu.memory_space<vmem>>, %arg5: memref<128x1xf32, #tpu.memory_space<vmem>>, %arg6: memref<1x1xf32, #tpu.memory_space<vmem>>, %arg7: memref<2048x1xf32, #tpu.memory_space<vmem>>) attributes {dimension_semantics = [#tpu.dimension_semantics<arbitrary>], iteration_bounds = array<i64: 5>, scalar_prefetch = 0 : i64, scratch_operands = 0 : i64, tpu.core_type = #tpu.core_type<tc>, window_params = [{transform_indices = @transform_0, window_bounds = array<i64: 2, 2048, 64>}, {transform_indices = @transform_1, window_bounds = array<i64: 2048, 128>}, {transform_indices = @transform_2, window_bounds = array<i64: 2048, 1>}, {pipeline_mode = #tpu.pipeline_mode<synchronous>, transform_indices = @transform_3, window_bounds = array<i64: 1, 128>}, {pipeline_mode = #tpu.pipeline_mode<synchronous>, transform_indices = @transform_4, window_bounds = array<i64: 128, 1>}, {pipeline_mode = #tpu.pipeline_mode<synchronous>, transform_indices = @transform_5, window_bounds = array<i64: 1, 1>}, {transform_indices = @transform_6, window_bounds = array<i64: 2048, 1>}]} {
    %get3A = arith.constant 0 : index
    %get3A_0 = arith.constant 0 : index
    %get3A_1 = arith.constant 0 : index
    %get3A_2 = vector.load %arg1[%get3A, %get3A_0, %get3A_1] : memref<2x2048x64xf32, #tpu.memory_space<vmem>>, vector<1x2048x64xf32>
    %get3A_3 = vector.shape_cast %get3A_2 : vector<1x2048x64xf32> to vector<2048x64xf32>
    %get3A_4 = arith.constant 1 : index
    %get3A_5 = arith.constant 0 : index
    %get3A_6 = arith.constant 0 : index
    %get3A_7 = vector.load %arg1[%get3A_4, %get3A_5, %get3A_6] : memref<2x2048x64xf32, #tpu.memory_space<vmem>>, vector<1x2048x64xf32>
    %get3A_8 = vector.shape_cast %get3A_7 : vector<1x2048x64xf32> to vector<2048x64xf32>
    %concatenate3A = tpu.concatenate %get3A_3, %get3A_8 in 1 : vector<2048x64xf32>, vector<2048x64xf32> -> vector<2048x128xf32>
    %get3A_9 = arith.constant 0 : index
    %get3A_10 = arith.constant 0 : index
    %get3A_11 = vector.load %arg3[%get3A_9, %get3A_10] : memref<2048x1xf32, #tpu.memory_space<vmem>>, vector<2048x1xf32>
    %mul3A = vector.broadcast %get3A_11 : vector<2048x1xf32> to vector<2048x128xf32>
    %mul3A_12 = arith.mulf %mul3A, %concatenate3A : vector<2048x128xf32>
    %get3A_13 = arith.constant 0 : index
    %get3A_14 = arith.constant 0 : index
    %get3A_15 = vector.load %arg4[%get3A_13, %get3A_14] : memref<1x128xf32, #tpu.memory_space<vmem>>, vector<1x128xf32>
    %add3A = vector.broadcast %get3A_15 : vector<1x128xf32> to vector<2048x128xf32>
    %add3A_16 = arith.addf %mul3A_12, %add3A : vector<2048x128xf32>
    %get3A_17 = arith.constant 0 : index
    %get3A_18 = arith.constant 0 : index
    %get3A_19 = vector.load %arg2[%get3A_17, %get3A_18] : memref<2048x128xf32, #tpu.memory_space<vmem>>, vector<2048x128xf32>
    %add3A_20 = arith.addf %add3A_16, %get3A_19 : vector<2048x128xf32>
    %max3A = arith.constant 0.000000e+00 : f32
    %max3A_21 = vector.broadcast %max3A : f32 to vector<2048x128xf32>
    %max3A_22 = arith.maximumf %add3A_20, %max3A_21 : vector<2048x128xf32>
    %abs3A = math.absf %add3A_20 : vector<2048x128xf32>
    %neg3A = arith.constant 0.000000e+00 : f32
    %neg3A_23 = vector.broadcast %neg3A : f32 to vector<2048x128xf32>
    %neg3A_24 = arith.subf %neg3A_23, %abs3A : vector<2048x128xf32>
    %exp3A = math.exp %neg3A_24 : vector<2048x128xf32>
    %log1p3A = math.log1p %exp3A : vector<2048x128xf32>
    %add3A_25 = arith.addf %max3A_22, %log1p3A : vector<2048x128xf32>
    %tanh3A = math.tanh %add3A_25 : vector<2048x128xf32>
    %mul3A_26 = arith.mulf %add3A_20, %tanh3A : vector<2048x128xf32>
    %get3A_27 = arith.constant 0 : index
    %get3A_28 = arith.constant 0 : index
    %get3A_29 = vector.load %arg5[%get3A_27, %get3A_28] : memref<128x1xf32, #tpu.memory_space<vmem>>, vector<128x1xf32>
    %dot_general3A = arith.constant dense<0.000000e+00> : vector<2048x1xf32>
    %dot_general3A_30 = tpu.matmul %mul3A_26, %get3A_29, %dot_general3A {dimension_numbers = #tpu.dot_dimension_numbers<[1], [0], [0], [1], [0, 0, 1, 1], [], []>, transpose_lhs_hint = false} : vector<2048x128xf32>, vector<128x1xf32>, vector<2048x1xf32> -> vector<2048x1xf32>
    %get3A_31 = arith.constant 0 : index
    %get3A_32 = arith.constant 0 : index
    %get3A_33 = vector.load %arg6[%get3A_31, %get3A_32] : memref<1x1xf32, #tpu.memory_space<vmem>>, vector<1x1xf32>
    %add3A_34 = vector.broadcast %get3A_33 : vector<1x1xf32> to vector<2048x1xf32>
    %add3A_35 = arith.addf %dot_general3A_30, %add3A_34 : vector<2048x1xf32>
    %swap3A = arith.constant 0 : index
    %swap3A_36 = arith.constant 0 : index
    %swap3A_37 = vector.load %arg7[%swap3A, %swap3A_36] : memref<2048x1xf32, #tpu.memory_space<vmem>>, vector<2048x1xf32>
    tpu.vector_store %arg7[%swap3A, %swap3A_36], %add3A_35 {strides = array<i32>} : memref<2048x1xf32, #tpu.memory_space<vmem>>, vector<2048x1xf32>,
    return
  }
  func.func @transform_0(%arg0: i32) -> (i32, i32, i32) {
    %c0_i32 = arith.constant 0 : i32
    %c0_i32_0 = arith.constant 0 : i32
    %c0_i32_1 = arith.constant 0 : i32
    return %c0_i32, %arg0, %c0_i32_0 : i32, i32, i32
  }
  func.func @transform_1(%arg0: i32) -> (i32, i32) {
    %c0_i32 = arith.constant 0 : i32
    %c0_i32_0 = arith.constant 0 : i32
    return %arg0, %c0_i32 : i32, i32
  }
  func.func @transform_2(%arg0: i32) -> (i32, i32) {
    %c0_i32 = arith.constant 0 : i32
    %c0_i32_0 = arith.constant 0 : i32
    return %arg0, %c0_i32 : i32, i32
  }
  func.func @transform_3(%arg0: i32) -> (i32, i32) {
    %c0_i32 = arith.constant 0 : i32
    %c0_i32_0 = arith.constant 0 : i32
    %c0_i32_1 = arith.constant 0 : i32
    return %c0_i32, %c0_i32_0 : i32, i32
  }
  func.func @transform_4(%arg0: i32) -> (i32, i32) {
    %c0_i32 = arith.constant 0 : i32
    %c0_i32_0 = arith.constant 0 : i32
    %c0_i32_1 = arith.constant 0 : i32
    return %c0_i32, %c0_i32_0 : i32, i32
  }
  func.func @transform_5(%arg0: i32) -> (i32, i32) {
    %c0_i32 = arith.constant 0 : i32
    %c0_i32_0 = arith.constant 0 : i32
    %c0_i32_1 = arith.constant 0 : i32
    return %c0_i32, %c0_i32_0 : i32, i32
  }
  func.func @transform_6(%arg0: i32) -> (i32, i32) {
    %c0_i32 = arith.constant 0 : i32
    %c0_i32_0 = arith.constant 0 : i32
    return %arg0, %c0_i32 : i32, i32
  }
}

</mosaic_0001>

<sc_bundles>
// kernel: kernel.10.cloned.1.call-start
scs
__scs_entry_jumppad:
0x0: {  	(pc) =	sbr.rel $0x88, $3  }
0x1: {  	(tag) =	ssettag $0x0;
	lr =	simm.s32 $0x1  }
0x2: {  	[smem:$0x3F8F] =	sst lr;
	_ =	strace $0xD0000000  }
0x3: {  	_ = 	snop  }
0x4: {  	_ = 	snop  }
0x5: {  	_ = 	snop  }
0x6: {  	_ = 	snop  }
0x7: {  	_ = 	snop  }
__scs_overlays_trampoline_lowered:
0x8: {  	[smem:$0x3F9E] =	sst s0  }
0x9: {  	[smem:$0x3F9F] =	sst s1  }
0xa: {  	[smem:$0x3FA0] =	sst s2  }
0xb: {  	[smem:$0x3FA1] =	sst s3  }
0xc: {  	[smem:$0x3FA2] =	sst s4  }
0xd: {  	[smem:$0x3FA3] =	sst s5  }
0xe: {  	[smem:$0x3FA4] =	sst s6  }
0xf: {  	[smem:$0x3FA5] =	sst s7  }
0x10: {  	[smem:$0x3FA6] =	sst s8  }
0x11: {  	[smem:$0x3FA7] =	sst s9;
	s0 =	simm.s32 @!p0 $0x0  }
0x12: {  	s1 =	sld [smem:$0x3F8D];
	s0 =	simm.s32 @p0 $0x1  }
0x13: {  	[smem:$0x3FA8] =	sst s0;
	s0 =	simm.s32 @!p1 $0x0  }
0x14: {  	s2 =	sld [smem:$0x3F8C];
	s0 =	simm.s32 @p1 $0x1  }
0x15: {  	[smem:$0x3FA9] =	sst s0;
	s0 =	simm.s32 @!p2 $0x0  }
0x16: {  	s3 =	sld [smem:$0x3FDB];
	s0 =	simm.s32 @p2 $0x1  }
0x17: {  	s4 =	simm.s32 $0x1BF5;
	[smem:$0x3FAB] =	sst s0  }
0x18: {  	s0 =	sld [smem:$0x3F8E];
	_ =	swait.ge [sflag:s4], $0x0  }
0x19: {  	s7 =	sld [smem:$0x3F8F]  }
0x1a: {  	s8 =	sadd.s32 $0xFFFFE003, lr  }
0x1b: {  	s9 =	sadd.s32 $0xFFFFFEF7, lr;
	s5 =	simm.s32 $0xFFFFFFFF;
	p2 =	slt.u32 s8, $0xFFFFF086  }
0x1c: {  	p1 =	slt.u32 s9, $0xF7A;
	s5 =	simm.s32 @!p2 $0x0  }
0x1d: {  	s5 =	simm.s32 @p1 $0x1;
	p0 =	seq.s32 s7, s2  }
0x1e: {  	s7 =	smul.u32 @!p0 $0xF7A, s2;
	p2 =	seq.s32 @!p0 s5, $0x0  }
0x1f: {  	s9 =	smul.u32 $0xF7A, s1;
	s8 =	simm.s32 @!p0 $0x1BF5;
	p2 =	por !p2, p0  }
0x20: {  	[sflag:s8] =	ssyncset.s32 @!p0 $0xFFFFF086;
	s6 =	sadd.s32 @!p0 s3, s7;
	s7 =	simm.s32 @!p0 $0x108  }
0x21: {  	s3 =	sadd.s32 s3, s9;
	s6 =	sadd.s32 @!p0 $0x88, s6;
	s7 =	simm.s32 @p2 $0x1082  }
0x22: {  	[simem:s7], [sflag:s8] =	dma.local @!p0 [hbm:s6], $0xF7A  }
0x23: {  	s9 =	sor.u32 $0xD0000000, s2;
	s6 =	simm.s32 $0x108;
	_ =	swait.ge @!p0 [sflag:s8], $0x0  }
0x24: {  	s3 =	sadd.s32 $0x88, s3;
	s6 =	simm.s32 @!p1 $0x1082;
	[sflag:s4] =	ssyncset.s32 $0xFFFFF086  }
0x25: {  	[simem:s6], [sflag:s4] =	dma.local [hbm:s3], $0xF7A  }
0x26: {  	[smem:$0x3F8F] =	sst s1;
	(tag) =	ssettag s2;
	_ =	strace s9  }
0x27: {  	s1 =	sld [smem:$0x3F9F]  }
0x28: {  	s2 =	sld [smem:$0x3FA0]  }
0x29: {  	s4 =	sld [smem:$0x3FA2]  }
0x2a: {  	p0 =	seq.s32 s5, $0x0;
	s5 =	sld [smem:$0x3FA3]  }
0x2b: {  	s6 =	sld [smem:$0x3FA4]  }
0x2c: {  	s7 =	sld [smem:$0x3FA5]  }
0x2d: {  	s3 =	simm.s32 $0x108;
	s8 =	sld [smem:$0x3FA6]  }
0x2e: {  	s3 =	simm.s32 @!p0 $0x1082;
	s9 =	sld [smem:$0x3FA7]  }
0x2f: {  	lr =	sadd.s32 s0, s3;
	s0 =	sld [smem:$0x3F9E]  }
0x30: {  	s3 =	sld [smem:$0x3FA1]  }
0x31: {  	[smem:$0x3FAA] =	sst s10  }
0x32: {  	s10 =	sld [smem:$0x3FA8];
	_ =	sdelay $0x3  }
0x33: {  	p0 =	seq.s32 s10, $0x1;
	s10 =	sld [smem:$0x3FAA];
	_ =	sdelay $0x3  }
0x34: {  	[smem:$0x3FAA] =	sst s10  }
0x35: {  	s10 =	sld [smem:$0x3FA9];
	_ =	sdelay $0x3  }
0x36: {  	p1 =	seq.s32 s10, $0x1;
	s10 =	sld [smem:$0x3FAA];
	_ =	sdelay $0x3  }
0x37: {  	[smem:$0x3FAA] =	sst s10  }
0x38: {  	s10 =	sld [smem:$0x3FAB]  }
0x39: {  	_ = 	snop;
	(pc) =	sbr.ind lr, $3  }
0x3a: {  	_ = 	snop  }
0x3b: {  	_ = 	snop  }
0x3c: {  	p2 =	seq.s32 s10, $0x1;
	s10 =	sld [smem:$0x3FAA]  }
0x3d: {  	_ =	shalt  }
0x3e: {  	_ =	shalt  }
0x3f: {  	_ =	shalt  }
0x40: {  	_ =	shalt  }
0x41: {  	_ =	shalt  }
0x42: {  	_ =	shalt  }
0x43: {  	_ =	shalt  }
0x44: {  	_ =	shalt  }
0x45: {  	_ =	shalt  }
0x46: {  	_ =	shalt  }
0x47: {  	_ =	shalt  }
0x48: {  	_ =	shalt  }
0x49: {  	_ =	shalt  }
0x4a: {  	_ =	shalt  }
0x4b: {  	_ =	shalt  }
0x4c: {  	_ =	shalt  }
0x4d: {  	_ =	shalt  }
0x4e: {  	_ =	shalt  }
0x4f: {  	_ =	shalt  }
0x50: {  	_ =	shalt  }
0x51: {  	_ =	shalt  }
0x52: {  	_ =	shalt  }
0x53: {  	_ =	shalt  }
0x54: {  	_ =	shalt  }
0x55: {  	_ =	shalt  }
0x56: {  	_ =	shalt  }
0x57: {  	_ =	shalt  }
0x58: {  	_ =	shalt  }
0x59: {  	_ =	shalt  }
0x5a: {  	_ =	shalt  }
0x5b: {  	_ =	shalt  }
0x5c: {  	_ =	shalt  }
0x5d: {  	_ =	shalt  }
0x5e: {  	_ =	shalt  }
0x5f: {  	_ =	shalt  }
0x60: {  	_ =	shalt  }
0x61: {  	_ =	shalt  }
0x62: {  	_ =	shalt  }
0x63: {  	_ =	shalt  }
0x64: {  	_ =	shalt  }
0x65: {  	_ =	shalt  }
0x66: {  	_ =	shalt  }
0x67: {  	_ =	shalt  }
0x68: {  	_ =	shalt  }
0x69: {  	_ =	shalt  }
0x6a: {  	_ =	shalt  }
0x6b: {  	_ =	shalt  }
0x6c: {  	_ =	shalt  }
0x6d: {  	_ =	shalt  }
0x6e: {  	_ =	shalt  }
0x6f: {  	_ =	shalt  }
0x70: {  	_ =	shalt  }
0x71: {  	_ =	shalt  }
0x72: {  	_ =	shalt  }
0x73: {  	_ =	shalt  }
0x74: {  	_ =	shalt  }
0x75: {  	_ =	shalt  }
0x76: {  	_ =	shalt  }
0x77: {  	_ =	shalt  }
0x78: {  	_ =	shalt  }
0x79: {  	_ =	shalt  }
0x7a: {  	_ =	shalt  }
0x7b: {  	_ =	shalt  }
0x7c: {  	_ =	shalt  }
0x7d: {  	_ =	shalt  }
0x7e: {  	_ =	shalt  }
0x7f: {  	_ =	shalt  }
0x80: {  	_ =	shalt  }
0x81: {  	_ =	shalt  }
0x82: {  	_ =	shalt  }
0x83: {  	_ =	shalt  }
0x84: {  	_ =	shalt  }
0x85: {  	_ =	shalt  }
0x86: {  	_ =	shalt  }
0x87: {  	_ =	shalt  }
.Lfunc_end0:
.L_simem_size_0:
called_computation_lowered:
.L_overlay_start_0:
0x88: {  	s2 =	sld [smem:$0x3FD9]  }
0x89: {  	s3 =	sld [smem:$0x3FFE];
	_ =	sdelay $0x1  }
0x8a: {  	s1 =	srdreg.scid  }
0x8b: {  	s0 =	sand.u32 $0x1, s1  }
0x8c: {  	s16 =	sshll.u32 s0, $0xA;
	s2 =	sadd.s32 s3, s2  }
0x8d: {  	s2 =	sadd.s32 s2, s16  }
0x8e: {  	[smem:$0x3FB6] =	sst s2  }
0x8f: {  	_ = 	snop  }
0x90: {  	(tm) =	ssettm $0x1  }
0x91: {  	s17 =	sld [smem:$0x3FFB];
	_ =	sdelay $0x3  }
0x92: {  	_ =	strace s17  }
0x93: {  	s2 =	sld [smem:$0x3FFC];
	_ =	sdelay $0x3  }
0x94: {  	_ =	strace s2  }
0x95: {  	s2 =	sld [smem:$0x3FFD];
	_ =	sdelay $0x3  }
0x96: {  	_ =	strace s2  }
0x97: {  	_ =	strace $0x8FFFFFFF  }
0x98: {  	s18 =	sld [smem:$0x3FDB];
	_ =	sdelay $0x1  }
0x99: {  	s19 =	simm.s32 $_scs_section_size  }
0x9a: {  	s4 =	simm.s32 $_size__tile_overlayer_lowered;
	s5 =	simm.s32 $_tile_overlayer_lowered  }
0x9b: {  	s22 =	simm.s32 $0x1BFF;
	s21 =	sshll.u32 s5, $0x1;
	s2 =	sadd.s32 s19, s18  }
0x9c: {  	s6 =	simm.s32 $0x0;
	s20 =	sshll.u32 s4, $0x1;
	s4 =	sadd.s32 s21, s2  }
0x9d: {  	[timem:s6], [sflag:s22] =	dma.local [hbm:s4], s20  }
0x9e: {  	_ =	swait.ge [sflag:s22], s20  }
0x9f: {  	s3 =	ssub.s32 $0x0, s20;
	[sflag:s22] =	ssyncset.done $0x0  }
0xa0: {  	[sflag:s22] =	ssyncadd.s32 s3;
	_ =	sdelay $0x1  }
0xa1: {  	s23 =	simm.s32 $0x1B8B  }
0xa2: {  	_ =	swait.ge [sflag:s23], $0x1  }
0xa3: {  	[sflag:s23] =	ssyncset.done $0x0  }
0xa4: {  	s25 =	simm.s32 $0x1B8E;
	s24 =	sld [smem:$0x3FFE];
	[sflag:s23] =	ssyncadd.s32 $0xFFFFFFFF  }
0xa5: {  	s26 =	simm.s32 $execute0_lowered;
	[smem:$0x3FD2] =	sst s25  }
0xa6: {  	s4 =	sshll.u32 s26, $0x1;
	_ =	strace $0x80000046;
	[dreg:$0x1] =	wrdreg $0xFFFFFFFF  }
0xa7: {  	s28 =	simm.s32 $_size_execute0_lowered;
	s2 =	sadd.s32 s2, s4;
	[dreg:$0x0] =	wrdreg $0x0  }
0xa8: {  	s4 =	sshll.u32 s28, $0x1;
	[dreg:$0x2] =	wrdreg s2  }
0xa9: {  	[dreg:$0x3] =	wrdreg s4  }
0xaa: {  	[dreg:$0x4] =	wrdreg $0xC0  }
0xab: {  	_ =	task [dreg:s6], $0x5FFFF  }
0xac: {  	[dreg:$0x1] =	wrdreg $0xFFFFFFFF  }
0xad: {  	[dreg:$0x0] =	wrdreg $0x60  }
0xae: {  	[dreg:$0x2] =	wrdreg s24  }
0xaf: {  	[dreg:$0x3] =	wrdreg $0x37D00  }
0xb0: {  	[dreg:$0x4] =	wrdreg $0x9  }
0xb1: {  	_ =	task.clear_ibuf [dreg:s6], $0x5FFFF;
	_ =	strace $0x90000046  }
0xb2: {  	s29 =	simm.s32 $0x9;
	_ =	strace $0x80000048  }
0xb3: {  	_ =	swait.ge [sflag:s29], $0x1  }
0xb4: {  	[sflag:s29] =	ssyncadd.s32 $0xFFFFFFFF  }
0xb5: {  	_ =	strace $0x90000048  }
0xb6: {  	_ =	sfence  }
0xb7: {  	s30 =	sld [smem:$0x0];
	_ =	sdelay $0x2  }
0xb8: {  	s31 =	sshll.u32 s1, $0xD;
	s1 =	sshrl.u32 s1, $0x2  }
0xb9: {  	s3 =	sand.u32 $0x4000, s31;
	s1 =	sadd.s32 s1, s30  }
0xba: {  	s0 =	sor.u32 s3, s0;
	s1 =	sshll.u32 s1, $0x11  }
0xbb: {  	s0 =	sor.u32 s1, s0  }
0xbc: {  	s0 =	sadd.s32 $0x8F2B, s0  }
0xbd: {  	[sflag:s0] =	ssyncadd.remote.s32 $0x1  }
0xbe: {  	_ =	sfence.sel $0xFFFF  }
0xbf: {  	[dreg:$0x0] =	wrdreg $0xFFFFFFFF;
	(pc) =	sbr.abs _section_cstart, $3  }
0xc0: {  	[dreg:$0x1] =	wrdreg $0xFFFFFFFF  }
0xc1: {  	_ =	task.clear_ibuf [dreg:s6], $0x2FFFF;
	_ =	strace $0x9FFFFFFF  }
0xc2: {  	(tm) =	ssettm $0x7FFFFFFF  }
0xc3: {  	_ =	shalt  }
tec
execute0_lowered:
.L_overlay_start_1:
0x0: {  	(tag) =	ssettag $0x1  }
0x1: {  	s4 =	rddreg [dreg:$0x0];
	s0 =	srdreg.scid  }
0x2: {  	s2 =	rddreg [dreg:$0x1];
	s1 =	stileid.u32  }
0x3: {  	s3 =	simm.s32 $0x0;
	s13 =	simm.s32 $0x2;
	s14 =	simm.s32 $0x7D  }
0x4: {  	s15 =	simm.s32 $0x2800;
	s5 =	sand.u32 $0x1, s0;
	s0 =	rddreg [dreg:$0x2]  }
0x5: {  	s16 =	simm.s32 $0x1;
	s7 =	smul.u32 $0x2800, s1;
	[smem:$0x7FF] =	sst s3  }
0x6: {  	s9 =	smul.u32 $0xA000, s1;
	s17 =	sshll.u32 s1, $0x6;
	s6 =	sshll.u32 s5, $0x4  }
0x7: {  	s8 =	smul.u32 $0x28000, s5;
	_ =	strace $0x80000047;
	s5 =	ssub.s32 $0x2, s5  }
0x8: {  	s17 =	sor.u32 $0x1C02, s17;
	s6 =	sor.u32 s1, s6;
	s29 =	sshrl.u32 s5, $0x1  }
0x9: {  	s30 =	sshrl.u32 s9, $0x2;
	s6 =	smul.u32 $0x500, s6;
	s8 =	sadd.s32 s7, s8  }
0xa: {  	s12 =	ssub.s32 s5, s29;
	s31 =	sadd.s32 s30, s2;
	s28 =	sshrl.u32 s8, $0x3  }
0xb: {  	s5 =	sadd.s32 $0x800, s31;
	s8 =	sadd.s32 $0x2000, s31;
	s10 =	sadd.s32 s6, s4  }
0xc: {  	s11 =	sadd.s32 s28, s4;
	s4 =	sadd.s32 s7, s2;
	s6 =	sadd.s32 $0x1000, s31  }
0xd: {  	s7 =	sadd.s32 $0x1800, s31;
	s9 =	sadd.s32 $0x3400, s10;
	s10 =	sadd.s32 $0xD400, s11  }
0xe: {  	v0 =	vimm.f32 $0.0e+00;
	v1 =	vimm.f32 $1.000000000e+00;
	s11 =	smax.u32 s12, $0x1;
	s12 =	simm.s32 $0x2FD0;
	s18 =	sshrl.u32 s4, $0x3  }
.LBB2_1:
0xf: {  	s19 =	simm.s32 $0x40;
	s20 =	simm.s32 $0x0  }
.LBB2_2:
0x10: {  	p0 =	sne.s32 s19, $0x1FC0;
	[tilespmem:s20+$0x2FD0] =	vst v0;
	s20 =	smov.u32 s19;
	s19 =	sadd.s32 $0x40, s19  }
.Ltmp0:
0x11: {  	(pc) =	sbr.rel @p0 .LBB2_2-.Ltmp0, $2  }
0x12: {  	_ =	sdelay $0x2  }
0x13: {  	s20 =	sshra.s32 s20, $0x2  }
0x14: {  	[tilespmem:s20+$0x2FD0] =	vst v0  }
0x15: {  	[spmem:s4] =	stream.linear.scatter [tilespmem:s12], [sflag:$0x2], $0x800, $0x38;
	[tilespmem:$0x5FD0] =	vst v63  }
0x16: {  	_ =	swait.ge [sflag:s13], $0x800  }
0x17: {  	[sflag:s13] =	ssyncset.done $0x0  }
0x18: {  	[sflag:s13] =	ssyncadd.s32 $0xFFFFF800  }
0x19: {  	[spmem:s5] =	stream.linear.scatter [tilespmem:s12], [sflag:$0x2], $0x800, $0x38;
	[tilespmem:$0x5FD0] =	vst v63  }
0x1a: {  	_ =	swait.ge [sflag:s13], $0x800  }
0x1b: {  	[sflag:s13] =	ssyncset.done $0x0  }
0x1c: {  	[sflag:s13] =	ssyncadd.s32 $0xFFFFF800  }
0x1d: {  	[spmem:s6] =	stream.linear.scatter [tilespmem:s12], [sflag:$0x2], $0x800, $0x38;
	[tilespmem:$0x5FD0] =	vst v63  }
0x1e: {  	_ =	swait.ge [sflag:s13], $0x800  }
0x1f: {  	[sflag:s13] =	ssyncset.done $0x0  }
0x20: {  	[sflag:s13] =	ssyncadd.s32 $0xFFFFF800  }
0x21: {  	[spmem:s7] =	stream.linear.scatter [tilespmem:s12], [sflag:$0x2], $0x800, $0x38;
	[tilespmem:$0x5FD0] =	vst v63  }
0x22: {  	_ =	swait.ge [sflag:s13], $0x800  }
0x23: {  	[sflag:s13] =	ssyncset.done $0x0  }
0x24: {  	[sflag:s13] =	ssyncadd.s32 $0xFFFFF800  }
0x25: {  	[spmem:s8] =	stream.linear.scatter [tilespmem:s12], [sflag:$0x2], $0x800, $0x38;
	[tilespmem:$0x5FD0] =	vst v63  }
0x26: {  	_ =	swait.ge [sflag:s13], $0x800  }
0x27: {  	[sflag:s13] =	ssyncset.done $0x0  }
0x28: {  	s19 =	simm.s32 $0x40;
	s20 =	simm.s32 $0x0;
	[sflag:s13] =	ssyncadd.s32 $0xFFFFF800  }
.LBB2_4:
0x29: {  	p0 =	sne.s32 s19, $0x1F00;
	[tilespmem:s20+$0x2800] =	vst v1;
	s20 =	smov.u32 s19;
	s19 =	sadd.s32 $0x40, s19  }
.Ltmp1:
0x2a: {  	(pc) =	sbr.rel @p0 .LBB2_4-.Ltmp1, $2  }
0x2b: {  	_ =	sdelay $0x2  }
0x2c: {  	s20 =	sshra.s32 s20, $0x2  }
0x2d: {  	[tilespmem:s20+$0x2800] =	vst v1  }
0x2e: {  	s19 =	simm.s32 $0x0;
	[bflag:$0x0] =	sbarrier.arrive $0xFFFF  }
0x2f: {  	[tilespmem:s19], [sflag:$0x2] =	stream.linear.gather [hbm4b:s9+s19], $0x2800, $0x38;
	[tilespmem:$0x5FD0] =	vst v63  }
0x30: {  	_ =	swait.ge [sflag:s13], $0x2800  }
0x31: {  	[sflag:s13] =	ssyncset.done $0x0  }
0x32: {  	[sflag:s13] =	ssyncadd.s32 $0xFFFFD800  }
.LBB2_6:
0x33: {  	p0 =	sne.s32 s19, $0x9E00  }
.Ltmp2:
0x34: {  	_ = 	snop;
	(pc) =	sbr.rel @p0 .LBB2_6-.Ltmp2, $3  }
0x35: {  	_ =	sdelay $0x1  }
0x36: {  	s20 =	sshra.s32 s19, $0x2;
	s19 =	sadd.s32 $0x200, s19  }
0x37: {  	[spmem:s2] =	stream.indirect.scatter.add.f32 [tilespmem:s15], [sflag:$0x1], $0x10, s20, s14, $0xb8;
	[tilespmem:$0x5FD0] =	vst v63  }
0x38: {  	_ =	swait.ge [sflag:s16], $0x7D0  }
0x39: {  	s19 =	simm.s32 $0x4F;
	[sflag:s16] =	ssyncset.done $0x0  }
.LBB2_8:
0x3a: {  	p0 =	sne.s32 s19, $0x1;
	s19 =	sadd.s32 $0xFFFFFFFF, s19;
	[sflag:s16] =	ssyncadd.s32 $0xFFFFF830  }
.Ltmp3:
0x3b: {  	(pc) =	sbr.rel @p0 .LBB2_8-.Ltmp3, $3  }
0x3c: {  	_ =	sdelay $0x1  }
0x3d: {  	_ =	swait.ge [sflag:s16], $0x7D0  }
0x3e: {  	[sflag:s16] =	ssyncset.done $0x0  }
0x3f: {  	s3 =	sadd.s32 $0x1, s3  }
0x40: {  	[sflag:s16] =	ssyncadd.s32 $0xFFFFF830;
	p0 =	sne.s32 s3, s11  }
.Ltmp4:
0x41: {  	[bflag:$0x0] =	sbarrier.arrive $0xFFFF;
	(pc) =	sbr.rel @p0 .LBB2_1-.Ltmp4, $4  }
0x42: {  	[hbm:s10], [sflag:s17] =	dma.local [spmem:s18], $0x500  }
0x43: {  	_ =	swait.ge [sflag:s13], $0x500  }
0x44: {  	[sflag:s13] =	ssyncset.done $0x0  }
0x45: {  	[sflag:s13] =	ssyncadd.s32 $0xFFFFFB00  }
0x46: {  	_ =	sfence.sel $0x180000  }
0x47: {  	[bflag:$0x0] =	sbarrier.arrive $0xFFFF  }
0x48: {  	p0 =	sne.s32 s1, $0x0;
	_ =	strace $0x90000047  }
0x49: {  	s0 =	sadd.s32 @!p0 $0x100000, s0;
	[bflag:$0x2] =	sbarrier.arrive $0xFFFF  }
0x4a: {  	[sflag:s0] =	ssyncadd.tile.s32 @!p0 $0x1;
	_ =	shalt  }
.Lfunc_end2:
_tile_overlayer_lowered:
.L_overlay_start_2:
0x4b: {  	(tag) =	ssettag $0x2  }
0x4c: {  	s0 =	rddreg [dreg:$0x0];
	s2 =	stileid.u32  }
0x4d: {  	s1 =	rddreg [dreg:$0x1];
	p0 =	sne.s32 s2, $0x0  }
0x4e: {  	s3 =	rddreg [dreg:$0x2];
	[bflag:$0x3] =	sbarrier.arrive $0xFFFF;
	s2 =	simm.s32 @!p0 $0x1C02  }
0x4f: {  	[timem:s3], [sflag:s2] =	dma.local @!p0 [hbm:s0], s1  }
0x50: {  	s0 =	simm.s32 @!p0 $0x2  }
0x51: {  	_ =	swait.ge @!p0 [sflag:s0], s1  }
0x52: {  	s1 =	ssub.s32 @!p0 $0x0, s1;
	[sflag:s0] =	ssyncset.done @!p0 $0x0  }
0x53: {  	[sflag:s0] =	ssyncadd.s32 @!p0 s1  }
0x54: {  	[bflag:$0x3] =	sbarrier.arrive $0xFFFF  }
0x55: {  	_ =	shalt  }

// kernel: kernel.13.cloned.1.call-start
scs
__scs_entry_jumppad:
0x0: {  	(pc) =	sbr.rel $0x88, $3  }
0x1: {  	(tag) =	ssettag $0x0;
	lr =	simm.s32 $0x1  }
0x2: {  	[smem:$0x3F8F] =	sst lr;
	_ =	strace $0xD0000000  }
0x3: {  	_ = 	snop  }
0x4: {  	_ = 	snop  }
0x5: {  	_ = 	snop  }
0x6: {  	_ = 	snop  }
0x7: {  	_ = 	snop  }
__scs_overlays_trampoline_lowered:
0x8: {  	[smem:$0x3F9E] =	sst s0  }
0x9: {  	[smem:$0x3F9F] =	sst s1  }
0xa: {  	[smem:$0x3FA0] =	sst s2  }
0xb: {  	[smem:$0x3FA1] =	sst s3  }
0xc: {  	[smem:$0x3FA2] =	sst s4  }
0xd: {  	[smem:$0x3FA3] =	sst s5  }
0xe: {  	[smem:$0x3FA4] =	sst s6  }
0xf: {  	[smem:$0x3FA5] =	sst s7  }
0x10: {  	[smem:$0x3FA6] =	sst s8  }
0x11: {  	[smem:$0x3FA7] =	sst s9;
	s0 =	simm.s32 @!p0 $0x0  }
0x12: {  	s1 =	sld [smem:$0x3F8D];
	s0 =	simm.s32 @p0 $0x1  }
0x13: {  	[smem:$0x3FA8] =	sst s0;
	s0 =	simm.s32 @!p1 $0x0  }
0x14: {  	s2 =	sld [smem:$0x3F8C];
	s0 =	simm.s32 @p1 $0x1  }
0x15: {  	[smem:$0x3FA9] =	sst s0;
	s0 =	simm.s32 @!p2 $0x0  }
0x16: {  	s3 =	sld [smem:$0x3FDB];
	s0 =	simm.s32 @p2 $0x1  }
0x17: {  	s4 =	simm.s32 $0x1BF5;
	[smem:$0x3FAB] =	sst s0  }
0x18: {  	s0 =	sld [smem:$0x3F8E];
	_ =	swait.ge [sflag:s4], $0x0  }
0x19: {  	s7 =	sld [smem:$0x3F8F]  }
0x1a: {  	s8 =	sadd.s32 $0xFFFFE003, lr  }
0x1b: {  	s9 =	sadd.s32 $0xFFFFFEF7, lr;
	s5 =	simm.s32 $0xFFFFFFFF;
	p2 =	slt.u32 s8, $0xFFFFF086  }
0x1c: {  	p1 =	slt.u32 s9, $0xF7A;
	s5 =	simm.s32 @!p2 $0x0  }
0x1d: {  	s5 =	simm.s32 @p1 $0x1;
	p0 =	seq.s32 s7, s2  }
0x1e: {  	s7 =	smul.u32 @!p0 $0xF7A, s2;
	p2 =	seq.s32 @!p0 s5, $0x0  }
0x1f: {  	s9 =	smul.u32 $0xF7A, s1;
	s8 =	simm.s32 @!p0 $0x1BF5;
	p2 =	por !p2, p0  }
0x20: {  	[sflag:s8] =	ssyncset.s32 @!p0 $0xFFFFF086;
	s6 =	sadd.s32 @!p0 s3, s7;
	s7 =	simm.s32 @!p0 $0x108  }
0x21: {  	s3 =	sadd.s32 s3, s9;
	s6 =	sadd.s32 @!p0 $0x88, s6;
	s7 =	simm.s32 @p2 $0x1082  }
0x22: {  	[simem:s7], [sflag:s8] =	dma.local @!p0 [hbm:s6], $0xF7A  }
0x23: {  	s9 =	sor.u32 $0xD0000000, s2;
	s6 =	simm.s32 $0x108;
	_ =	swait.ge @!p0 [sflag:s8], $0x0  }
0x24: {  	s3 =	sadd.s32 $0x88, s3;
	s6 =	simm.s32 @!p1 $0x1082;
	[sflag:s4] =	ssyncset.s32 $0xFFFFF086  }
0x25: {  	[simem:s6], [sflag:s4] =	dma.local [hbm:s3], $0xF7A  }
0x26: {  	[smem:$0x3F8F] =	sst s1;
	(tag) =	ssettag s2;
	_ =	strace s9  }
0x27: {  	s1 =	sld [smem:$0x3F9F]  }
0x28: {  	s2 =	sld [smem:$0x3FA0]  }
0x29: {  	s4 =	sld [smem:$0x3FA2]  }
0x2a: {  	p0 =	seq.s32 s5, $0x0;
	s5 =	sld [smem:$0x3FA3]  }
0x2b: {  	s6 =	sld [smem:$0x3FA4]  }
0x2c: {  	s7 =	sld [smem:$0x3FA5]  }
0x2d: {  	s3 =	simm.s32 $0x108;
	s8 =	sld [smem:$0x3FA6]  }
0x2e: {  	s3 =	simm.s32 @!p0 $0x1082;
	s9 =	sld [smem:$0x3FA7]  }
0x2f: {  	lr =	sadd.s32 s0, s3;
	s0 =	sld [smem:$0x3F9E]  }
0x30: {  	s3 =	sld [smem:$0x3FA1]  }
0x31: {  	[smem:$0x3FAA] =	sst s10  }
0x32: {  	s10 =	sld [smem:$0x3FA8];
	_ =	sdelay $0x3  }
0x33: {  	p0 =	seq.s32 s10, $0x1;
	s10 =	sld [smem:$0x3FAA];
	_ =	sdelay $0x3  }
0x34: {  	[smem:$0x3FAA] =	sst s10  }
0x35: {  	s10 =	sld [smem:$0x3FA9];
	_ =	sdelay $0x3  }
0x36: {  	p1 =	seq.s32 s10, $0x1;
	s10 =	sld [smem:$0x3FAA];
	_ =	sdelay $0x3  }
0x37: {  	[smem:$0x3FAA] =	sst s10  }
0x38: {  	s10 =	sld [smem:$0x3FAB]  }
0x39: {  	_ = 	snop;
	(pc) =	sbr.ind lr, $3  }
0x3a: {  	_ = 	snop  }
0x3b: {  	_ = 	snop  }
0x3c: {  	p2 =	seq.s32 s10, $0x1;
	s10 =	sld [smem:$0x3FAA]  }
0x3d: {  	_ =	shalt  }
0x3e: {  	_ =	shalt  }
0x3f: {  	_ =	shalt  }
0x40: {  	_ =	shalt  }
0x41: {  	_ =	shalt  }
0x42: {  	_ =	shalt  }
0x43: {  	_ =	shalt  }
0x44: {  	_ =	shalt  }
0x45: {  	_ =	shalt  }
0x46: {  	_ =	shalt  }
0x47: {  	_ =	shalt  }
0x48: {  	_ =	shalt  }
0x49: {  	_ =	shalt  }
0x4a: {  	_ =	shalt  }
0x4b: {  	_ =	shalt  }
0x4c: {  	_ =	shalt  }
0x4d: {  	_ =	shalt  }
0x4e: {  	_ =	shalt  }
0x4f: {  	_ =	shalt  }
0x50: {  	_ =	shalt  }
0x51: {  	_ =	shalt  }
0x52: {  	_ =	shalt  }
0x53: {  	_ =	shalt  }
0x54: {  	_ =	shalt  }
0x55: {  	_ =	shalt  }
0x56: {  	_ =	shalt  }
0x57: {  	_ =	shalt  }
0x58: {  	_ =	shalt  }
0x59: {  	_ =	shalt  }
0x5a: {  	_ =	shalt  }
0x5b: {  	_ =	shalt  }
0x5c: {  	_ =	shalt  }
0x5d: {  	_ =	shalt  }
0x5e: {  	_ =	shalt  }
0x5f: {  	_ =	shalt  }
0x60: {  	_ =	shalt  }
0x61: {  	_ =	shalt  }
0x62: {  	_ =	shalt  }
0x63: {  	_ =	shalt  }
0x64: {  	_ =	shalt  }
0x65: {  	_ =	shalt  }
0x66: {  	_ =	shalt  }
0x67: {  	_ =	shalt  }
0x68: {  	_ =	shalt  }
0x69: {  	_ =	shalt  }
0x6a: {  	_ =	shalt  }
0x6b: {  	_ =	shalt  }
0x6c: {  	_ =	shalt  }
0x6d: {  	_ =	shalt  }
0x6e: {  	_ =	shalt  }
0x6f: {  	_ =	shalt  }
0x70: {  	_ =	shalt  }
0x71: {  	_ =	shalt  }
0x72: {  	_ =	shalt  }
0x73: {  	_ =	shalt  }
0x74: {  	_ =	shalt  }
0x75: {  	_ =	shalt  }
0x76: {  	_ =	shalt  }
0x77: {  	_ =	shalt  }
0x78: {  	_ =	shalt  }
0x79: {  	_ =	shalt  }
0x7a: {  	_ =	shalt  }
0x7b: {  	_ =	shalt  }
0x7c: {  	_ =	shalt  }
0x7d: {  	_ =	shalt  }
0x7e: {  	_ =	shalt  }
0x7f: {  	_ =	shalt  }
0x80: {  	_ =	shalt  }
0x81: {  	_ =	shalt  }
0x82: {  	_ =	shalt  }
0x83: {  	_ =	shalt  }
0x84: {  	_ =	shalt  }
0x85: {  	_ =	shalt  }
0x86: {  	_ =	shalt  }
0x87: {  	_ =	shalt  }
.Lfunc_end0:
.L_simem_size_0:
called_computation.1_lowered:
.L_overlay_start_0:
0x88: {  	s2 =	sld [smem:$0x3FD9]  }
0x89: {  	s3 =	sld [smem:$0x3FFE];
	_ =	sdelay $0x1  }
0x8a: {  	s1 =	srdreg.scid  }
0x8b: {  	s0 =	sand.u32 $0x1, s1  }
0x8c: {  	s16 =	sshll.u32 s0, $0xA;
	s2 =	sadd.s32 s3, s2  }
0x8d: {  	s2 =	sadd.s32 s2, s16  }
0x8e: {  	[smem:$0x3FB6] =	sst s2  }
0x8f: {  	_ = 	snop  }
0x90: {  	(tm) =	ssettm $0x1  }
0x91: {  	s17 =	sld [smem:$0x3FFB];
	_ =	sdelay $0x3  }
0x92: {  	_ =	strace s17  }
0x93: {  	s2 =	sld [smem:$0x3FFC];
	_ =	sdelay $0x3  }
0x94: {  	_ =	strace s2  }
0x95: {  	s2 =	sld [smem:$0x3FFD];
	_ =	sdelay $0x3  }
0x96: {  	_ =	strace s2  }
0x97: {  	_ =	strace $0x8FFFFFFF  }
0x98: {  	s18 =	sld [smem:$0x3FDB];
	_ =	sdelay $0x1  }
0x99: {  	s19 =	simm.s32 $_scs_section_size  }
0x9a: {  	s4 =	simm.s32 $_size__tile_overlayer_lowered;
	s5 =	simm.s32 $_tile_overlayer_lowered  }
0x9b: {  	s22 =	simm.s32 $0x1BFF;
	s21 =	sshll.u32 s5, $0x1;
	s2 =	sadd.s32 s19, s18  }
0x9c: {  	s6 =	simm.s32 $0x0;
	s20 =	sshll.u32 s4, $0x1;
	s4 =	sadd.s32 s21, s2  }
0x9d: {  	[timem:s6], [sflag:s22] =	dma.local [hbm:s4], s20  }
0x9e: {  	_ =	swait.ge [sflag:s22], s20  }
0x9f: {  	s3 =	ssub.s32 $0x0, s20;
	[sflag:s22] =	ssyncset.done $0x0  }
0xa0: {  	[sflag:s22] =	ssyncadd.s32 s3;
	_ =	sdelay $0x1  }
0xa1: {  	s23 =	simm.s32 $0x1B8B  }
0xa2: {  	_ =	swait.ge [sflag:s23], $0x1  }
0xa3: {  	[sflag:s23] =	ssyncset.done $0x0  }
0xa4: {  	s25 =	simm.s32 $0x1B8E;
	s24 =	sld [smem:$0x3FFE];
	[sflag:s23] =	ssyncadd.s32 $0xFFFFFFFF  }
0xa5: {  	s26 =	simm.s32 $execute0_lowered;
	[smem:$0x3FD2] =	sst s25  }
0xa6: {  	s4 =	sshll.u32 s26, $0x1;
	_ =	strace $0x80000049;
	[dreg:$0x1] =	wrdreg $0xFFFFFFFF  }
0xa7: {  	s28 =	simm.s32 $_size_execute0_lowered;
	s2 =	sadd.s32 s2, s4;
	[dreg:$0x0] =	wrdreg $0x0  }
0xa8: {  	s4 =	sshll.u32 s28, $0x1;
	[dreg:$0x2] =	wrdreg s2  }
0xa9: {  	[dreg:$0x3] =	wrdreg s4  }
0xaa: {  	[dreg:$0x4] =	wrdreg $0xC0  }
0xab: {  	_ =	task [dreg:s6], $0x5FFFF  }
0xac: {  	[dreg:$0x1] =	wrdreg $0xFFFFFFFF  }
0xad: {  	[dreg:$0x0] =	wrdreg $0x60  }
0xae: {  	[dreg:$0x2] =	wrdreg s24  }
0xaf: {  	[dreg:$0x3] =	wrdreg $0x13D000  }
0xb0: {  	[dreg:$0x4] =	wrdreg $0x9  }
0xb1: {  	_ =	task.clear_ibuf [dreg:s6], $0x5FFFF;
	_ =	strace $0x90000049  }
0xb2: {  	s29 =	simm.s32 $0x9;
	_ =	strace $0x8000004B  }
0xb3: {  	_ =	swait.ge [sflag:s29], $0x1  }
0xb4: {  	[sflag:s29] =	ssyncadd.s32 $0xFFFFFFFF  }
0xb5: {  	_ =	strace $0x9000004B  }
0xb6: {  	_ =	sfence  }
0xb7: {  	s30 =	sld [smem:$0x0];
	_ =	sdelay $0x2  }
0xb8: {  	s31 =	sshll.u32 s1, $0xD;
	s1 =	sshrl.u32 s1, $0x2  }
0xb9: {  	s3 =	sand.u32 $0x4000, s31;
	s1 =	sadd.s32 s1, s30  }
0xba: {  	s0 =	sor.u32 s3, s0;
	s1 =	sshll.u32 s1, $0x11  }
0xbb: {  	s0 =	sor.u32 s1, s0  }
0xbc: {  	s0 =	sadd.s32 $0x8F2B, s0  }
0xbd: {  	[sflag:s0] =	ssyncadd.remote.s32 $0x1  }
0xbe: {  	_ =	sfence.sel $0xFFFF  }
0xbf: {  	[dreg:$0x0] =	wrdreg $0xFFFFFFFF;
	(pc) =	sbr.abs _section_cstart, $3  }
0xc0: {  	[dreg:$0x1] =	wrdreg $0xFFFFFFFF  }
0xc1: {  	_ =	task.clear_ibuf [dreg:s6], $0x2FFFF;
	_ =	strace $0x9FFFFFFF  }
0xc2: {  	(tm) =	ssettm $0x7FFFFFFF  }
0xc3: {  	_ =	shalt  }
tec
execute0_lowered:
.L_overlay_start_1:
0x0: {  	(tag) =	ssettag $0x1  }
0x1: {  	s0 =	rddreg [dreg:$0x0]  }
0x2: {  	s1 =	srdreg.scid;
	s2 =	rddreg [dreg:$0x1]  }
0x3: {  	s8 =	stileid.u32;
	s3 =	simm.s32 $0x0;
	s14 =	simm.s32 $0x5  }
0x4: {  	s16 =	simm.s32 $0x7D;
	s17 =	simm.s32 $0xA000;
	s19 =	simm.s32 $0xBF40  }
0x5: {  	s21 =	simm.s32 $0xDE80;
	s23 =	simm.s32 $0xFDC0;
	s7 =	smul.u32 $0xA000, s8  }
0x6: {  	s24 =	simm.s32 $0x11D00;
	s25 =	simm.s32 $0x1;
	s26 =	smul.u32 $0xA00, s8  }
0x7: {  	s28 =	simm.s32 $0x3;
	s1 =	sand.u32 $0x1, s1;
	s8 =	smul.u32 $0x28000, s8  }
0x8: {  	s29 =	simm.s32 $0x4;
	s31 =	simm.s32 $0x9E80;
	s4 =	smul.u32 $0x13880, s1  }
0x9: {  	s15 =	simm.s32 $0x0;
	[smem:$0x7FF] =	sst s3;
	s5 =	smul.u32 $0xA0000, s1  }
0xa: {  	_ =	strace $0x8000004A;
	s1 =	ssub.s32 $0x2, s1;
	s9 =	sadd.s32 s26, s0  }
0xb: {  	s30 =	sshrl.u32 s1, $0x1;
	s8 =	sshrl.u32 s8, $0x2;
	s26 =	simm.s32 $0x2  }
0xc: {  	s6 =	sadd.s32 s4, s0;
	s5 =	sadd.s32 s7, s5;
	s1 =	ssub.s32 s1, s30  }
0xd: {  	s4 =	sadd.s32 $0x21400, s9;
	s11 =	sadd.s32 s8, s2;
	s7 =	sadd.s32 s7, s2  }
0xe: {  	s5 =	sshrl.u32 s5, $0x3;
	s6 =	sadd.s32 $0x2B400, s6;
	s8 =	sadd.s32 $0x2000, s11  }
0xf: {  	s10 =	sadd.s32 $0x6000, s11;
	s13 =	smax.u32 s1, $0x1;
	s1 =	simm.s32 $0x9F80  }
0x10: {  	s0 =	sadd.s32 s5, s0;
	s5 =	sadd.s32 $0x17400, s9;
	s9 =	sadd.s32 $0x4000, s11  }
0x11: {  	v0 =	vimm.f32 $0.0e+00;
	s11 =	sadd.s32 $0x8000, s11;
	s12 =	sadd.s32 $0x52600, s0;
	s0 =	simm.s32 $0x9F00  }
.LBB2_1:
0x12: {  	[tilespmem:s3], [sflag:$0x5] =	stream.linear.gather [hbm4b:s4+s3], $0x5000, $0x38;
	[tilespmem:$0x1DD00] =	vst v63  }
0x13: {  	_ =	swait.ge [sflag:s14], $0x5000  }
0x14: {  	[sflag:s14] =	ssyncset.done $0x0  }
0x15: {  	s18 =	simm.s32 $0x5000;
	[sflag:s14] =	ssyncadd.s32 $0xFFFFB000  }
0x16: {  	[tilespmem:s18], [sflag:$0x5] =	stream.linear.gather [hbm4b:s5+s3], $0x5000, $0x38;
	[tilespmem:$0x1DD00] =	vst v63  }
0x17: {  	_ =	swait.ge [sflag:s14], $0x5000  }
0x18: {  	[sflag:s14] =	ssyncset.done $0x0  }
0x19: {  	[sflag:s14] =	ssyncadd.s32 $0xFFFFB000  }
0x1a: {  	[tilespmem:s17], [sflag:$0x1] =	stream.indirect.gather [hbm4b:s6+s16], $0x40, s3, s16, $0xb8;
	[tilespmem:$0x1DD00] =	vst v63  }
0x1b: {  	s30 =	simm.s32 $0x80  }
0x1c: {  	[tilespmem:s19], [sflag:$0x2] =	stream.indirect.gather [hbm4b:s6+s16], $0x40, s30, s16, $0xb8;
	[tilespmem:$0x1DD00] =	vst v63  }
0x1d: {  	s20 =	simm.s32 $0x100  }
0x1e: {  	[tilespmem:s21], [sflag:$0x3] =	stream.indirect.gather [hbm4b:s6+s16], $0x40, s20, s16, $0xb8;
	[tilespmem:$0x1DD00] =	vst v63  }
0x1f: {  	s22 =	simm.s32 $0x180;
	s30 =	sand.u32 $0x7F00, s3  }
0x20: {  	[tilespmem:s23], [sflag:$0x4] =	stream.indirect.gather [hbm4b:s6+s16], $0x40, s22, s16, $0xb8;
	[tilespmem:$0x1DD00] =	vst v63  }
0x21: {  	s20 =	sand.u32 $0x30, s3;
	s22 =	sshrl.u32 s30, $0x2  }
0x22: {  	s18 =	simm.s32 $0x40;
	s22 =	sor.u32 s20, s22;
	s20 =	simm.s32 $0x0  }
.LBB2_2:
0x23: {  	p0 =	sne.s32 s18, $0x7FC0  }
0x24: {  	[tilespmem:s22+$0x11D00] =	vst v0;
	s20 =	sadd.s32 $0x10, s20;
	s22 =	smov.u32 s18;
	s18 =	sadd.s32 $0x40, s18  }
.Ltmp0:
0x25: {  	(pc) =	sbr.rel @p0 .LBB2_2-.Ltmp0, $4  }
0x26: {  	_ = 	snop  }
0x27: {  	s22 =	sand.u32 $0x7F00, s22  }
0x28: {  	s30 =	sand.u32 $0x30, s20;
	s22 =	sshrl.u32 s22, $0x2  }
0x29: {  	s22 =	sor.u32 s30, s22  }
0x2a: {  	[tilespmem:s22+$0x11D00] =	vst v0  }
0x2b: {  	[spmem:s7] =	stream.linear.scatter [tilespmem:s24], [sflag:$0x5], $0x2000, $0x38;
	[tilespmem:$0x1DD00] =	vst v63  }
0x2c: {  	_ =	swait.ge [sflag:s14], $0x2000  }
0x2d: {  	[sflag:s14] =	ssyncset.done $0x0  }
0x2e: {  	[sflag:s14] =	ssyncadd.s32 $0xFFFFE000  }
0x2f: {  	[spmem:s8] =	stream.linear.scatter [tilespmem:s24], [sflag:$0x5], $0x2000, $0x38;
	[tilespmem:$0x1DD00] =	vst v63  }
0x30: {  	_ =	swait.ge [sflag:s14], $0x2000  }
0x31: {  	[sflag:s14] =	ssyncset.done $0x0  }
0x32: {  	[sflag:s14] =	ssyncadd.s32 $0xFFFFE000  }
0x33: {  	[spmem:s9] =	stream.linear.scatter [tilespmem:s24], [sflag:$0x5], $0x2000, $0x38;
	[tilespmem:$0x1DD00] =	vst v63  }
0x34: {  	_ =	swait.ge [sflag:s14], $0x2000  }
0x35: {  	[sflag:s14] =	ssyncset.done $0x0  }
0x36: {  	[sflag:s14] =	ssyncadd.s32 $0xFFFFE000  }
0x37: {  	[spmem:s10] =	stream.linear.scatter [tilespmem:s24], [sflag:$0x5], $0x2000, $0x38;
	[tilespmem:$0x1DD00] =	vst v63  }
0x38: {  	_ =	swait.ge [sflag:s14], $0x2000  }
0x39: {  	[sflag:s14] =	ssyncset.done $0x0  }
0x3a: {  	[sflag:s14] =	ssyncadd.s32 $0xFFFFE000  }
0x3b: {  	[spmem:s11] =	stream.linear.scatter [tilespmem:s24], [sflag:$0x5], $0x2000, $0x38;
	[tilespmem:$0x1DD00] =	vst v63  }
0x3c: {  	_ =	swait.ge [sflag:s14], $0x2000  }
0x3d: {  	[sflag:s14] =	ssyncset.done $0x0  }
0x3e: {  	[sflag:s14] =	ssyncadd.s32 $0xFFFFE000  }
0x3f: {  	[bflag:$0x0] =	sbarrier.arrive $0xFFFF  }
0x40: {  	_ =	swait.ge [sflag:s25], $0x1F40  }
0x41: {  	[sflag:s25] =	ssyncset.done $0x0  }
0x42: {  	s18 =	simm.s32 $0x5000;
	[sflag:s25] =	ssyncadd.s32 $0xFFFFE0C0  }
0x43: {  	[spmem:s2] =	stream.indirect.scatter.add.f32 [tilespmem:s17], [sflag:$0x5], $0x40, s18, s16, $0xb8;
	[tilespmem:$0x1DD00] =	vst v63  }
0x44: {  	_ =	swait.ge [sflag:s14], $0x1F40  }
0x45: {  	[sflag:s14] =	ssyncset.done $0x0  }
0x46: {  	s20 =	simm.s32 $0x200;
	[sflag:s14] =	ssyncadd.s32 $0xFFFFE0C0  }
0x47: {  	[tilespmem:s17], [sflag:$0x1] =	stream.indirect.gather [hbm4b:s6+s16], $0x40, s20, s16, $0xb8;
	[tilespmem:$0x1DD00] =	vst v63  }
0x48: {  	_ =	swait.ge [sflag:s26], $0x1F40  }
0x49: {  	[sflag:s26] =	ssyncset.done $0x0  }
0x4a: {  	s22 =	simm.s32 $0x5080;
	[sflag:s26] =	ssyncadd.s32 $0xFFFFE0C0  }
0x4b: {  	[spmem:s2] =	stream.indirect.scatter.add.f32 [tilespmem:s19], [sflag:$0x5], $0x40, s22, s16, $0xb8;
	[tilespmem:$0x1DD00] =	vst v63  }
0x4c: {  	_ =	swait.ge [sflag:s14], $0x1F40  }
0x4d: {  	[sflag:s14] =	ssyncset.done $0x0  }
0x4e: {  	s30 =	simm.s32 $0x280;
	[sflag:s14] =	ssyncadd.s32 $0xFFFFE0C0  }
0x4f: {  	[tilespmem:s19], [sflag:$0x2] =	stream.indirect.gather [hbm4b:s6+s16], $0x40, s30, s16, $0xb8;
	[tilespmem:$0x1DD00] =	vst v63  }
0x50: {  	_ =	swait.ge [sflag:s28], $0x1F40  }
0x51: {  	[sflag:s28] =	ssyncset.done $0x0  }
0x52: {  	s20 =	simm.s32 $0x5100;
	[sflag:s28] =	ssyncadd.s32 $0xFFFFE0C0  }
0x53: {  	[spmem:s2] =	stream.indirect.scatter.add.f32 [tilespmem:s21], [sflag:$0x5], $0x40, s20, s16, $0xb8;
	[tilespmem:$0x1DD00] =	vst v63  }
0x54: {  	_ =	swait.ge [sflag:s14], $0x1F40  }
0x55: {  	[sflag:s14] =	ssyncset.done $0x0  }
0x56: {  	s22 =	simm.s32 $0x300;
	[sflag:s14] =	ssyncadd.s32 $0xFFFFE0C0  }
0x57: {  	[tilespmem:s21], [sflag:$0x3] =	stream.indirect.gather [hbm4b:s6+s16], $0x40, s22, s16, $0xb8;
	[tilespmem:$0x1DD00] =	vst v63  }
0x58: {  	_ =	swait.ge [sflag:s29], $0x1F40  }
0x59: {  	[sflag:s29] =	ssyncset.done $0x0  }
0x5a: {  	s30 =	simm.s32 $0x5180;
	[sflag:s29] =	ssyncadd.s32 $0xFFFFE0C0  }
0x5b: {  	[spmem:s2] =	stream.indirect.scatter.add.f32 [tilespmem:s23], [sflag:$0x5], $0x40, s30, s16, $0xb8;
	[tilespmem:$0x1DD00] =	vst v63  }
0x5c: {  	_ =	swait.ge [sflag:s14], $0x1F40  }
0x5d: {  	[sflag:s14] =	ssyncset.done $0x0  }
0x5e: {  	s18 =	simm.s32 $0x800;
	s20 =	simm.s32 $0x380;
	[sflag:s14] =	ssyncadd.s32 $0xFFFFE0C0  }
.LBB2_4:
0x5f: {  	[tilespmem:s23], [sflag:$0x4] =	stream.indirect.gather [hbm4b:s6+s16], $0x40, s20, s16, $0xb8;
	[tilespmem:$0x1DD00] =	vst v63  }
0x60: {  	s20 =	smov.u32 s18  }
0x61: {  	p0 =	sne.s32 s18, $0x13000;
	s18 =	sadd.s32 $0x800, s18;
	_ =	swait.ge [sflag:s25], $0x1F40  }
0x62: {  	s20 =	sshra.s32 s20, $0x2;
	[sflag:s25] =	ssyncset.done $0x0  }
0x63: {  	s22 =	sadd.s32 $0x5000, s20;
	[sflag:s25] =	ssyncadd.s32 $0xFFFFE0C0  }
0x64: {  	[spmem:s2] =	stream.indirect.scatter.add.f32 [tilespmem:s17], [sflag:$0x5], $0x40, s22, s16, $0xb8;
	[tilespmem:$0x1DD00] =	vst v63  }
0x65: {  	_ =	swait.ge [sflag:s14], $0x1F40  }
0x66: {  	[sflag:s14] =	ssyncset.done $0x0  }
0x67: {  	s22 =	sadd.s32 $0x200, s20;
	[sflag:s14] =	ssyncadd.s32 $0xFFFFE0C0  }
0x68: {  	[tilespmem:s17], [sflag:$0x1] =	stream.indirect.gather [hbm4b:s6+s16], $0x40, s22, s16, $0xb8;
	[tilespmem:$0x1DD00] =	vst v63  }
0x69: {  	_ =	swait.ge [sflag:s26], $0x1F40  }
0x6a: {  	[sflag:s26] =	ssyncset.done $0x0  }
0x6b: {  	s22 =	sadd.s32 $0x5080, s20;
	[sflag:s26] =	ssyncadd.s32 $0xFFFFE0C0  }
0x6c: {  	[spmem:s2] =	stream.indirect.scatter.add.f32 [tilespmem:s19], [sflag:$0x5], $0x40, s22, s16, $0xb8;
	[tilespmem:$0x1DD00] =	vst v63  }
0x6d: {  	_ =	swait.ge [sflag:s14], $0x1F40  }
0x6e: {  	[sflag:s14] =	ssyncset.done $0x0  }
0x6f: {  	s22 =	sadd.s32 $0x280, s20;
	[sflag:s14] =	ssyncadd.s32 $0xFFFFE0C0  }
0x70: {  	[tilespmem:s19], [sflag:$0x2] =	stream.indirect.gather [hbm4b:s6+s16], $0x40, s22, s16, $0xb8;
	[tilespmem:$0x1DD00] =	vst v63  }
0x71: {  	_ =	swait.ge [sflag:s28], $0x1F40  }
0x72: {  	[sflag:s28] =	ssyncset.done $0x0  }
0x73: {  	s22 =	sadd.s32 $0x5100, s20;
	[sflag:s28] =	ssyncadd.s32 $0xFFFFE0C0  }
0x74: {  	[spmem:s2] =	stream.indirect.scatter.add.f32 [tilespmem:s21], [sflag:$0x5], $0x40, s22, s16, $0xb8;
	[tilespmem:$0x1DD00] =	vst v63  }
0x75: {  	_ =	swait.ge [sflag:s14], $0x1F40  }
0x76: {  	[sflag:s14] =	ssyncset.done $0x0  }
0x77: {  	s22 =	sadd.s32 $0x300, s20;
	[sflag:s14] =	ssyncadd.s32 $0xFFFFE0C0  }
0x78: {  	[tilespmem:s21], [sflag:$0x3] =	stream.indirect.gather [hbm4b:s6+s16], $0x40, s22, s16, $0xb8;
	[tilespmem:$0x1DD00] =	vst v63  }
0x79: {  	_ =	swait.ge [sflag:s29], $0x1F40  }
0x7a: {  	[sflag:s29] =	ssyncset.done $0x0  }
.Ltmp1:
0x7b: {  	s22 =	sadd.s32 $0x5180, s20;
	[sflag:s29] =	ssyncadd.s32 $0xFFFFE0C0;
	(pc) =	sbr.rel @p0 .LBB2_4-.Ltmp1, $4  }
0x7c: {  	[spmem:s2] =	stream.indirect.scatter.add.f32 [tilespmem:s23], [sflag:$0x5], $0x40, s22, s16, $0xb8;
	[tilespmem:$0x1DD00] =	vst v63  }
0x7d: {  	_ =	swait.ge [sflag:s14], $0x1F40  }
0x7e: {  	[sflag:s14] =	ssyncset.done $0x0  }
0x7f: {  	s20 =	sadd.s32 $0x380, s20;
	[sflag:s14] =	ssyncadd.s32 $0xFFFFE0C0  }
0x80: {  	[tilespmem:s23], [sflag:$0x4] =	stream.indirect.gather [hbm4b:s6+s16], $0x40, s20, s16, $0xb8;
	[tilespmem:$0x1DD00] =	vst v63  }
0x81: {  	_ =	swait.ge [sflag:s25], $0x1F40  }
0x82: {  	[sflag:s25] =	ssyncset.done $0x0  }
0x83: {  	s18 =	simm.s32 $0x9E00;
	[sflag:s25] =	ssyncadd.s32 $0xFFFFE0C0  }
0x84: {  	[spmem:s2] =	stream.indirect.scatter.add.f32 [tilespmem:s17], [sflag:$0x5], $0x40, s18, s16, $0xb8;
	[tilespmem:$0x1DD00] =	vst v63  }
0x85: {  	_ =	swait.ge [sflag:s14], $0x1F40  }
0x86: {  	[sflag:s14] =	ssyncset.done $0x0  }
0x87: {  	[sflag:s14] =	ssyncadd.s32 $0xFFFFE0C0  }
0x88: {  	_ =	swait.ge [sflag:s26], $0x1F40  }
0x89: {  	[sflag:s26] =	ssyncset.done $0x0  }
0x8a: {  	[sflag:s26] =	ssyncadd.s32 $0xFFFFE0C0  }
0x8b: {  	[spmem:s2] =	stream.indirect.scatter.add.f32 [tilespmem:s19], [sflag:$0x5], $0x40, s31, s16, $0xb8;
	[tilespmem:$0x1DD00] =	vst v63  }
0x8c: {  	_ =	swait.ge [sflag:s14], $0x1F40  }
0x8d: {  	[sflag:s14] =	ssyncset.done $0x0  }
0x8e: {  	[sflag:s14] =	ssyncadd.s32 $0xFFFFE0C0  }
0x8f: {  	_ =	swait.ge [sflag:s28], $0x1F40  }
0x90: {  	[sflag:s28] =	ssyncset.done $0x0  }
0x91: {  	[sflag:s28] =	ssyncadd.s32 $0xFFFFE0C0  }
0x92: {  	[spmem:s2] =	stream.indirect.scatter.add.f32 [tilespmem:s21], [sflag:$0x5], $0x40, s0, s16, $0xb8;
	[tilespmem:$0x1DD00] =	vst v63  }
0x93: {  	_ =	swait.ge [sflag:s14], $0x1F40  }
0x94: {  	[sflag:s14] =	ssyncset.done $0x0  }
0x95: {  	[sflag:s14] =	ssyncadd.s32 $0xFFFFE0C0  }
0x96: {  	_ =	swait.ge [sflag:s29], $0x1F40  }
0x97: {  	[sflag:s29] =	ssyncset.done $0x0  }
0x98: {  	[sflag:s29] =	ssyncadd.s32 $0xFFFFE0C0  }
0x99: {  	[spmem:s2] =	stream.indirect.scatter.add.f32 [tilespmem:s23], [sflag:$0x5], $0x40, s1, s16, $0xb8;
	[tilespmem:$0x1DD00] =	vst v63  }
0x9a: {  	s22 =	stileid.u32;
	_ =	swait.ge [sflag:s14], $0x1F40  }
0x9b: {  	s30 =	sshrl.u32 s7, $0x3;
	s15 =	sadd.s32 $0x1, s15;
	[sflag:s14] =	ssyncset.done $0x0  }
0x9c: {  	p0 =	sne.s32 s15, s13;
	s18 =	sshll.u32 s22, $0x6;
	[sflag:s14] =	ssyncadd.s32 $0xFFFFE0C0  }
.Ltmp2:
0x9d: {  	s18 =	sor.u32 $0x1C05, s18;
	[bflag:$0x0] =	sbarrier.arrive $0xFFFF;
	(pc) =	sbr.rel @p0 .LBB2_1-.Ltmp2, $4  }
0x9e: {  	[hbm:s12], [sflag:s18] =	dma.local [spmem:s30], $0x1400  }
0x9f: {  	_ =	swait.ge [sflag:s14], $0x1400  }
0xa0: {  	[sflag:s14] =	ssyncset.done $0x0  }
0xa1: {  	[sflag:s14] =	ssyncadd.s32 $0xFFFFEC00  }
0xa2: {  	_ =	sfence.sel $0x180000  }
0xa3: {  	[bflag:$0x0] =	sbarrier.arrive $0xFFFF  }
0xa4: {  	_ =	strace $0x9000004A  }
0xa5: {  	s0 =	stileid.u32;
	[bflag:$0x2] =	sbarrier.arrive $0xFFFF  }
0xa6: {  	p0 =	sne.s32 s0, $0x0;
	s0 =	rddreg [dreg:$0x2]  }
0xa7: {  	s0 =	sadd.s32 @!p0 $0x100000, s0  }
0xa8: {  	[sflag:s0] =	ssyncadd.tile.s32 @!p0 $0x1;
	_ =	shalt  }
.Lfunc_end2:
_tile_overlayer_lowered:
.L_overlay_start_2:
0xa9: {  	(tag) =	ssettag $0x2  }
0xaa: {  	s0 =	rddreg [dreg:$0x0];
	s2 =	stileid.u32  }
0xab: {  	s1 =	rddreg [dreg:$0x1];
	p0 =	sne.s32 s2, $0x0  }
0xac: {  	s3 =	rddreg [dreg:$0x2];
	[bflag:$0x3] =	sbarrier.arrive $0xFFFF;
	s2 =	simm.s32 @!p0 $0x1C05  }
0xad: {  	[timem:s3], [sflag:s2] =	dma.local @!p0 [hbm:s0], s1  }
0xae: {  	s0 =	simm.s32 @!p0 $0x5  }
0xaf: {  	_ =	swait.ge @!p0 [sflag:s0], s1  }
0xb0: {  	s1 =	ssub.s32 @!p0 $0x0, s1;
	[sflag:s0] =	ssyncset.done @!p0 $0x0  }
0xb1: {  	[sflag:s0] =	ssyncadd.s32 @!p0 s1  }
0xb2: {  	[bflag:$0x3] =	sbarrier.arrive $0xFFFF  }
0xb3: {  	_ =	shalt  }

// kernel: kernel.16.cloned.1.call-start
scs
__scs_entry_jumppad:
0x0: {  	(pc) =	sbr.rel $0x88, $3  }
0x1: {  	(tag) =	ssettag $0x0;
	lr =	simm.s32 $0x1  }
0x2: {  	[smem:$0x3F8F] =	sst lr;
	_ =	strace $0xD0000000  }
0x3: {  	_ = 	snop  }
0x4: {  	_ = 	snop  }
0x5: {  	_ = 	snop  }
0x6: {  	_ = 	snop  }
0x7: {  	_ = 	snop  }
__scs_overlays_trampoline_lowered:
0x8: {  	[smem:$0x3F9E] =	sst s0  }
0x9: {  	[smem:$0x3F9F] =	sst s1  }
0xa: {  	[smem:$0x3FA0] =	sst s2  }
0xb: {  	[smem:$0x3FA1] =	sst s3  }
0xc: {  	[smem:$0x3FA2] =	sst s4  }
0xd: {  	[smem:$0x3FA3] =	sst s5  }
0xe: {  	[smem:$0x3FA4] =	sst s6  }
0xf: {  	[smem:$0x3FA5] =	sst s7  }
0x10: {  	[smem:$0x3FA6] =	sst s8  }
0x11: {  	[smem:$0x3FA7] =	sst s9;
	s0 =	simm.s32 @!p0 $0x0  }
0x12: {  	s1 =	sld [smem:$0x3F8D];
	s0 =	simm.s32 @p0 $0x1  }
0x13: {  	[smem:$0x3FA8] =	sst s0;
	s0 =	simm.s32 @!p1 $0x0  }
0x14: {  	s2 =	sld [smem:$0x3F8C];
	s0 =	simm.s32 @p1 $0x1  }
0x15: {  	[smem:$0x3FA9] =	sst s0;
	s0 =	simm.s32 @!p2 $0x0  }
0x16: {  	s3 =	sld [smem:$0x3FDB];
	s0 =	simm.s32 @p2 $0x1  }
0x17: {  	s4 =	simm.s32 $0x1BF5;
	[smem:$0x3FAB] =	sst s0  }
0x18: {  	s0 =	sld [smem:$0x3F8E];
	_ =	swait.ge [sflag:s4], $0x0  }
0x19: {  	s7 =	sld [smem:$0x3F8F]  }
0x1a: {  	s8 =	sadd.s32 $0xFFFFE003, lr  }
0x1b: {  	s9 =	sadd.s32 $0xFFFFFEF7, lr;
	s5 =	simm.s32 $0xFFFFFFFF;
	p2 =	slt.u32 s8, $0xFFFFF086  }
0x1c: {  	p1 =	slt.u32 s9, $0xF7A;
	s5 =	simm.s32 @!p2 $0x0  }
0x1d: {  	s5 =	simm.s32 @p1 $0x1;
	p0 =	seq.s32 s7, s2  }
0x1e: {  	s7 =	smul.u32 @!p0 $0xF7A, s2;
	p2 =	seq.s32 @!p0 s5, $0x0  }
0x1f: {  	s9 =	smul.u32 $0xF7A, s1;
	s8 =	simm.s32 @!p0 $0x1BF5;
	p2 =	por !p2, p0  }
0x20: {  	[sflag:s8] =	ssyncset.s32 @!p0 $0xFFFFF086;
	s6 =	sadd.s32 @!p0 s3, s7;
	s7 =	simm.s32 @!p0 $0x108  }
0x21: {  	s3 =	sadd.s32 s3, s9;
	s6 =	sadd.s32 @!p0 $0x88, s6;
	s7 =	simm.s32 @p2 $0x1082  }
0x22: {  	[simem:s7], [sflag:s8] =	dma.local @!p0 [hbm:s6], $0xF7A  }
0x23: {  	s9 =	sor.u32 $0xD0000000, s2;
	s6 =	simm.s32 $0x108;
	_ =	swait.ge @!p0 [sflag:s8], $0x0  }
0x24: {  	s3 =	sadd.s32 $0x88, s3;
	s6 =	simm.s32 @!p1 $0x1082;
	[sflag:s4] =	ssyncset.s32 $0xFFFFF086  }
0x25: {  	[simem:s6], [sflag:s4] =	dma.local [hbm:s3], $0xF7A  }
0x26: {  	[smem:$0x3F8F] =	sst s1;
	(tag) =	ssettag s2;
	_ =	strace s9  }
0x27: {  	s1 =	sld [smem:$0x3F9F]  }
0x28: {  	s2 =	sld [smem:$0x3FA0]  }
0x29: {  	s4 =	sld [smem:$0x3FA2]  }
0x2a: {  	p0 =	seq.s32 s5, $0x0;
	s5 =	sld [smem:$0x3FA3]  }
0x2b: {  	s6 =	sld [smem:$0x3FA4]  }
0x2c: {  	s7 =	sld [smem:$0x3FA5]  }
0x2d: {  	s3 =	simm.s32 $0x108;
	s8 =	sld [smem:$0x3FA6]  }
0x2e: {  	s3 =	simm.s32 @!p0 $0x1082;
	s9 =	sld [smem:$0x3FA7]  }
0x2f: {  	lr =	sadd.s32 s0, s3;
	s0 =	sld [smem:$0x3F9E]  }
0x30: {  	s3 =	sld [smem:$0x3FA1]  }
0x31: {  	[smem:$0x3FAA] =	sst s10  }
0x32: {  	s10 =	sld [smem:$0x3FA8];
	_ =	sdelay $0x3  }
0x33: {  	p0 =	seq.s32 s10, $0x1;
	s10 =	sld [smem:$0x3FAA];
	_ =	sdelay $0x3  }
0x34: {  	[smem:$0x3FAA] =	sst s10  }
0x35: {  	s10 =	sld [smem:$0x3FA9];
	_ =	sdelay $0x3  }
0x36: {  	p1 =	seq.s32 s10, $0x1;
	s10 =	sld [smem:$0x3FAA];
	_ =	sdelay $0x3  }
0x37: {  	[smem:$0x3FAA] =	sst s10  }
0x38: {  	s10 =	sld [smem:$0x3FAB]  }
0x39: {  	_ = 	snop;
	(pc) =	sbr.ind lr, $3  }
0x3a: {  	_ = 	snop  }
0x3b: {  	_ = 	snop  }
0x3c: {  	p2 =	seq.s32 s10, $0x1;
	s10 =	sld [smem:$0x3FAA]  }
0x3d: {  	_ =	shalt  }
0x3e: {  	_ =	shalt  }
0x3f: {  	_ =	shalt  }
0x40: {  	_ =	shalt  }
0x41: {  	_ =	shalt  }
0x42: {  	_ =	shalt  }
0x43: {  	_ =	shalt  }
0x44: {  	_ =	shalt  }
0x45: {  	_ =	shalt  }
0x46: {  	_ =	shalt  }
0x47: {  	_ =	shalt  }
0x48: {  	_ =	shalt  }
0x49: {  	_ =	shalt  }
0x4a: {  	_ =	shalt  }
0x4b: {  	_ =	shalt  }
0x4c: {  	_ =	shalt  }
0x4d: {  	_ =	shalt  }
0x4e: {  	_ =	shalt  }
0x4f: {  	_ =	shalt  }
0x50: {  	_ =	shalt  }
0x51: {  	_ =	shalt  }
0x52: {  	_ =	shalt  }
0x53: {  	_ =	shalt  }
0x54: {  	_ =	shalt  }
0x55: {  	_ =	shalt  }
0x56: {  	_ =	shalt  }
0x57: {  	_ =	shalt  }
0x58: {  	_ =	shalt  }
0x59: {  	_ =	shalt  }
0x5a: {  	_ =	shalt  }
0x5b: {  	_ =	shalt  }
0x5c: {  	_ =	shalt  }
0x5d: {  	_ =	shalt  }
0x5e: {  	_ =	shalt  }
0x5f: {  	_ =	shalt  }
0x60: {  	_ =	shalt  }
0x61: {  	_ =	shalt  }
0x62: {  	_ =	shalt  }
0x63: {  	_ =	shalt  }
0x64: {  	_ =	shalt  }
0x65: {  	_ =	shalt  }
0x66: {  	_ =	shalt  }
0x67: {  	_ =	shalt  }
0x68: {  	_ =	shalt  }
0x69: {  	_ =	shalt  }
0x6a: {  	_ =	shalt  }
0x6b: {  	_ =	shalt  }
0x6c: {  	_ =	shalt  }
0x6d: {  	_ =	shalt  }
0x6e: {  	_ =	shalt  }
0x6f: {  	_ =	shalt  }
0x70: {  	_ =	shalt  }
0x71: {  	_ =	shalt  }
0x72: {  	_ =	shalt  }
0x73: {  	_ =	shalt  }
0x74: {  	_ =	shalt  }
0x75: {  	_ =	shalt  }
0x76: {  	_ =	shalt  }
0x77: {  	_ =	shalt  }
0x78: {  	_ =	shalt  }
0x79: {  	_ =	shalt  }
0x7a: {  	_ =	shalt  }
0x7b: {  	_ =	shalt  }
0x7c: {  	_ =	shalt  }
0x7d: {  	_ =	shalt  }
0x7e: {  	_ =	shalt  }
0x7f: {  	_ =	shalt  }
0x80: {  	_ =	shalt  }
0x81: {  	_ =	shalt  }
0x82: {  	_ =	shalt  }
0x83: {  	_ =	shalt  }
0x84: {  	_ =	shalt  }
0x85: {  	_ =	shalt  }
0x86: {  	_ =	shalt  }
0x87: {  	_ =	shalt  }
.Lfunc_end0:
.L_simem_size_0:
called_computation.2_lowered:
.L_overlay_start_0:
0x88: {  	s2 =	sld [smem:$0x3FD9]  }
0x89: {  	s3 =	sld [smem:$0x3FFE];
	_ =	sdelay $0x1  }
0x8a: {  	s1 =	srdreg.scid  }
0x8b: {  	s0 =	sand.u32 $0x1, s1  }
0x8c: {  	s16 =	sshll.u32 s0, $0xA;
	s2 =	sadd.s32 s3, s2  }
0x8d: {  	s2 =	sadd.s32 s2, s16  }
0x8e: {  	[smem:$0x3FB6] =	sst s2  }
0x8f: {  	_ = 	snop  }
0x90: {  	(tm) =	ssettm $0x1  }
0x91: {  	s17 =	sld [smem:$0x3FFB];
	_ =	sdelay $0x3  }
0x92: {  	_ =	strace s17  }
0x93: {  	s2 =	sld [smem:$0x3FFC];
	_ =	sdelay $0x3  }
0x94: {  	_ =	strace s2  }
0x95: {  	s2 =	sld [smem:$0x3FFD];
	_ =	sdelay $0x3  }
0x96: {  	_ =	strace s2  }
0x97: {  	_ =	strace $0x8FFFFFFF  }
0x98: {  	s18 =	sld [smem:$0x3FDB];
	_ =	sdelay $0x1  }
0x99: {  	s19 =	simm.s32 $_scs_section_size  }
0x9a: {  	s4 =	simm.s32 $_size__tile_overlayer_lowered;
	s5 =	simm.s32 $_tile_overlayer_lowered  }
0x9b: {  	s22 =	simm.s32 $0x1BFF;
	s21 =	sshll.u32 s5, $0x1;
	s2 =	sadd.s32 s19, s18  }
0x9c: {  	s6 =	simm.s32 $0x0;
	s20 =	sshll.u32 s4, $0x1;
	s4 =	sadd.s32 s21, s2  }
0x9d: {  	[timem:s6], [sflag:s22] =	dma.local [hbm:s4], s20  }
0x9e: {  	_ =	swait.ge [sflag:s22], s20  }
0x9f: {  	s3 =	ssub.s32 $0x0, s20;
	[sflag:s22] =	ssyncset.done $0x0  }
0xa0: {  	[sflag:s22] =	ssyncadd.s32 s3;
	_ =	sdelay $0x1  }
0xa1: {  	s23 =	simm.s32 $0x1B8B  }
0xa2: {  	_ =	swait.ge [sflag:s23], $0x1  }
0xa3: {  	[sflag:s23] =	ssyncset.done $0x0  }
0xa4: {  	s25 =	simm.s32 $0x1B8E;
	s24 =	sld [smem:$0x3FFE];
	[sflag:s23] =	ssyncadd.s32 $0xFFFFFFFF  }
0xa5: {  	s26 =	simm.s32 $execute0_lowered;
	[smem:$0x3FD2] =	sst s25  }
0xa6: {  	s4 =	sshll.u32 s26, $0x1;
	_ =	strace $0x8000004C;
	[dreg:$0x1] =	wrdreg $0xFFFFFFFF  }
0xa7: {  	s28 =	simm.s32 $_size_execute0_lowered;
	s2 =	sadd.s32 s2, s4;
	[dreg:$0x0] =	wrdreg $0x0  }
0xa8: {  	s4 =	sshll.u32 s28, $0x1;
	[dreg:$0x2] =	wrdreg s2  }
0xa9: {  	[dreg:$0x3] =	wrdreg s4  }
0xaa: {  	[dreg:$0x4] =	wrdreg $0xC0  }
0xab: {  	_ =	task [dreg:s6], $0x5FFFF  }
0xac: {  	[dreg:$0x1] =	wrdreg $0xFFFFFFFF  }
0xad: {  	[dreg:$0x0] =	wrdreg $0x60  }
0xae: {  	[dreg:$0x2] =	wrdreg s24  }
0xaf: {  	[dreg:$0x3] =	wrdreg $0x13D000  }
0xb0: {  	[dreg:$0x4] =	wrdreg $0x9  }
0xb1: {  	_ =	task.clear_ibuf [dreg:s6], $0x5FFFF;
	_ =	strace $0x9000004C  }
0xb2: {  	s29 =	simm.s32 $0x9;
	_ =	strace $0x8000004E  }
0xb3: {  	_ =	swait.ge [sflag:s29], $0x1  }
0xb4: {  	[sflag:s29] =	ssyncadd.s32 $0xFFFFFFFF  }
0xb5: {  	_ =	strace $0x9000004E  }
0xb6: {  	_ =	sfence  }
0xb7: {  	s30 =	sld [smem:$0x0];
	_ =	sdelay $0x2  }
0xb8: {  	s31 =	sshll.u32 s1, $0xD;
	s1 =	sshrl.u32 s1, $0x2  }
0xb9: {  	s3 =	sand.u32 $0x4000, s31;
	s1 =	sadd.s32 s1, s30  }
0xba: {  	s0 =	sor.u32 s3, s0;
	s1 =	sshll.u32 s1, $0x11  }
0xbb: {  	s0 =	sor.u32 s1, s0  }
0xbc: {  	s0 =	sadd.s32 $0x8F2B, s0  }
0xbd: {  	[sflag:s0] =	ssyncadd.remote.s32 $0x1  }
0xbe: {  	_ =	sfence.sel $0xFFFF  }
0xbf: {  	[dreg:$0x0] =	wrdreg $0xFFFFFFFF;
	(pc) =	sbr.abs _section_cstart, $3  }
0xc0: {  	[dreg:$0x1] =	wrdreg $0xFFFFFFFF  }
0xc1: {  	_ =	task.clear_ibuf [dreg:s6], $0x2FFFF;
	_ =	strace $0x9FFFFFFF  }
0xc2: {  	(tm) =	ssettm $0x7FFFFFFF  }
0xc3: {  	_ =	shalt  }
tec
execute0_lowered:
.L_overlay_start_1:
0x0: {  	(tag) =	ssettag $0x1  }
0x1: {  	s0 =	rddreg [dreg:$0x0]  }
0x2: {  	s1 =	srdreg.scid;
	s2 =	rddreg [dreg:$0x1]  }
0x3: {  	s8 =	stileid.u32;
	s3 =	simm.s32 $0x0;
	s14 =	simm.s32 $0x5  }
0x4: {  	s16 =	simm.s32 $0x7D;
	s17 =	simm.s32 $0xA000;
	s19 =	simm.s32 $0xBF40  }
0x5: {  	s21 =	simm.s32 $0xDE80;
	s23 =	simm.s32 $0xFDC0;
	s7 =	smul.u32 $0xA000, s8  }
0x6: {  	s24 =	simm.s32 $0x11D00;
	s25 =	simm.s32 $0x1;
	s26 =	smul.u32 $0xA00, s8  }
0x7: {  	s28 =	simm.s32 $0x3;
	s1 =	sand.u32 $0x1, s1;
	s8 =	smul.u32 $0x28000, s8  }
0x8: {  	s29 =	simm.s32 $0x4;
	s31 =	simm.s32 $0x9E80;
	s4 =	smul.u32 $0x13880, s1  }
0x9: {  	s15 =	simm.s32 $0x0;
	[smem:$0x7FF] =	sst s3;
	s5 =	smul.u32 $0xA0000, s1  }
0xa: {  	_ =	strace $0x8000004D;
	s1 =	ssub.s32 $0x2, s1;
	s9 =	sadd.s32 s26, s0  }
0xb: {  	s30 =	sshrl.u32 s1, $0x1;
	s8 =	sshrl.u32 s8, $0x2;
	s26 =	simm.s32 $0x2  }
0xc: {  	s6 =	sadd.s32 s4, s0;
	s5 =	sadd.s32 s7, s5;
	s1 =	ssub.s32 s1, s30  }
0xd: {  	s4 =	sadd.s32 $0x21400, s9;
	s11 =	sadd.s32 s8, s2;
	s7 =	sadd.s32 s7, s2  }
0xe: {  	s5 =	sshrl.u32 s5, $0x3;
	s6 =	sadd.s32 $0x79600, s6;
	s8 =	sadd.s32 $0x2000, s11  }
0xf: {  	s10 =	sadd.s32 $0x6000, s11;
	s13 =	smax.u32 s1, $0x1;
	s1 =	simm.s32 $0x9F80  }
0x10: {  	s0 =	sadd.s32 s5, s0;
	s5 =	sadd.s32 $0x17400, s9;
	s9 =	sadd.s32 $0x4000, s11  }
0x11: {  	v0 =	vimm.f32 $0.0e+00;
	s11 =	sadd.s32 $0x8000, s11;
	s12 =	sadd.s32 $0x2B400, s0;
	s0 =	simm.s32 $0x9F00  }
.LBB2_1:
0x12: {  	[tilespmem:s3], [sflag:$0x5] =	stream.linear.gather [hbm4b:s4+s3], $0x5000, $0x38;
	[tilespmem:$0x1DD00] =	vst v63  }
0x13: {  	_ =	swait.ge [sflag:s14], $0x5000  }
0x14: {  	[sflag:s14] =	ssyncset.done $0x0  }
0x15: {  	s18 =	simm.s32 $0x5000;
	[sflag:s14] =	ssyncadd.s32 $0xFFFFB000  }
0x16: {  	[tilespmem:s18], [sflag:$0x5] =	stream.linear.gather [hbm4b:s5+s3], $0x5000, $0x38;
	[tilespmem:$0x1DD00] =	vst v63  }
0x17: {  	_ =	swait.ge [sflag:s14], $0x5000  }
0x18: {  	[sflag:s14] =	ssyncset.done $0x0  }
0x19: {  	[sflag:s14] =	ssyncadd.s32 $0xFFFFB000  }
0x1a: {  	[tilespmem:s17], [sflag:$0x1] =	stream.indirect.gather [hbm4b:s6+s16], $0x40, s3, s16, $0xb8;
	[tilespmem:$0x1DD00] =	vst v63  }
0x1b: {  	s30 =	simm.s32 $0x80  }
0x1c: {  	[tilespmem:s19], [sflag:$0x2] =	stream.indirect.gather [hbm4b:s6+s16], $0x40, s30, s16, $0xb8;
	[tilespmem:$0x1DD00] =	vst v63  }
0x1d: {  	s20 =	simm.s32 $0x100  }
0x1e: {  	[tilespmem:s21], [sflag:$0x3] =	stream.indirect.gather [hbm4b:s6+s16], $0x40, s20, s16, $0xb8;
	[tilespmem:$0x1DD00] =	vst v63  }
0x1f: {  	s22 =	simm.s32 $0x180;
	s30 =	sand.u32 $0x7F00, s3  }
0x20: {  	[tilespmem:s23], [sflag:$0x4] =	stream.indirect.gather [hbm4b:s6+s16], $0x40, s22, s16, $0xb8;
	[tilespmem:$0x1DD00] =	vst v63  }
0x21: {  	s20 =	sand.u32 $0x30, s3;
	s22 =	sshrl.u32 s30, $0x2  }
0x22: {  	s18 =	simm.s32 $0x40;
	s22 =	sor.u32 s20, s22;
	s20 =	simm.s32 $0x0  }
.LBB2_2:
0x23: {  	p0 =	sne.s32 s18, $0x7FC0  }
0x24: {  	[tilespmem:s22+$0x11D00] =	vst v0;
	s20 =	sadd.s32 $0x10, s20;
	s22 =	smov.u32 s18;
	s18 =	sadd.s32 $0x40, s18  }
.Ltmp0:
0x25: {  	(pc) =	sbr.rel @p0 .LBB2_2-.Ltmp0, $4  }
0x26: {  	_ = 	snop  }
0x27: {  	s22 =	sand.u32 $0x7F00, s22  }
0x28: {  	s30 =	sand.u32 $0x30, s20;
	s22 =	sshrl.u32 s22, $0x2  }
0x29: {  	s22 =	sor.u32 s30, s22  }
0x2a: {  	[tilespmem:s22+$0x11D00] =	vst v0  }
0x2b: {  	[spmem:s7] =	stream.linear.scatter [tilespmem:s24], [sflag:$0x5], $0x2000, $0x38;
	[tilespmem:$0x1DD00] =	vst v63  }
0x2c: {  	_ =	swait.ge [sflag:s14], $0x2000  }
0x2d: {  	[sflag:s14] =	ssyncset.done $0x0  }
0x2e: {  	[sflag:s14] =	ssyncadd.s32 $0xFFFFE000  }
0x2f: {  	[spmem:s8] =	stream.linear.scatter [tilespmem:s24], [sflag:$0x5], $0x2000, $0x38;
	[tilespmem:$0x1DD00] =	vst v63  }
0x30: {  	_ =	swait.ge [sflag:s14], $0x2000  }
0x31: {  	[sflag:s14] =	ssyncset.done $0x0  }
0x32: {  	[sflag:s14] =	ssyncadd.s32 $0xFFFFE000  }
0x33: {  	[spmem:s9] =	stream.linear.scatter [tilespmem:s24], [sflag:$0x5], $0x2000, $0x38;
	[tilespmem:$0x1DD00] =	vst v63  }
0x34: {  	_ =	swait.ge [sflag:s14], $0x2000  }
0x35: {  	[sflag:s14] =	ssyncset.done $0x0  }
0x36: {  	[sflag:s14] =	ssyncadd.s32 $0xFFFFE000  }
0x37: {  	[spmem:s10] =	stream.linear.scatter [tilespmem:s24], [sflag:$0x5], $0x2000, $0x38;
	[tilespmem:$0x1DD00] =	vst v63  }
0x38: {  	_ =	swait.ge [sflag:s14], $0x2000  }
0x39: {  	[sflag:s14] =	ssyncset.done $0x0  }
0x3a: {  	[sflag:s14] =	ssyncadd.s32 $0xFFFFE000  }
0x3b: {  	[spmem:s11] =	stream.linear.scatter [tilespmem:s24], [sflag:$0x5], $0x2000, $0x38;
	[tilespmem:$0x1DD00] =	vst v63  }
0x3c: {  	_ =	swait.ge [sflag:s14], $0x2000  }
0x3d: {  	[sflag:s14] =	ssyncset.done $0x0  }
0x3e: {  	[sflag:s14] =	ssyncadd.s32 $0xFFFFE000  }
0x3f: {  	[bflag:$0x0] =	sbarrier.arrive $0xFFFF  }
0x40: {  	_ =	swait.ge [sflag:s25], $0x1F40  }
0x41: {  	[sflag:s25] =	ssyncset.done $0x0  }
0x42: {  	s18 =	simm.s32 $0x5000;
	[sflag:s25] =	ssyncadd.s32 $0xFFFFE0C0  }
0x43: {  	[spmem:s2] =	stream.indirect.scatter.add.f32 [tilespmem:s17], [sflag:$0x5], $0x40, s18, s16, $0xb8;
	[tilespmem:$0x1DD00] =	vst v63  }
0x44: {  	_ =	swait.ge [sflag:s14], $0x1F40  }
0x45: {  	[sflag:s14] =	ssyncset.done $0x0  }
0x46: {  	s20 =	simm.s32 $0x200;
	[sflag:s14] =	ssyncadd.s32 $0xFFFFE0C0  }
0x47: {  	[tilespmem:s17], [sflag:$0x1] =	stream.indirect.gather [hbm4b:s6+s16], $0x40, s20, s16, $0xb8;
	[tilespmem:$0x1DD00] =	vst v63  }
0x48: {  	_ =	swait.ge [sflag:s26], $0x1F40  }
0x49: {  	[sflag:s26] =	ssyncset.done $0x0  }
0x4a: {  	s22 =	simm.s32 $0x5080;
	[sflag:s26] =	ssyncadd.s32 $0xFFFFE0C0  }
0x4b: {  	[spmem:s2] =	stream.indirect.scatter.add.f32 [tilespmem:s19], [sflag:$0x5], $0x40, s22, s16, $0xb8;
	[tilespmem:$0x1DD00] =	vst v63  }
0x4c: {  	_ =	swait.ge [sflag:s14], $0x1F40  }
0x4d: {  	[sflag:s14] =	ssyncset.done $0x0  }
0x4e: {  	s30 =	simm.s32 $0x280;
	[sflag:s14] =	ssyncadd.s32 $0xFFFFE0C0  }
0x4f: {  	[tilespmem:s19], [sflag:$0x2] =	stream.indirect.gather [hbm4b:s6+s16], $0x40, s30, s16, $0xb8;
	[tilespmem:$0x1DD00] =	vst v63  }
0x50: {  	_ =	swait.ge [sflag:s28], $0x1F40  }
0x51: {  	[sflag:s28] =	ssyncset.done $0x0  }
0x52: {  	s20 =	simm.s32 $0x5100;
	[sflag:s28] =	ssyncadd.s32 $0xFFFFE0C0  }
0x53: {  	[spmem:s2] =	stream.indirect.scatter.add.f32 [tilespmem:s21], [sflag:$0x5], $0x40, s20, s16, $0xb8;
	[tilespmem:$0x1DD00] =	vst v63  }
0x54: {  	_ =	swait.ge [sflag:s14], $0x1F40  }
0x55: {  	[sflag:s14] =	ssyncset.done $0x0  }
0x56: {  	s22 =	simm.s32 $0x300;
	[sflag:s14] =	ssyncadd.s32 $0xFFFFE0C0  }
0x57: {  	[tilespmem:s21], [sflag:$0x3] =	stream.indirect.gather [hbm4b:s6+s16], $0x40, s22, s16, $0xb8;
	[tilespmem:$0x1DD00] =	vst v63  }
0x58: {  	_ =	swait.ge [sflag:s29], $0x1F40  }
0x59: {  	[sflag:s29] =	ssyncset.done $0x0  }
0x5a: {  	s30 =	simm.s32 $0x5180;
	[sflag:s29] =	ssyncadd.s32 $0xFFFFE0C0  }
0x5b: {  	[spmem:s2] =	stream.indirect.scatter.add.f32 [tilespmem:s23], [sflag:$0x5], $0x40, s30, s16, $0xb8;
	[tilespmem:$0x1DD00] =	vst v63  }
0x5c: {  	_ =	swait.ge [sflag:s14], $0x1F40  }
0x5d: {  	[sflag:s14] =	ssyncset.done $0x0  }
0x5e: {  	s18 =	simm.s32 $0x800;
	s20 =	simm.s32 $0x380;
	[sflag:s14] =	ssyncadd.s32 $0xFFFFE0C0  }
.LBB2_4:
0x5f: {  	[tilespmem:s23], [sflag:$0x4] =	stream.indirect.gather [hbm4b:s6+s16], $0x40, s20, s16, $0xb8;
	[tilespmem:$0x1DD00] =	vst v63  }
0x60: {  	s20 =	smov.u32 s18  }
0x61: {  	p0 =	sne.s32 s18, $0x13000;
	s18 =	sadd.s32 $0x800, s18;
	_ =	swait.ge [sflag:s25], $0x1F40  }
0x62: {  	s20 =	sshra.s32 s20, $0x2;
	[sflag:s25] =	ssyncset.done $0x0  }
0x63: {  	s22 =	sadd.s32 $0x5000, s20;
	[sflag:s25] =	ssyncadd.s32 $0xFFFFE0C0  }
0x64: {  	[spmem:s2] =	stream.indirect.scatter.add.f32 [tilespmem:s17], [sflag:$0x5], $0x40, s22, s16, $0xb8;
	[tilespmem:$0x1DD00] =	vst v63  }
0x65: {  	_ =	swait.ge [sflag:s14], $0x1F40  }
0x66: {  	[sflag:s14] =	ssyncset.done $0x0  }
0x67: {  	s22 =	sadd.s32 $0x200, s20;
	[sflag:s14] =	ssyncadd.s32 $0xFFFFE0C0  }
0x68: {  	[tilespmem:s17], [sflag:$0x1] =	stream.indirect.gather [hbm4b:s6+s16], $0x40, s22, s16, $0xb8;
	[tilespmem:$0x1DD00] =	vst v63  }
0x69: {  	_ =	swait.ge [sflag:s26], $0x1F40  }
0x6a: {  	[sflag:s26] =	ssyncset.done $0x0  }
0x6b: {  	s22 =	sadd.s32 $0x5080, s20;
	[sflag:s26] =	ssyncadd.s32 $0xFFFFE0C0  }
0x6c: {  	[spmem:s2] =	stream.indirect.scatter.add.f32 [tilespmem:s19], [sflag:$0x5], $0x40, s22, s16, $0xb8;
	[tilespmem:$0x1DD00] =	vst v63  }
0x6d: {  	_ =	swait.ge [sflag:s14], $0x1F40  }
0x6e: {  	[sflag:s14] =	ssyncset.done $0x0  }
0x6f: {  	s22 =	sadd.s32 $0x280, s20;
	[sflag:s14] =	ssyncadd.s32 $0xFFFFE0C0  }
0x70: {  	[tilespmem:s19], [sflag:$0x2] =	stream.indirect.gather [hbm4b:s6+s16], $0x40, s22, s16, $0xb8;
	[tilespmem:$0x1DD00] =	vst v63  }
0x71: {  	_ =	swait.ge [sflag:s28], $0x1F40  }
0x72: {  	[sflag:s28] =	ssyncset.done $0x0  }
0x73: {  	s22 =	sadd.s32 $0x5100, s20;
	[sflag:s28] =	ssyncadd.s32 $0xFFFFE0C0  }
0x74: {  	[spmem:s2] =	stream.indirect.scatter.add.f32 [tilespmem:s21], [sflag:$0x5], $0x40, s22, s16, $0xb8;
	[tilespmem:$0x1DD00] =	vst v63  }
0x75: {  	_ =	swait.ge [sflag:s14], $0x1F40  }
0x76: {  	[sflag:s14] =	ssyncset.done $0x0  }
0x77: {  	s22 =	sadd.s32 $0x300, s20;
	[sflag:s14] =	ssyncadd.s32 $0xFFFFE0C0  }
0x78: {  	[tilespmem:s21], [sflag:$0x3] =	stream.indirect.gather [hbm4b:s6+s16], $0x40, s22, s16, $0xb8;
	[tilespmem:$0x1DD00] =	vst v63  }
0x79: {  	_ =	swait.ge [sflag:s29], $0x1F40  }
0x7a: {  	[sflag:s29] =	ssyncset.done $0x0  }
.Ltmp1:
0x7b: {  	s22 =	sadd.s32 $0x5180, s20;
	[sflag:s29] =	ssyncadd.s32 $0xFFFFE0C0;
	(pc) =	sbr.rel @p0 .LBB2_4-.Ltmp1, $4  }
0x7c: {  	[spmem:s2] =	stream.indirect.scatter.add.f32 [tilespmem:s23], [sflag:$0x5], $0x40, s22, s16, $0xb8;
	[tilespmem:$0x1DD00] =	vst v63  }
0x7d: {  	_ =	swait.ge [sflag:s14], $0x1F40  }
0x7e: {  	[sflag:s14] =	ssyncset.done $0x0  }
0x7f: {  	s20 =	sadd.s32 $0x380, s20;
	[sflag:s14] =	ssyncadd.s32 $0xFFFFE0C0  }
0x80: {  	[tilespmem:s23], [sflag:$0x4] =	stream.indirect.gather [hbm4b:s6+s16], $0x40, s20, s16, $0xb8;
	[tilespmem:$0x1DD00] =	vst v63  }
0x81: {  	_ =	swait.ge [sflag:s25], $0x1F40  }
0x82: {  	[sflag:s25] =	ssyncset.done $0x0  }
0x83: {  	s18 =	simm.s32 $0x9E00;
	[sflag:s25] =	ssyncadd.s32 $0xFFFFE0C0  }
0x84: {  	[spmem:s2] =	stream.indirect.scatter.add.f32 [tilespmem:s17], [sflag:$0x5], $0x40, s18, s16, $0xb8;
	[tilespmem:$0x1DD00] =	vst v63  }
0x85: {  	_ =	swait.ge [sflag:s14], $0x1F40  }
0x86: {  	[sflag:s14] =	ssyncset.done $0x0  }
0x87: {  	[sflag:s14] =	ssyncadd.s32 $0xFFFFE0C0  }
0x88: {  	_ =	swait.ge [sflag:s26], $0x1F40  }
0x89: {  	[sflag:s26] =	ssyncset.done $0x0  }
0x8a: {  	[sflag:s26] =	ssyncadd.s32 $0xFFFFE0C0  }
0x8b: {  	[spmem:s2] =	stream.indirect.scatter.add.f32 [tilespmem:s19], [sflag:$0x5], $0x40, s31, s16, $0xb8;
	[tilespmem:$0x1DD00] =	vst v63  }
0x8c: {  	_ =	swait.ge [sflag:s14], $0x1F40  }
0x8d: {  	[sflag:s14] =	ssyncset.done $0x0  }
0x8e: {  	[sflag:s14] =	ssyncadd.s32 $0xFFFFE0C0  }
0x8f: {  	_ =	swait.ge [sflag:s28], $0x1F40  }
0x90: {  	[sflag:s28] =	ssyncset.done $0x0  }
0x91: {  	[sflag:s28] =	ssyncadd.s32 $0xFFFFE0C0  }
0x92: {  	[spmem:s2] =	stream.indirect.scatter.add.f32 [tilespmem:s21], [sflag:$0x5], $0x40, s0, s16, $0xb8;
	[tilespmem:$0x1DD00] =	vst v63  }
0x93: {  	_ =	swait.ge [sflag:s14], $0x1F40  }
0x94: {  	[sflag:s14] =	ssyncset.done $0x0  }
0x95: {  	[sflag:s14] =	ssyncadd.s32 $0xFFFFE0C0  }
0x96: {  	_ =	swait.ge [sflag:s29], $0x1F40  }
0x97: {  	[sflag:s29] =	ssyncset.done $0x0  }
0x98: {  	[sflag:s29] =	ssyncadd.s32 $0xFFFFE0C0  }
0x99: {  	[spmem:s2] =	stream.indirect.scatter.add.f32 [tilespmem:s23], [sflag:$0x5], $0x40, s1, s16, $0xb8;
	[tilespmem:$0x1DD00] =	vst v63  }
0x9a: {  	s22 =	stileid.u32;
	_ =	swait.ge [sflag:s14], $0x1F40  }
0x9b: {  	s30 =	sshrl.u32 s7, $0x3;
	s15 =	sadd.s32 $0x1, s15;
	[sflag:s14] =	ssyncset.done $0x0  }
0x9c: {  	p0 =	sne.s32 s15, s13;
	s18 =	sshll.u32 s22, $0x6;
	[sflag:s14] =	ssyncadd.s32 $0xFFFFE0C0  }
.Ltmp2:
0x9d: {  	s18 =	sor.u32 $0x1C05, s18;
	[bflag:$0x0] =	sbarrier.arrive $0xFFFF;
	(pc) =	sbr.rel @p0 .LBB2_1-.Ltmp2, $4  }
0x9e: {  	[hbm:s12], [sflag:s18] =	dma.local [spmem:s30], $0x1400  }
0x9f: {  	_ =	swait.ge [sflag:s14], $0x1400  }
0xa0: {  	[sflag:s14] =	ssyncset.done $0x0  }
0xa1: {  	[sflag:s14] =	ssyncadd.s32 $0xFFFFEC00  }
0xa2: {  	_ =	sfence.sel $0x180000  }
0xa3: {  	[bflag:$0x0] =	sbarrier.arrive $0xFFFF  }
0xa4: {  	_ =	strace $0x9000004D  }
0xa5: {  	s0 =	stileid.u32;
	[bflag:$0x2] =	sbarrier.arrive $0xFFFF  }
0xa6: {  	p0 =	sne.s32 s0, $0x0;
	s0 =	rddreg [dreg:$0x2]  }
0xa7: {  	s0 =	sadd.s32 @!p0 $0x100000, s0  }
0xa8: {  	[sflag:s0] =	ssyncadd.tile.s32 @!p0 $0x1;
	_ =	shalt  }
.Lfunc_end2:
_tile_overlayer_lowered:
.L_overlay_start_2:
0xa9: {  	(tag) =	ssettag $0x2  }
0xaa: {  	s0 =	rddreg [dreg:$0x0];
	s2 =	stileid.u32  }
0xab: {  	s1 =	rddreg [dreg:$0x1];
	p0 =	sne.s32 s2, $0x0  }
0xac: {  	s3 =	rddreg [dreg:$0x2];
	[bflag:$0x3] =	sbarrier.arrive $0xFFFF;
	s2 =	simm.s32 @!p0 $0x1C05  }
0xad: {  	[timem:s3], [sflag:s2] =	dma.local @!p0 [hbm:s0], s1  }
0xae: {  	s0 =	simm.s32 @!p0 $0x5  }
0xaf: {  	_ =	swait.ge @!p0 [sflag:s0], s1  }
0xb0: {  	s1 =	ssub.s32 @!p0 $0x0, s1;
	[sflag:s0] =	ssyncset.done @!p0 $0x0  }
0xb1: {  	[sflag:s0] =	ssyncadd.s32 @!p0 s1  }
0xb2: {  	[bflag:$0x3] =	sbarrier.arrive $0xFFFF  }
0xb3: {  	_ =	shalt  }

// kernel: kernel.19.cloned.1.call-start
scs
__scs_entry_jumppad:
0x0: {  	(pc) =	sbr.rel $0x88, $3  }
0x1: {  	(tag) =	ssettag $0x0;
	lr =	simm.s32 $0x1  }
0x2: {  	[smem:$0x3F8F] =	sst lr;
	_ =	strace $0xD0000000  }
0x3: {  	_ = 	snop  }
0x4: {  	_ = 	snop  }
0x5: {  	_ = 	snop  }
0x6: {  	_ = 	snop  }
0x7: {  	_ = 	snop  }
__scs_overlays_trampoline_lowered:
0x8: {  	[smem:$0x3F9E] =	sst s0  }
0x9: {  	[smem:$0x3F9F] =	sst s1  }
0xa: {  	[smem:$0x3FA0] =	sst s2  }
0xb: {  	[smem:$0x3FA1] =	sst s3  }
0xc: {  	[smem:$0x3FA2] =	sst s4  }
0xd: {  	[smem:$0x3FA3] =	sst s5  }
0xe: {  	[smem:$0x3FA4] =	sst s6  }
0xf: {  	[smem:$0x3FA5] =	sst s7  }
0x10: {  	[smem:$0x3FA6] =	sst s8  }
0x11: {  	[smem:$0x3FA7] =	sst s9;
	s0 =	simm.s32 @!p0 $0x0  }
0x12: {  	s1 =	sld [smem:$0x3F8D];
	s0 =	simm.s32 @p0 $0x1  }
0x13: {  	[smem:$0x3FA8] =	sst s0;
	s0 =	simm.s32 @!p1 $0x0  }
0x14: {  	s2 =	sld [smem:$0x3F8C];
	s0 =	simm.s32 @p1 $0x1  }
0x15: {  	[smem:$0x3FA9] =	sst s0;
	s0 =	simm.s32 @!p2 $0x0  }
0x16: {  	s3 =	sld [smem:$0x3FDB];
	s0 =	simm.s32 @p2 $0x1  }
0x17: {  	s4 =	simm.s32 $0x1BF5;
	[smem:$0x3FAB] =	sst s0  }
0x18: {  	s0 =	sld [smem:$0x3F8E];
	_ =	swait.ge [sflag:s4], $0x0  }
0x19: {  	s7 =	sld [smem:$0x3F8F]  }
0x1a: {  	s8 =	sadd.s32 $0xFFFFE003, lr  }
0x1b: {  	s9 =	sadd.s32 $0xFFFFFEF7, lr;
	s5 =	simm.s32 $0xFFFFFFFF;
	p2 =	slt.u32 s8, $0xFFFFF086  }
0x1c: {  	p1 =	slt.u32 s9, $0xF7A;
	s5 =	simm.s32 @!p2 $0x0  }
0x1d: {  	s5 =	simm.s32 @p1 $0x1;
	p0 =	seq.s32 s7, s2  }
0x1e: {  	s7 =	smul.u32 @!p0 $0xF7A, s2;
	p2 =	seq.s32 @!p0 s5, $0x0  }
0x1f: {  	s9 =	smul.u32 $0xF7A, s1;
	s8 =	simm.s32 @!p0 $0x1BF5;
	p2 =	por !p2, p0  }
0x20: {  	[sflag:s8] =	ssyncset.s32 @!p0 $0xFFFFF086;
	s6 =	sadd.s32 @!p0 s3, s7;
	s7 =	simm.s32 @!p0 $0x108  }
0x21: {  	s3 =	sadd.s32 s3, s9;
	s6 =	sadd.s32 @!p0 $0x88, s6;
	s7 =	simm.s32 @p2 $0x1082  }
0x22: {  	[simem:s7], [sflag:s8] =	dma.local @!p0 [hbm:s6], $0xF7A  }
0x23: {  	s9 =	sor.u32 $0xD0000000, s2;
	s6 =	simm.s32 $0x108;
	_ =	swait.ge @!p0 [sflag:s8], $0x0  }
0x24: {  	s3 =	sadd.s32 $0x88, s3;
	s6 =	simm.s32 @!p1 $0x1082;
	[sflag:s4] =	ssyncset.s32 $0xFFFFF086  }
0x25: {  	[simem:s6], [sflag:s4] =	dma.local [hbm:s3], $0xF7A  }
0x26: {  	[smem:$0x3F8F] =	sst s1;
	(tag) =	ssettag s2;
	_ =	strace s9  }
0x27: {  	s1 =	sld [smem:$0x3F9F]  }
0x28: {  	s2 =	sld [smem:$0x3FA0]  }
0x29: {  	s4 =	sld [smem:$0x3FA2]  }
0x2a: {  	p0 =	seq.s32 s5, $0x0;
	s5 =	sld [smem:$0x3FA3]  }
0x2b: {  	s6 =	sld [smem:$0x3FA4]  }
0x2c: {  	s7 =	sld [smem:$0x3FA5]  }
0x2d: {  	s3 =	simm.s32 $0x108;
	s8 =	sld [smem:$0x3FA6]  }
0x2e: {  	s3 =	simm.s32 @!p0 $0x1082;
	s9 =	sld [smem:$0x3FA7]  }
0x2f: {  	lr =	sadd.s32 s0, s3;
	s0 =	sld [smem:$0x3F9E]  }
0x30: {  	s3 =	sld [smem:$0x3FA1]  }
0x31: {  	[smem:$0x3FAA] =	sst s10  }
0x32: {  	s10 =	sld [smem:$0x3FA8];
	_ =	sdelay $0x3  }
0x33: {  	p0 =	seq.s32 s10, $0x1;
	s10 =	sld [smem:$0x3FAA];
	_ =	sdelay $0x3  }
0x34: {  	[smem:$0x3FAA] =	sst s10  }
0x35: {  	s10 =	sld [smem:$0x3FA9];
	_ =	sdelay $0x3  }
0x36: {  	p1 =	seq.s32 s10, $0x1;
	s10 =	sld [smem:$0x3FAA];
	_ =	sdelay $0x3  }
0x37: {  	[smem:$0x3FAA] =	sst s10  }
0x38: {  	s10 =	sld [smem:$0x3FAB]  }
0x39: {  	_ = 	snop;
	(pc) =	sbr.ind lr, $3  }
0x3a: {  	_ = 	snop  }
0x3b: {  	_ = 	snop  }
0x3c: {  	p2 =	seq.s32 s10, $0x1;
	s10 =	sld [smem:$0x3FAA]  }
0x3d: {  	_ =	shalt  }
0x3e: {  	_ =	shalt  }
0x3f: {  	_ =	shalt  }
0x40: {  	_ =	shalt  }
0x41: {  	_ =	shalt  }
0x42: {  	_ =	shalt  }
0x43: {  	_ =	shalt  }
0x44: {  	_ =	shalt  }
0x45: {  	_ =	shalt  }
0x46: {  	_ =	shalt  }
0x47: {  	_ =	shalt  }
0x48: {  	_ =	shalt  }
0x49: {  	_ =	shalt  }
0x4a: {  	_ =	shalt  }
0x4b: {  	_ =	shalt  }
0x4c: {  	_ =	shalt  }
0x4d: {  	_ =	shalt  }
0x4e: {  	_ =	shalt  }
0x4f: {  	_ =	shalt  }
0x50: {  	_ =	shalt  }
0x51: {  	_ =	shalt  }
0x52: {  	_ =	shalt  }
0x53: {  	_ =	shalt  }
0x54: {  	_ =	shalt  }
0x55: {  	_ =	shalt  }
0x56: {  	_ =	shalt  }
0x57: {  	_ =	shalt  }
0x58: {  	_ =	shalt  }
0x59: {  	_ =	shalt  }
0x5a: {  	_ =	shalt  }
0x5b: {  	_ =	shalt  }
0x5c: {  	_ =	shalt  }
0x5d: {  	_ =	shalt  }
0x5e: {  	_ =	shalt  }
0x5f: {  	_ =	shalt  }
0x60: {  	_ =	shalt  }
0x61: {  	_ =	shalt  }
0x62: {  	_ =	shalt  }
0x63: {  	_ =	shalt  }
0x64: {  	_ =	shalt  }
0x65: {  	_ =	shalt  }
0x66: {  	_ =	shalt  }
0x67: {  	_ =	shalt  }
0x68: {  	_ =	shalt  }
0x69: {  	_ =	shalt  }
0x6a: {  	_ =	shalt  }
0x6b: {  	_ =	shalt  }
0x6c: {  	_ =	shalt  }
0x6d: {  	_ =	shalt  }
0x6e: {  	_ =	shalt  }
0x6f: {  	_ =	shalt  }
0x70: {  	_ =	shalt  }
0x71: {  	_ =	shalt  }
0x72: {  	_ =	shalt  }
0x73: {  	_ =	shalt  }
0x74: {  	_ =	shalt  }
0x75: {  	_ =	shalt  }
0x76: {  	_ =	shalt  }
0x77: {  	_ =	shalt  }
0x78: {  	_ =	shalt  }
0x79: {  	_ =	shalt  }
0x7a: {  	_ =	shalt  }
0x7b: {  	_ =	shalt  }
0x7c: {  	_ =	shalt  }
0x7d: {  	_ =	shalt  }
0x7e: {  	_ =	shalt  }
0x7f: {  	_ =	shalt  }
0x80: {  	_ =	shalt  }
0x81: {  	_ =	shalt  }
0x82: {  	_ =	shalt  }
0x83: {  	_ =	shalt  }
0x84: {  	_ =	shalt  }
0x85: {  	_ =	shalt  }
0x86: {  	_ =	shalt  }
0x87: {  	_ =	shalt  }
.Lfunc_end0:
.L_simem_size_0:
called_computation.3_lowered:
.L_overlay_start_0:
0x88: {  	s2 =	sld [smem:$0x3FD9]  }
0x89: {  	s3 =	sld [smem:$0x3FFE];
	_ =	sdelay $0x1  }
0x8a: {  	s1 =	srdreg.scid  }
0x8b: {  	s0 =	sand.u32 $0x1, s1  }
0x8c: {  	s16 =	sshll.u32 s0, $0xA;
	s2 =	sadd.s32 s3, s2  }
0x8d: {  	s2 =	sadd.s32 s2, s16  }
0x8e: {  	[smem:$0x3FB6] =	sst s2  }
0x8f: {  	_ = 	snop  }
0x90: {  	(tm) =	ssettm $0x1  }
0x91: {  	s17 =	sld [smem:$0x3FFB];
	_ =	sdelay $0x3  }
0x92: {  	_ =	strace s17  }
0x93: {  	s2 =	sld [smem:$0x3FFC];
	_ =	sdelay $0x3  }
0x94: {  	_ =	strace s2  }
0x95: {  	s2 =	sld [smem:$0x3FFD];
	_ =	sdelay $0x3  }
0x96: {  	_ =	strace s2  }
0x97: {  	_ =	strace $0x8FFFFFFF  }
0x98: {  	s18 =	sld [smem:$0x3FDB];
	_ =	sdelay $0x1  }
0x99: {  	s19 =	simm.s32 $_scs_section_size  }
0x9a: {  	s4 =	simm.s32 $_size__tile_overlayer_lowered;
	s5 =	simm.s32 $_tile_overlayer_lowered  }
0x9b: {  	s22 =	simm.s32 $0x1BFF;
	s21 =	sshll.u32 s5, $0x1;
	s2 =	sadd.s32 s19, s18  }
0x9c: {  	s6 =	simm.s32 $0x0;
	s20 =	sshll.u32 s4, $0x1;
	s4 =	sadd.s32 s21, s2  }
0x9d: {  	[timem:s6], [sflag:s22] =	dma.local [hbm:s4], s20  }
0x9e: {  	_ =	swait.ge [sflag:s22], s20  }
0x9f: {  	s3 =	ssub.s32 $0x0, s20;
	[sflag:s22] =	ssyncset.done $0x0  }
0xa0: {  	[sflag:s22] =	ssyncadd.s32 s3;
	_ =	sdelay $0x1  }
0xa1: {  	s23 =	simm.s32 $0x1B8B  }
0xa2: {  	_ =	swait.ge [sflag:s23], $0x1  }
0xa3: {  	[sflag:s23] =	ssyncset.done $0x0  }
0xa4: {  	s25 =	simm.s32 $0x1B8E;
	s24 =	sld [smem:$0x3FFE];
	[sflag:s23] =	ssyncadd.s32 $0xFFFFFFFF  }
0xa5: {  	s26 =	simm.s32 $execute0_lowered;
	[smem:$0x3FD2] =	sst s25  }
0xa6: {  	s4 =	sshll.u32 s26, $0x1;
	_ =	strace $0x8000004F;
	[dreg:$0x1] =	wrdreg $0xFFFFFFFF  }
0xa7: {  	s28 =	simm.s32 $_size_execute0_lowered;
	s2 =	sadd.s32 s2, s4;
	[dreg:$0x0] =	wrdreg $0x0  }
0xa8: {  	s4 =	sshll.u32 s28, $0x1;
	[dreg:$0x2] =	wrdreg s2  }
0xa9: {  	[dreg:$0x3] =	wrdreg s4  }
0xaa: {  	[dreg:$0x4] =	wrdreg $0xC0  }
0xab: {  	_ =	task [dreg:s6], $0x5FFFF  }
0xac: {  	[dreg:$0x1] =	wrdreg $0xFFFFFFFF  }
0xad: {  	[dreg:$0x0] =	wrdreg $0x60  }
0xae: {  	[dreg:$0x2] =	wrdreg s24  }
0xaf: {  	[dreg:$0x3] =	wrdreg $0x13D000  }
0xb0: {  	[dreg:$0x4] =	wrdreg $0x9  }
0xb1: {  	_ =	task.clear_ibuf [dreg:s6], $0x5FFFF;
	_ =	strace $0x9000004F  }
0xb2: {  	s29 =	simm.s32 $0x9;
	_ =	strace $0x80000051  }
0xb3: {  	_ =	swait.ge [sflag:s29], $0x1  }
0xb4: {  	[sflag:s29] =	ssyncadd.s32 $0xFFFFFFFF  }
0xb5: {  	_ =	strace $0x90000051  }
0xb6: {  	_ =	sfence  }
0xb7: {  	s30 =	sld [smem:$0x0];
	_ =	sdelay $0x2  }
0xb8: {  	s31 =	sshll.u32 s1, $0xD;
	s1 =	sshrl.u32 s1, $0x2  }
0xb9: {  	s3 =	sand.u32 $0x4000, s31;
	s1 =	sadd.s32 s1, s30  }
0xba: {  	s0 =	sor.u32 s3, s0;
	s1 =	sshll.u32 s1, $0x11  }
0xbb: {  	s0 =	sor.u32 s1, s0  }
0xbc: {  	s0 =	sadd.s32 $0x8F2B, s0  }
0xbd: {  	[sflag:s0] =	ssyncadd.remote.s32 $0x1  }
0xbe: {  	_ =	sfence.sel $0xFFFF  }
0xbf: {  	[dreg:$0x0] =	wrdreg $0xFFFFFFFF;
	(pc) =	sbr.abs _section_cstart, $3  }
0xc0: {  	[dreg:$0x1] =	wrdreg $0xFFFFFFFF  }
0xc1: {  	_ =	task.clear_ibuf [dreg:s6], $0x2FFFF;
	_ =	strace $0x9FFFFFFF  }
0xc2: {  	(tm) =	ssettm $0x7FFFFFFF  }
0xc3: {  	_ =	shalt  }
tec
execute0_lowered:
.L_overlay_start_1:
0x0: {  	(tag) =	ssettag $0x1  }
0x1: {  	s0 =	rddreg [dreg:$0x0]  }
0x2: {  	s1 =	srdreg.scid;
	s2 =	rddreg [dreg:$0x1]  }
0x3: {  	s8 =	stileid.u32;
	s3 =	simm.s32 $0x0;
	s14 =	simm.s32 $0x5  }
0x4: {  	s16 =	simm.s32 $0x7D;
	s17 =	simm.s32 $0xA000;
	s19 =	simm.s32 $0xBF40  }
0x5: {  	s21 =	simm.s32 $0xDE80;
	s23 =	simm.s32 $0xFDC0;
	s7 =	smul.u32 $0xA000, s8  }
0x6: {  	s24 =	simm.s32 $0x11D00;
	s25 =	simm.s32 $0x1;
	s26 =	smul.u32 $0xA00, s8  }
0x7: {  	s28 =	simm.s32 $0x3;
	s1 =	sand.u32 $0x1, s1;
	s8 =	smul.u32 $0x28000, s8  }
0x8: {  	s29 =	simm.s32 $0x4;
	s31 =	simm.s32 $0x9E80;
	s4 =	smul.u32 $0x13880, s1  }
0x9: {  	s15 =	simm.s32 $0x0;
	[smem:$0x7FF] =	sst s3;
	s5 =	smul.u32 $0xA0000, s1  }
0xa: {  	_ =	strace $0x80000050;
	s1 =	ssub.s32 $0x2, s1;
	s9 =	sadd.s32 s26, s0  }
0xb: {  	s30 =	sshrl.u32 s1, $0x1;
	s8 =	sshrl.u32 s8, $0x2;
	s26 =	simm.s32 $0x2  }
0xc: {  	s6 =	sadd.s32 s4, s0;
	s5 =	sadd.s32 s7, s5;
	s1 =	ssub.s32 s1, s30  }
0xd: {  	s4 =	sadd.s32 $0x21400, s9;
	s11 =	sadd.s32 s8, s2;
	s7 =	sadd.s32 s7, s2  }
0xe: {  	s5 =	sshrl.u32 s5, $0x3;
	s6 =	sadd.s32 $0x2B400, s6;
	s8 =	sadd.s32 $0x2000, s11  }
0xf: {  	s10 =	sadd.s32 $0x6000, s11;
	s13 =	smax.u32 s1, $0x1;
	s1 =	simm.s32 $0x9F80  }
0x10: {  	s0 =	sadd.s32 s5, s0;
	s5 =	sadd.s32 $0x17400, s9;
	s9 =	sadd.s32 $0x4000, s11  }
0x11: {  	v0 =	vimm.f32 $0.0e+00;
	s11 =	sadd.s32 $0x8000, s11;
	s12 =	sadd.s32 $0x52600, s0;
	s0 =	simm.s32 $0x9F00  }
.LBB2_1:
0x12: {  	[tilespmem:s3], [sflag:$0x5] =	stream.linear.gather [hbm4b:s4+s3], $0x5000, $0x38;
	[tilespmem:$0x1DD00] =	vst v63  }
0x13: {  	_ =	swait.ge [sflag:s14], $0x5000  }
0x14: {  	[sflag:s14] =	ssyncset.done $0x0  }
0x15: {  	s18 =	simm.s32 $0x5000;
	[sflag:s14] =	ssyncadd.s32 $0xFFFFB000  }
0x16: {  	[tilespmem:s18], [sflag:$0x5] =	stream.linear.gather [hbm4b:s5+s3], $0x5000, $0x38;
	[tilespmem:$0x1DD00] =	vst v63  }
0x17: {  	_ =	swait.ge [sflag:s14], $0x5000  }
0x18: {  	[sflag:s14] =	ssyncset.done $0x0  }
0x19: {  	[sflag:s14] =	ssyncadd.s32 $0xFFFFB000  }
0x1a: {  	[tilespmem:s17], [sflag:$0x1] =	stream.indirect.gather [hbm4b:s6+s16], $0x40, s3, s16, $0xb8;
	[tilespmem:$0x1DD00] =	vst v63  }
0x1b: {  	s30 =	simm.s32 $0x80  }
0x1c: {  	[tilespmem:s19], [sflag:$0x2] =	stream.indirect.gather [hbm4b:s6+s16], $0x40, s30, s16, $0xb8;
	[tilespmem:$0x1DD00] =	vst v63  }
0x1d: {  	s20 =	simm.s32 $0x100  }
0x1e: {  	[tilespmem:s21], [sflag:$0x3] =	stream.indirect.gather [hbm4b:s6+s16], $0x40, s20, s16, $0xb8;
	[tilespmem:$0x1DD00] =	vst v63  }
0x1f: {  	s22 =	simm.s32 $0x180;
	s30 =	sand.u32 $0x7F00, s3  }
0x20: {  	[tilespmem:s23], [sflag:$0x4] =	stream.indirect.gather [hbm4b:s6+s16], $0x40, s22, s16, $0xb8;
	[tilespmem:$0x1DD00] =	vst v63  }
0x21: {  	s20 =	sand.u32 $0x30, s3;
	s22 =	sshrl.u32 s30, $0x2  }
0x22: {  	s18 =	simm.s32 $0x40;
	s22 =	sor.u32 s20, s22;
	s20 =	simm.s32 $0x0  }
.LBB2_2:
0x23: {  	p0 =	sne.s32 s18, $0x7FC0  }
0x24: {  	[tilespmem:s22+$0x11D00] =	vst v0;
	s20 =	sadd.s32 $0x10, s20;
	s22 =	smov.u32 s18;
	s18 =	sadd.s32 $0x40, s18  }
.Ltmp0:
0x25: {  	(pc) =	sbr.rel @p0 .LBB2_2-.Ltmp0, $4  }
0x26: {  	_ = 	snop  }
0x27: {  	s22 =	sand.u32 $0x7F00, s22  }
0x28: {  	s30 =	sand.u32 $0x30, s20;
	s22 =	sshrl.u32 s22, $0x2  }
0x29: {  	s22 =	sor.u32 s30, s22  }
0x2a: {  	[tilespmem:s22+$0x11D00] =	vst v0  }
0x2b: {  	[spmem:s7] =	stream.linear.scatter [tilespmem:s24], [sflag:$0x5], $0x2000, $0x38;
	[tilespmem:$0x1DD00] =	vst v63  }
0x2c: {  	_ =	swait.ge [sflag:s14], $0x2000  }
0x2d: {  	[sflag:s14] =	ssyncset.done $0x0  }
0x2e: {  	[sflag:s14] =	ssyncadd.s32 $0xFFFFE000  }
0x2f: {  	[spmem:s8] =	stream.linear.scatter [tilespmem:s24], [sflag:$0x5], $0x2000, $0x38;
	[tilespmem:$0x1DD00] =	vst v63  }
0x30: {  	_ =	swait.ge [sflag:s14], $0x2000  }
0x31: {  	[sflag:s14] =	ssyncset.done $0x0  }
0x32: {  	[sflag:s14] =	ssyncadd.s32 $0xFFFFE000  }
0x33: {  	[spmem:s9] =	stream.linear.scatter [tilespmem:s24], [sflag:$0x5], $0x2000, $0x38;
	[tilespmem:$0x1DD00] =	vst v63  }
0x34: {  	_ =	swait.ge [sflag:s14], $0x2000  }
0x35: {  	[sflag:s14] =	ssyncset.done $0x0  }
0x36: {  	[sflag:s14] =	ssyncadd.s32 $0xFFFFE000  }
0x37: {  	[spmem:s10] =	stream.linear.scatter [tilespmem:s24], [sflag:$0x5], $0x2000, $0x38;
	[tilespmem:$0x1DD00] =	vst v63  }
0x38: {  	_ =	swait.ge [sflag:s14], $0x2000  }
0x39: {  	[sflag:s14] =	ssyncset.done $0x0  }
0x3a: {  	[sflag:s14] =	ssyncadd.s32 $0xFFFFE000  }
0x3b: {  	[spmem:s11] =	stream.linear.scatter [tilespmem:s24], [sflag:$0x5], $0x2000, $0x38;
	[tilespmem:$0x1DD00] =	vst v63  }
0x3c: {  	_ =	swait.ge [sflag:s14], $0x2000  }
0x3d: {  	[sflag:s14] =	ssyncset.done $0x0  }
0x3e: {  	[sflag:s14] =	ssyncadd.s32 $0xFFFFE000  }
0x3f: {  	[bflag:$0x0] =	sbarrier.arrive $0xFFFF  }
0x40: {  	_ =	swait.ge [sflag:s25], $0x1F40  }
0x41: {  	[sflag:s25] =	ssyncset.done $0x0  }
0x42: {  	s18 =	simm.s32 $0x5000;
	[sflag:s25] =	ssyncadd.s32 $0xFFFFE0C0  }
0x43: {  	[spmem:s2] =	stream.indirect.scatter.add.f32 [tilespmem:s17], [sflag:$0x5], $0x40, s18, s16, $0xb8;
	[tilespmem:$0x1DD00] =	vst v63  }
0x44: {  	_ =	swait.ge [sflag:s14], $0x1F40  }
0x45: {  	[sflag:s14] =	ssyncset.done $0x0  }
0x46: {  	s20 =	simm.s32 $0x200;
	[sflag:s14] =	ssyncadd.s32 $0xFFFFE0C0  }
0x47: {  	[tilespmem:s17], [sflag:$0x1] =	stream.indirect.gather [hbm4b:s6+s16], $0x40, s20, s16, $0xb8;
	[tilespmem:$0x1DD00] =	vst v63  }
0x48: {  	_ =	swait.ge [sflag:s26], $0x1F40  }
0x49: {  	[sflag:s26] =	ssyncset.done $0x0  }
0x4a: {  	s22 =	simm.s32 $0x5080;
	[sflag:s26] =	ssyncadd.s32 $0xFFFFE0C0  }
0x4b: {  	[spmem:s2] =	stream.indirect.scatter.add.f32 [tilespmem:s19], [sflag:$0x5], $0x40, s22, s16, $0xb8;
	[tilespmem:$0x1DD00] =	vst v63  }
0x4c: {  	_ =	swait.ge [sflag:s14], $0x1F40  }
0x4d: {  	[sflag:s14] =	ssyncset.done $0x0  }
0x4e: {  	s30 =	simm.s32 $0x280;
	[sflag:s14] =	ssyncadd.s32 $0xFFFFE0C0  }
0x4f: {  	[tilespmem:s19], [sflag:$0x2] =	stream.indirect.gather [hbm4b:s6+s16], $0x40, s30, s16, $0xb8;
	[tilespmem:$0x1DD00] =	vst v63  }
0x50: {  	_ =	swait.ge [sflag:s28], $0x1F40  }
0x51: {  	[sflag:s28] =	ssyncset.done $0x0  }
0x52: {  	s20 =	simm.s32 $0x5100;
	[sflag:s28] =	ssyncadd.s32 $0xFFFFE0C0  }
0x53: {  	[spmem:s2] =	stream.indirect.scatter.add.f32 [tilespmem:s21], [sflag:$0x5], $0x40, s20, s16, $0xb8;
	[tilespmem:$0x1DD00] =	vst v63  }
0x54: {  	_ =	swait.ge [sflag:s14], $0x1F40  }
0x55: {  	[sflag:s14] =	ssyncset.done $0x0  }
0x56: {  	s22 =	simm.s32 $0x300;
	[sflag:s14] =	ssyncadd.s32 $0xFFFFE0C0  }
0x57: {  	[tilespmem:s21], [sflag:$0x3] =	stream.indirect.gather [hbm4b:s6+s16], $0x40, s22, s16, $0xb8;
	[tilespmem:$0x1DD00] =	vst v63  }
0x58: {  	_ =	swait.ge [sflag:s29], $0x1F40  }
0x59: {  	[sflag:s29] =	ssyncset.done $0x0  }
0x5a: {  	s30 =	simm.s32 $0x5180;
	[sflag:s29] =	ssyncadd.s32 $0xFFFFE0C0  }
0x5b: {  	[spmem:s2] =	stream.indirect.scatter.add.f32 [tilespmem:s23], [sflag:$0x5], $0x40, s30, s16, $0xb8;
	[tilespmem:$0x1DD00] =	vst v63  }
0x5c: {  	_ =	swait.ge [sflag:s14], $0x1F40  }
0x5d: {  	[sflag:s14] =	ssyncset.done $0x0  }
0x5e: {  	s18 =	simm.s32 $0x800;
	s20 =	simm.s32 $0x380;
	[sflag:s14] =	ssyncadd.s32 $0xFFFFE0C0  }
.LBB2_4:
0x5f: {  	[tilespmem:s23], [sflag:$0x4] =	stream.indirect.gather [hbm4b:s6+s16], $0x40, s20, s16, $0xb8;
	[tilespmem:$0x1DD00] =	vst v63  }
0x60: {  	s20 =	smov.u32 s18  }
0x61: {  	p0 =	sne.s32 s18, $0x13000;
	s18 =	sadd.s32 $0x800, s18;
	_ =	swait.ge [sflag:s25], $0x1F40  }
0x62: {  	s20 =	sshra.s32 s20, $0x2;
	[sflag:s25] =	ssyncset.done $0x0  }
0x63: {  	s22 =	sadd.s32 $0x5000, s20;
	[sflag:s25] =	ssyncadd.s32 $0xFFFFE0C0  }
0x64: {  	[spmem:s2] =	stream.indirect.scatter.add.f32 [tilespmem:s17], [sflag:$0x5], $0x40, s22, s16, $0xb8;
	[tilespmem:$0x1DD00] =	vst v63  }
0x65: {  	_ =	swait.ge [sflag:s14], $0x1F40  }
0x66: {  	[sflag:s14] =	ssyncset.done $0x0  }
0x67: {  	s22 =	sadd.s32 $0x200, s20;
	[sflag:s14] =	ssyncadd.s32 $0xFFFFE0C0  }
0x68: {  	[tilespmem:s17], [sflag:$0x1] =	stream.indirect.gather [hbm4b:s6+s16], $0x40, s22, s16, $0xb8;
	[tilespmem:$0x1DD00] =	vst v63  }
0x69: {  	_ =	swait.ge [sflag:s26], $0x1F40  }
0x6a: {  	[sflag:s26] =	ssyncset.done $0x0  }
0x6b: {  	s22 =	sadd.s32 $0x5080, s20;
	[sflag:s26] =	ssyncadd.s32 $0xFFFFE0C0  }
0x6c: {  	[spmem:s2] =	stream.indirect.scatter.add.f32 [tilespmem:s19], [sflag:$0x5], $0x40, s22, s16, $0xb8;
	[tilespmem:$0x1DD00] =	vst v63  }
0x6d: {  	_ =	swait.ge [sflag:s14], $0x1F40  }
0x6e: {  	[sflag:s14] =	ssyncset.done $0x0  }
0x6f: {  	s22 =	sadd.s32 $0x280, s20;
	[sflag:s14] =	ssyncadd.s32 $0xFFFFE0C0  }
0x70: {  	[tilespmem:s19], [sflag:$0x2] =	stream.indirect.gather [hbm4b:s6+s16], $0x40, s22, s16, $0xb8;
	[tilespmem:$0x1DD00] =	vst v63  }
0x71: {  	_ =	swait.ge [sflag:s28], $0x1F40  }
0x72: {  	[sflag:s28] =	ssyncset.done $0x0  }
0x73: {  	s22 =	sadd.s32 $0x5100, s20;
	[sflag:s28] =	ssyncadd.s32 $0xFFFFE0C0  }
0x74: {  	[spmem:s2] =	stream.indirect.scatter.add.f32 [tilespmem:s21], [sflag:$0x5], $0x40, s22, s16, $0xb8;
	[tilespmem:$0x1DD00] =	vst v63  }
0x75: {  	_ =	swait.ge [sflag:s14], $0x1F40  }
0x76: {  	[sflag:s14] =	ssyncset.done $0x0  }
0x77: {  	s22 =	sadd.s32 $0x300, s20;
	[sflag:s14] =	ssyncadd.s32 $0xFFFFE0C0  }
0x78: {  	[tilespmem:s21], [sflag:$0x3] =	stream.indirect.gather [hbm4b:s6+s16], $0x40, s22, s16, $0xb8;
	[tilespmem:$0x1DD00] =	vst v63  }
0x79: {  	_ =	swait.ge [sflag:s29], $0x1F40  }
0x7a: {  	[sflag:s29] =	ssyncset.done $0x0  }
.Ltmp1:
0x7b: {  	s22 =	sadd.s32 $0x5180, s20;
	[sflag:s29] =	ssyncadd.s32 $0xFFFFE0C0;
	(pc) =	sbr.rel @p0 .LBB2_4-.Ltmp1, $4  }
0x7c: {  	[spmem:s2] =	stream.indirect.scatter.add.f32 [tilespmem:s23], [sflag:$0x5], $0x40, s22, s16, $0xb8;
	[tilespmem:$0x1DD00] =	vst v63  }
0x7d: {  	_ =	swait.ge [sflag:s14], $0x1F40  }
0x7e: {  	[sflag:s14] =	ssyncset.done $0x0  }
0x7f: {  	s20 =	sadd.s32 $0x380, s20;
	[sflag:s14] =	ssyncadd.s32 $0xFFFFE0C0  }
0x80: {  	[tilespmem:s23], [sflag:$0x4] =	stream.indirect.gather [hbm4b:s6+s16], $0x40, s20, s16, $0xb8;
	[tilespmem:$0x1DD00] =	vst v63  }
0x81: {  	_ =	swait.ge [sflag:s25], $0x1F40  }
0x82: {  	[sflag:s25] =	ssyncset.done $0x0  }
0x83: {  	s18 =	simm.s32 $0x9E00;
	[sflag:s25] =	ssyncadd.s32 $0xFFFFE0C0  }
0x84: {  	[spmem:s2] =	stream.indirect.scatter.add.f32 [tilespmem:s17], [sflag:$0x5], $0x40, s18, s16, $0xb8;
	[tilespmem:$0x1DD00] =	vst v63  }
0x85: {  	_ =	swait.ge [sflag:s14], $0x1F40  }
0x86: {  	[sflag:s14] =	ssyncset.done $0x0  }
0x87: {  	[sflag:s14] =	ssyncadd.s32 $0xFFFFE0C0  }
0x88: {  	_ =	swait.ge [sflag:s26], $0x1F40  }
0x89: {  	[sflag:s26] =	ssyncset.done $0x0  }
0x8a: {  	[sflag:s26] =	ssyncadd.s32 $0xFFFFE0C0  }
0x8b: {  	[spmem:s2] =	stream.indirect.scatter.add.f32 [tilespmem:s19], [sflag:$0x5], $0x40, s31, s16, $0xb8;
	[tilespmem:$0x1DD00] =	vst v63  }
0x8c: {  	_ =	swait.ge [sflag:s14], $0x1F40  }
0x8d: {  	[sflag:s14] =	ssyncset.done $0x0  }
0x8e: {  	[sflag:s14] =	ssyncadd.s32 $0xFFFFE0C0  }
0x8f: {  	_ =	swait.ge [sflag:s28], $0x1F40  }
0x90: {  	[sflag:s28] =	ssyncset.done $0x0  }
0x91: {  	[sflag:s28] =	ssyncadd.s32 $0xFFFFE0C0  }
0x92: {  	[spmem:s2] =	stream.indirect.scatter.add.f32 [tilespmem:s21], [sflag:$0x5], $0x40, s0, s16, $0xb8;
	[tilespmem:$0x1DD00] =	vst v63  }
0x93: {  	_ =	swait.ge [sflag:s14], $0x1F40  }
0x94: {  	[sflag:s14] =	ssyncset.done $0x0  }
0x95: {  	[sflag:s14] =	ssyncadd.s32 $0xFFFFE0C0  }
0x96: {  	_ =	swait.ge [sflag:s29], $0x1F40  }
0x97: {  	[sflag:s29] =	ssyncset.done $0x0  }
0x98: {  	[sflag:s29] =	ssyncadd.s32 $0xFFFFE0C0  }
0x99: {  	[spmem:s2] =	stream.indirect.scatter.add.f32 [tilespmem:s23], [sflag:$0x5], $0x40, s1, s16, $0xb8;
	[tilespmem:$0x1DD00] =	vst v63  }
0x9a: {  	s22 =	stileid.u32;
	_ =	swait.ge [sflag:s14], $0x1F40  }
0x9b: {  	s30 =	sshrl.u32 s7, $0x3;
	s15 =	sadd.s32 $0x1, s15;
	[sflag:s14] =	ssyncset.done $0x0  }
0x9c: {  	p0 =	sne.s32 s15, s13;
	s18 =	sshll.u32 s22, $0x6;
	[sflag:s14] =	ssyncadd.s32 $0xFFFFE0C0  }
.Ltmp2:
0x9d: {  	s18 =	sor.u32 $0x1C05, s18;
	[bflag:$0x0] =	sbarrier.arrive $0xFFFF;
	(pc) =	sbr.rel @p0 .LBB2_1-.Ltmp2, $4  }
0x9e: {  	[hbm:s12], [sflag:s18] =	dma.local [spmem:s30], $0x1400  }
0x9f: {  	_ =	swait.ge [sflag:s14], $0x1400  }
0xa0: {  	[sflag:s14] =	ssyncset.done $0x0  }
0xa1: {  	[sflag:s14] =	ssyncadd.s32 $0xFFFFEC00  }
0xa2: {  	_ =	sfence.sel $0x180000  }
0xa3: {  	[bflag:$0x0] =	sbarrier.arrive $0xFFFF  }
0xa4: {  	_ =	strace $0x90000050  }
0xa5: {  	s0 =	stileid.u32;
	[bflag:$0x2] =	sbarrier.arrive $0xFFFF  }
0xa6: {  	p0 =	sne.s32 s0, $0x0;
	s0 =	rddreg [dreg:$0x2]  }
0xa7: {  	s0 =	sadd.s32 @!p0 $0x100000, s0  }
0xa8: {  	[sflag:s0] =	ssyncadd.tile.s32 @!p0 $0x1;
	_ =	shalt  }
.Lfunc_end2:
_tile_overlayer_lowered:
.L_overlay_start_2:
0xa9: {  	(tag) =	ssettag $0x2  }
0xaa: {  	s0 =	rddreg [dreg:$0x0];
	s2 =	stileid.u32  }
0xab: {  	s1 =	rddreg [dreg:$0x1];
	p0 =	sne.s32 s2, $0x0  }
0xac: {  	s3 =	rddreg [dreg:$0x2];
	[bflag:$0x3] =	sbarrier.arrive $0xFFFF;
	s2 =	simm.s32 @!p0 $0x1C05  }
0xad: {  	[timem:s3], [sflag:s2] =	dma.local @!p0 [hbm:s0], s1  }
0xae: {  	s0 =	simm.s32 @!p0 $0x5  }
0xaf: {  	_ =	swait.ge @!p0 [sflag:s0], s1  }
0xb0: {  	s1 =	ssub.s32 @!p0 $0x0, s1;
	[sflag:s0] =	ssyncset.done @!p0 $0x0  }
0xb1: {  	[sflag:s0] =	ssyncadd.s32 @!p0 s1  }
0xb2: {  	[bflag:$0x3] =	sbarrier.arrive $0xFFFF  }
0xb3: {  	_ =	shalt  }

</sc_bundles>
